<compile_context>
chip_gen: v7x
topology: tpu7x:2x2x1
jax: 0.10.2.dev20260603
libtpu: 0.0.44.dev20260713+nightly
codegen_flags: <defaults>
</compile_context>

<pallas_src>
import functools

import numpy as np

import jax
import jax.numpy as jnp
from jax import lax
from jax.experimental import pallas as pl
from jax.experimental.pallas import tpu as pltpu, tpu_sc as plsc

N_NODES = 10000
N_EDGES = 320000
G_FEAT = 128
G_EDGE = 16
EMB = 256

NC = 2
NS = 16
NW = NC * NS
LANES = 16

NODE_BLK = 1000
EDGE_BLK = 4000
PER_W = N_EDGES // NW
CHUNK = 40
N_CHUNKS = PER_W // CHUNK

_PERM = np.empty((EMB,), dtype=np.int32)
for _j in range(EMB // 32):
    for _k in range(16):
        _PERM[16 * _j + _k] = 32 * _j + _k
        _PERM[128 + 16 * _j + _k] = 32 * _j + 16 + _k


def _pack_rows(t):
    u = lax.bitcast_convert_type(t, jnp.uint32)
    r = (u + jnp.uint32(0x7FFF) + ((u >> 16) & jnp.uint32(1))) >> 16
    w = r[:, : EMB // 2] | (r[:, EMB // 2 :] << 16)
    return lax.bitcast_convert_type(w, jnp.int32)


def _node_body(x_ref, wf_ref, bf_ref, w1_ref, w2_ref, vf_ref, p1_ref, p2_ref):
    h = jnp.dot(x_ref[...], wf_ref[...], preferred_element_type=jnp.float32)
    h = jnp.maximum(h + bf_ref[...], 0.0)
    vf_ref[...] = h
    p1_ref[...] = _pack_rows(
        jnp.dot(h, w1_ref[...], preferred_element_type=jnp.float32))
    p2_ref[...] = _pack_rows(
        jnp.dot(h, w2_ref[...], preferred_element_type=jnp.float32))


def _node_embed(x, W_feat, b_feat, W1, W2):
    grid = (N_NODES // NODE_BLK,)
    shp = jax.ShapeDtypeStruct((N_NODES, EMB), jnp.float32)
    shpi = jax.ShapeDtypeStruct((N_NODES, EMB // 2), jnp.int32)
    return pl.pallas_call(
        _node_body,
        grid=grid,
        in_specs=[
            pl.BlockSpec((NODE_BLK, G_FEAT), lambda i: (i, 0)),
            pl.BlockSpec((G_FEAT, EMB), lambda i: (0, 0)),
            pl.BlockSpec((1, EMB), lambda i: (0, 0)),
            pl.BlockSpec((EMB, EMB), lambda i: (0, 0)),
            pl.BlockSpec((EMB, EMB), lambda i: (0, 0)),
        ],
        out_specs=[
            pl.BlockSpec((NODE_BLK, EMB), lambda i: (i, 0)),
            pl.BlockSpec((NODE_BLK, EMB // 2), lambda i: (i, 0)),
            pl.BlockSpec((NODE_BLK, EMB // 2), lambda i: (i, 0)),
        ],
        out_shape=[shp, shpi, shpi],
    )(x, W_feat, b_feat, W1, W2)


def _edge_body(e_ref, w3_ref, bm_ref, out_ref):
    e = jnp.maximum(e_ref[...], 0.0)
    out_ref[...] = _pack_rows(
        jnp.dot(e, w3_ref[...], preferred_element_type=jnp.float32) + bm_ref[...]
    )


def _edge_term(edge_attr, W3, b_msg):
    grid = (N_EDGES // EDGE_BLK,)
    return pl.pallas_call(
        _edge_body,
        grid=grid,
        in_specs=[
            pl.BlockSpec((EDGE_BLK, G_EDGE), lambda i: (i, 0)),
            pl.BlockSpec((G_EDGE, EMB), lambda i: (0, 0)),
            pl.BlockSpec((1, EMB), lambda i: (0, 0)),
        ],
        out_specs=pl.BlockSpec((EDGE_BLK, EMB // 2), lambda i: (i, 0)),
        out_shape=jax.ShapeDtypeStruct((N_EDGES, EMB // 2), jnp.int32),
    )(edge_attr, W3, b_msg)


def _combine_body(ewb_hbm, p1_hbm, p2_hbm, src_hbm, dst_hbm, out_hbm,
                  src_v, dst_v, ewb_v, g1_v, g2_v, out_v,
                  sem_in0, sem_in1, sem_out0, sem_out1):
    wid = lax.axis_index("s") * NC + lax.axis_index("c")
    base = wid * PER_W
    sem_in = (sem_in0, sem_in1)
    sem_out = (sem_out0, sem_out1)
    pltpu.sync_copy(src_hbm.at[pl.ds(base, PER_W)], src_v)
    pltpu.sync_copy(dst_hbm.at[pl.ds(base, PER_W)], dst_v)

    def in_copies(c, b):
        cb = base + c * CHUNK
        return (
            pltpu.make_async_copy(ewb_hbm.at[pl.ds(cb, CHUNK)],
                                  ewb_v.at[b], sem_in[b]),
            pltpu.make_async_copy(p1_hbm.at[src_v.at[pl.ds(c * CHUNK, CHUNK)]],
                                  g1_v.at[b], sem_in[b]),
            pltpu.make_async_copy(p2_hbm.at[dst_v.at[pl.ds(c * CHUNK, CHUNK)]],
                                  g2_v.at[b], sem_in[b]),
        )

    def out_copy(c, b):
        cb = base + c * CHUNK
        return pltpu.make_async_copy(out_v.at[b],
                                     out_hbm.at[pl.ds(cb, CHUNK)], sem_out[b])

    def issue_in(c, b):
        for cp in in_copies(c, b):
            cp.start()

    def wait_in(c, b):
        for cp in in_copies(c, b):
            cp.wait()

    issue_in(0, 0)

    def outer_body(i, carry):
        for b in (0, 1):
            c = 2 * i + b

            @pl.when(c + 1 < N_CHUNKS)
            def _():
                @pl.when(c >= 1)
                def _():
                    out_copy(c - 1, 1 - b).wait()

                issue_in(c + 1, 1 - b)

            wait_in(c, b)

            @plsc.parallel_loop(0, CHUNK, 1, unroll=2)
            def _(r):
                hi_mask = jnp.full((16,), -65536, dtype=jnp.int32)
                for j in range(EMB // 32):
                    s16 = pl.ds(16 * j, 16)
                    w1 = g1_v[b, r, s16]
                    w2 = g2_v[b, r, s16]
                    we = ewb_v[b, r, s16]
                    a1 = lax.bitcast_convert_type(w1 << 16, jnp.float32)
                    b1 = lax.bitcast_convert_type(w1 & hi_mask, jnp.float32)
                    a2 = lax.bitcast_convert_type(w2 << 16, jnp.float32)
                    b2 = lax.bitcast_convert_type(w2 & hi_mask, jnp.float32)
                    ae = lax.bitcast_convert_type(we << 16, jnp.float32)
                    be = lax.bitcast_convert_type(we & hi_mask, jnp.float32)
                    out_v[b, r, pl.ds(32 * j, LANES)] = a1 + a2 + ae
                    out_v[b, r, pl.ds(32 * j + 16, LANES)] = b1 + b2 + be

            out_copy(c, b).start()
        return carry

    lax.fori_loop(0, N_CHUNKS // 2, outer_body, 0)
    out_copy(N_CHUNKS - 2, 0).wait()
    out_copy(N_CHUNKS - 1, 1).wait()


_combine = functools.partial(
    pl.kernel,
    mesh=plsc.VectorSubcoreMesh(core_axis_name="c", subcore_axis_name="s"),
    out_type=jax.ShapeDtypeStruct((N_EDGES, EMB), jnp.float32),
    scratch_types=[
        pltpu.VMEM((PER_W,), jnp.int32),
        pltpu.VMEM((PER_W,), jnp.int32),
        pltpu.VMEM((2, CHUNK, EMB // 2), jnp.int32),
        pltpu.VMEM((2, CHUNK, EMB // 2), jnp.int32),
        pltpu.VMEM((2, CHUNK, EMB // 2), jnp.int32),
        pltpu.VMEM((2, CHUNK, EMB), jnp.float32),
        pltpu.SemaphoreType.DMA,
        pltpu.SemaphoreType.DMA,
        pltpu.SemaphoreType.DMA,
        pltpu.SemaphoreType.DMA,
    ],
)(_combine_body)


def kernel(x, edge_attr, W_feat, b_feat, W_msg, b_msg, edge_index):
    perm = jnp.asarray(_PERM)
    W1p = W_msg[:EMB][:, perm]
    W2p = W_msg[EMB:2 * EMB][:, perm]
    W3p = W_msg[2 * EMB:][:, perm]
    vf, p1i, p2i = _node_embed(x, W_feat, b_feat.reshape(1, EMB), W1p, W2p)
    ewb = _edge_term(edge_attr, W3p, b_msg[perm].reshape(1, EMB))
    msg_emb = _combine(ewb, p1i, p2i, edge_index[0], edge_index[1])
    return (vf, msg_emb)

# --- scband reference (transcript-rebuilt; emitter-appended) ---
"""Pipeline reference for scband-dime-net-embedding-695784702033 (READ-ONLY COPY).

The authoritative reference and input builder live on the scoring server;
editing this copy changes nothing except your own understanding.
"""

import jax, jax.numpy as jnp
import numpy as np

N_NODES = 10000
N_EDGES = 320000
G_FEAT = 128
G_EDGE = 16
EMB = 256


def setup_inputs(seed: int = 0) -> dict:
    key = jax.random.key(seed)
    ks = jax.random.split(key, 6)
    x = jax.random.normal(ks[0], (N_NODES, G_FEAT), dtype=jnp.float32)
    edge_index = jax.random.randint(ks[1], (2, N_EDGES), 0, N_NODES, dtype=jnp.int32)
    edge_attr = jax.random.normal(ks[2], (N_EDGES, G_EDGE), dtype=jnp.float32)
    # feat_emb_layer: Linear(g_feat_dim -> emb_dim)
    W_feat = jax.random.normal(ks[3], (G_FEAT, EMB), dtype=jnp.float32) * (1.0 / np.sqrt(G_FEAT))
    b_feat = jnp.zeros((EMB,), dtype=jnp.float32)
    # msg_emb_layer: Linear(2*emb_dim + g_edgeattr_dim -> emb_dim)
    W_msg = jax.random.normal(ks[4], (2 * EMB + G_EDGE, EMB), dtype=jnp.float32) * (1.0 / np.sqrt(2 * EMB + G_EDGE))
    b_msg = jnp.zeros((EMB,), dtype=jnp.float32)
    return {
        "x": x,
        "edge_attr": edge_attr,
        "W_feat": W_feat,
        "b_feat": b_feat,
        "W_msg": W_msg,
        "b_msg": b_msg,
        "edge_index": edge_index,
    }


def reference(x, edge_attr, W_feat, b_feat, W_msg, b_msg, edge_index):
    # vertex_feat = relu(dropout(Linear(x)))  -- eval mode: dropout is identity
    vertex_feat = jax.nn.relu(x @ W_feat + b_feat)
    # gather endpoint features per edge (index_select)
    msg_emb_u = jnp.take(vertex_feat, edge_index[0], axis=0)
    msg_emb_v = jnp.take(vertex_feat, edge_index[1], axis=0)
    msg = jax.nn.relu(jnp.concatenate((msg_emb_u, msg_emb_v, edge_attr), axis=-1))
    msg_emb = msg @ W_msg + b_msg
    return (vertex_feat, msg_emb)

if __name__ == "__main__":
    import jax
    _d = setup_inputs()
    print(jax.jit(kernel)(*tuple(_d.values())))

</pallas_src>

<mosaic_0001>
#map = affine_map<(d0, d1) -> (0, 0)>
#map1 = affine_map<(d0, d1) -> (0)>
module attributes {stable_mosaic.version = 14 : i64} {
  func.func @_combine_body(%arg0: i32, %arg1: i32, %arg2: memref<320000x128xi32, #tpu.memory_space<hbm>>, %arg3: memref<10000x128xi32, #tpu.memory_space<hbm>>, %arg4: memref<10000x128xi32, #tpu.memory_space<hbm>>, %arg5: memref<320000xi32, #tpu.memory_space<hbm>>, %arg6: memref<320000xi32, #tpu.memory_space<hbm>>, %arg7: memref<320000x256xf32, #tpu.memory_space<hbm>>, %arg8: memref<10000xi32, #tpu.memory_space<vmem>>, %arg9: memref<10000xi32, #tpu.memory_space<vmem>>, %arg10: memref<2x40x128xi32, #tpu.memory_space<vmem>>, %arg11: memref<2x40x128xi32, #tpu.memory_space<vmem>>, %arg12: memref<2x40x128xi32, #tpu.memory_space<vmem>>, %arg13: memref<2x40x256xf32, #tpu.memory_space<vmem>>, %arg14: memref<!tpu.dma_semaphore, #tpu.memory_space<semaphore_mem>>, %arg15: memref<!tpu.dma_semaphore, #tpu.memory_space<semaphore_mem>>, %arg16: memref<!tpu.dma_semaphore, #tpu.memory_space<semaphore_mem>>, %arg17: memref<!tpu.dma_semaphore, #tpu.memory_space<semaphore_mem>>) attributes {dimension_semantics = [#tpu.dimension_semantics<core_parallel>, #tpu.dimension_semantics<subcore_parallel>], iteration_bounds = array<i64: 2, 16>, scalar_prefetch = 0 : i64, scratch_operands = 10 : i64, tpu.core_type = #tpu.core_type<sc_vector_subcore>, window_params = [{transform_indices = #map}, {transform_indices = #map}, {transform_indices = #map}, {transform_indices = #map1}, {transform_indices = #map1}, {transform_indices = #map}]} {
    %mul3A = arith.constant 2 : i32
    %mul3A_0 = arith.muli %arg1, %mul3A : i32
    %add3A = arith.addi %mul3A_0, %arg0 : i32
    %mul3A_1 = arith.constant 10000 : i32
    %mul3A_2 = arith.muli %add3A, %mul3A_1 : i32
    "tpu.region"() ({
      %run_scoped3A = tpu.sem_alloc : memref<!tpu.dma_semaphore, #tpu.memory_space<semaphore_mem>>
      %dma_start3A_71 = tpu.memref_slice %arg5[%mul3A_2] : memref<320000xi32, #tpu.memory_space<hbm>> -> memref<10000xi32, #tpu.memory_space<hbm>>
      %dma_start3A_72 = tpu.memref_slice %arg5[%mul3A_2] : memref<320000xi32, #tpu.memory_space<hbm>> -> memref<10000xi32, #tpu.memory_space<hbm>>
      tpu.enqueue_dma source(%dma_start3A_72 : memref<10000xi32, #tpu.memory_space<hbm>>) target(%arg8 : memref<10000xi32, #tpu.memory_space<vmem>>) target_semaphore(%run_scoped3A : memref<!tpu.dma_semaphore, #tpu.memory_space<semaphore_mem>>)
      %dma_wait3A_73 = tpu.memref_slice %arg5[%mul3A_2] : memref<320000xi32, #tpu.memory_space<hbm>> -> memref<10000xi32, #tpu.memory_space<hbm>>
      %dma_wait3A_74 = tpu.memref_slice %arg5[%mul3A_2] : memref<320000xi32, #tpu.memory_space<hbm>> -> memref<10000xi32, #tpu.memory_space<hbm>>
      tpu.wait_dma2 semaphore(%run_scoped3A : memref<!tpu.dma_semaphore, #tpu.memory_space<semaphore_mem>>) src(%dma_wait3A_74 : memref<10000xi32, #tpu.memory_space<hbm>>) dst(%arg8 : memref<10000xi32, #tpu.memory_space<vmem>>)
      tpu.yield
    }) : () -> ()
    "tpu.region"() ({
      %run_scoped3A = tpu.sem_alloc : memref<!tpu.dma_semaphore, #tpu.memory_space<semaphore_mem>>
      %dma_start3A_71 = tpu.memref_slice %arg6[%mul3A_2] : memref<320000xi32, #tpu.memory_space<hbm>> -> memref<10000xi32, #tpu.memory_space<hbm>>
      %dma_start3A_72 = tpu.memref_slice %arg6[%mul3A_2] : memref<320000xi32, #tpu.memory_space<hbm>> -> memref<10000xi32, #tpu.memory_space<hbm>>
      tpu.enqueue_dma source(%dma_start3A_72 : memref<10000xi32, #tpu.memory_space<hbm>>) target(%arg9 : memref<10000xi32, #tpu.memory_space<vmem>>) target_semaphore(%run_scoped3A : memref<!tpu.dma_semaphore, #tpu.memory_space<semaphore_mem>>)
      %dma_wait3A_73 = tpu.memref_slice %arg6[%mul3A_2] : memref<320000xi32, #tpu.memory_space<hbm>> -> memref<10000xi32, #tpu.memory_space<hbm>>
      %dma_wait3A_74 = tpu.memref_slice %arg6[%mul3A_2] : memref<320000xi32, #tpu.memory_space<hbm>> -> memref<10000xi32, #tpu.memory_space<hbm>>
      tpu.wait_dma2 semaphore(%run_scoped3A : memref<!tpu.dma_semaphore, #tpu.memory_space<semaphore_mem>>) src(%dma_wait3A_74 : memref<10000xi32, #tpu.memory_space<hbm>>) dst(%arg9 : memref<10000xi32, #tpu.memory_space<vmem>>)
      tpu.yield
    }) : () -> ()
    %add3A_3 = arith.constant 0 : i32
    %add3A_4 = arith.addi %mul3A_2, %add3A_3 : i32
    %dma_start3A = arith.constant 0 : i32
    %dma_start3A_5 = arith.constant 0 : i32
    %dma_start3A_6 = arith.constant 0 : i32
    %dma_start3A_7 = tpu.memref_slice %arg10[%dma_start3A, %dma_start3A_5, %dma_start3A_6] : memref<2x40x128xi32, #tpu.memory_space<vmem>> -> memref<1x40x128xi32, #tpu.memory_space<vmem>>
    %dma_start3A_8 = tpu.memref_squeeze %dma_start3A_7 : memref<1x40x128xi32, #tpu.memory_space<vmem>> -> memref<40x128xi32, #tpu.memory_space<vmem>>
    %dma_start3A_9 = arith.constant 0 : i32
    %dma_start3A_10 = tpu.memref_slice %arg2[%add3A_4, %dma_start3A_9] : memref<320000x128xi32, #tpu.memory_space<hbm>> -> memref<40x128xi32, #tpu.memory_space<hbm>>
    %dma_start3A_11 = arith.constant 0 : i32
    %dma_start3A_12 = arith.constant 0 : i32
    %dma_start3A_13 = tpu.memref_slice %arg10[%dma_start3A, %dma_start3A_11, %dma_start3A_12] : memref<2x40x128xi32, #tpu.memory_space<vmem>> -> memref<1x40x128xi32, #tpu.memory_space<vmem>>
    %dma_start3A_14 = tpu.memref_squeeze %dma_start3A_13 : memref<1x40x128xi32, #tpu.memory_space<vmem>> -> memref<40x128xi32, #tpu.memory_space<vmem>>
    %dma_start3A_15 = arith.constant 0 : i32
    %dma_start3A_16 = tpu.memref_slice %arg2[%add3A_4, %dma_start3A_15] : memref<320000x128xi32, #tpu.memory_space<hbm>> -> memref<40x128xi32, #tpu.memory_space<hbm>>
    tpu.enqueue_dma source(%dma_start3A_16 : memref<40x128xi32, #tpu.memory_space<hbm>>) target(%dma_start3A_14 : memref<40x128xi32, #tpu.memory_space<vmem>>) target_semaphore(%arg14 : memref<!tpu.dma_semaphore, #tpu.memory_space<semaphore_mem>>)
    %dma_start3A_17 = arith.constant 0 : i32
    %dma_start3A_18 = arith.constant 0 : i32
    %dma_start3A_19 = arith.constant 0 : i32
    %dma_start3A_20 = tpu.memref_slice %arg11[%dma_start3A_17, %dma_start3A_18, %dma_start3A_19] : memref<2x40x128xi32, #tpu.memory_space<vmem>> -> memref<1x40x128xi32, #tpu.memory_space<vmem>>
    %dma_start3A_21 = tpu.memref_squeeze %dma_start3A_20 : memref<1x40x128xi32, #tpu.memory_space<vmem>> -> memref<40x128xi32, #tpu.memory_space<vmem>>
    %dma_start3A_22 = arith.constant 0 : i32
    %dma_start3A_23 = tpu.memref_slice %arg8[%dma_start3A_22] : memref<10000xi32, #tpu.memory_space<vmem>> -> memref<40xi32, #tpu.memory_space<vmem>>
    %dma_start3A_24 = arith.constant 0 : i32
    %dma_start3A_25 = arith.constant 0 : i32
    %dma_start3A_26 = tpu.memref_slice %arg3[%dma_start3A_24, %dma_start3A_25] : memref<10000x128xi32, #tpu.memory_space<hbm>> -> memref<10000x128xi32, #tpu.memory_space<hbm>>
    tpu.enqueue_indirect_dma source(%dma_start3A_26 : memref<10000x128xi32, #tpu.memory_space<hbm>>) target(%dma_start3A_21 : memref<40x128xi32, #tpu.memory_space<vmem>>) offsets(%dma_start3A_23 : memref<40xi32, #tpu.memory_space<vmem>>) semaphore(%arg14 : memref<!tpu.dma_semaphore, #tpu.memory_space<semaphore_mem>>)
    %dma_start3A_27 = arith.constant 0 : i32
    %dma_start3A_28 = arith.constant 0 : i32
    %dma_start3A_29 = arith.constant 0 : i32
    %dma_start3A_30 = tpu.memref_slice %arg12[%dma_start3A_27, %dma_start3A_28, %dma_start3A_29] : memref<2x40x128xi32, #tpu.memory_space<vmem>> -> memref<1x40x128xi32, #tpu.memory_space<vmem>>
    %dma_start3A_31 = tpu.memref_squeeze %dma_start3A_30 : memref<1x40x128xi32, #tpu.memory_space<vmem>> -> memref<40x128xi32, #tpu.memory_space<vmem>>
    %dma_start3A_32 = arith.constant 0 : i32
    %dma_start3A_33 = tpu.memref_slice %arg9[%dma_start3A_32] : memref<10000xi32, #tpu.memory_space<vmem>> -> memref<40xi32, #tpu.memory_space<vmem>>
    %dma_start3A_34 = arith.constant 0 : i32
    %dma_start3A_35 = arith.constant 0 : i32
    %dma_start3A_36 = tpu.memref_slice %arg4[%dma_start3A_34, %dma_start3A_35] : memref<10000x128xi32, #tpu.memory_space<hbm>> -> memref<10000x128xi32, #tpu.memory_space<hbm>>
    tpu.enqueue_indirect_dma source(%dma_start3A_36 : memref<10000x128xi32, #tpu.memory_space<hbm>>) target(%dma_start3A_31 : memref<40x128xi32, #tpu.memory_space<vmem>>) offsets(%dma_start3A_33 : memref<40xi32, #tpu.memory_space<vmem>>) semaphore(%arg14 : memref<!tpu.dma_semaphore, #tpu.memory_space<semaphore_mem>>)
    %scan3A = arith.constant 0 : i32
    %scan3A_37 = arith.constant 0 : i32
    %scan3A_38 = arith.constant 125 : i32
    %scan3A_39 = arith.addi %scan3A_37, %scan3A_38 : i32
    %scan3A_40 = arith.constant 1 : i32
    scf.for %scan3A_71 = %scan3A_37 to %scan3A_39 step %scan3A_40  : i32 {
      %mul3A_72 = arith.constant 2 : i32
      %mul3A_73 = arith.muli %mul3A_72, %scan3A_71 : i32
      %add3A_74 = arith.constant 0 : i32
      %add3A_75 = arith.addi %mul3A_73, %add3A_74 : i32
      %add3A_76 = arith.constant 1 : i32
      %add3A_77 = arith.addi %add3A_75, %add3A_76 : i32
      %lt3A = arith.constant 250 : i32
      %lt3A_78 = arith.cmpi slt, %add3A_77, %lt3A : i32
      %convert_element_type3A = arith.extui %lt3A_78 : i1 to i32
      %cond3A = arith.constant 0 : i32
      %cond3A_79 = arith.cmpi ne, %convert_element_type3A, %cond3A : i32
      scf.if %cond3A_79 {
        %ge3A = arith.constant 1 : i32
        %ge3A_204 = arith.cmpi sge, %add3A_75, %ge3A : i32
        %convert_element_type3A_205 = arith.extui %ge3A_204 : i1 to i32
        %cond3A_206 = arith.constant 0 : i32
        %cond3A_207 = arith.cmpi ne, %convert_element_type3A_205, %cond3A_206 : i32
        scf.if %cond3A_207 {
          %sub3A = arith.constant 1 : i32
          %sub3A_248 = arith.subi %add3A_75, %sub3A : i32
          %mul3A_249 = arith.constant 40 : i32
          %mul3A_250 = arith.muli %sub3A_248, %mul3A_249 : i32
          %add3A_251 = arith.addi %mul3A_2, %mul3A_250 : i32
          %dma_wait3A_252 = arith.constant 1 : i32
          %dma_wait3A_253 = arith.constant 0 : i32
          %dma_wait3A_254 = arith.constant 0 : i32
          %dma_wait3A_255 = tpu.memref_slice %arg13[%dma_wait3A_252, %dma_wait3A_253, %dma_wait3A_254] : memref<2x40x256xf32, #tpu.memory_space<vmem>> -> memref<1x40x256xf32, #tpu.memory_space<vmem>>
          %dma_wait3A_256 = tpu.memref_squeeze %dma_wait3A_255 : memref<1x40x256xf32, #tpu.memory_space<vmem>> -> memref<40x256xf32, #tpu.memory_space<vmem>>
          %dma_wait3A_257 = arith.constant 0 : i32
          %dma_wait3A_258 = tpu.memref_slice %arg7[%add3A_251, %dma_wait3A_257] : memref<320000x256xf32, #tpu.memory_space<hbm>> -> memref<40x256xf32, #tpu.memory_space<hbm>>
          %dma_wait3A_259 = arith.constant 0 : i32
          %dma_wait3A_260 = tpu.memref_slice %arg7[%add3A_251, %dma_wait3A_259] : memref<320000x256xf32, #tpu.memory_space<hbm>> -> memref<40x256xf32, #tpu.memory_space<hbm>>
          %dma_wait3A_261 = arith.constant 0 : i32
          %dma_wait3A_262 = arith.constant 0 : i32
          %dma_wait3A_263 = tpu.memref_slice %arg13[%dma_wait3A_252, %dma_wait3A_261, %dma_wait3A_262] : memref<2x40x256xf32, #tpu.memory_space<vmem>> -> memref<1x40x256xf32, #tpu.memory_space<vmem>>
          %dma_wait3A_264 = tpu.memref_squeeze %dma_wait3A_263 : memref<1x40x256xf32, #tpu.memory_space<vmem>> -> memref<40x256xf32, #tpu.memory_space<vmem>>
          tpu.wait_dma2 semaphore(%arg17 : memref<!tpu.dma_semaphore, #tpu.memory_space<semaphore_mem>>) src(%dma_wait3A_264 : memref<40x256xf32, #tpu.memory_space<vmem>>) dst(%dma_wait3A_260 : memref<40x256xf32, #tpu.memory_space<hbm>>)
        } else {
        }
        %add3A_208 = arith.constant 1 : i32
        %add3A_209 = arith.addi %add3A_75, %add3A_208 : i32
        %mul3A_210 = arith.constant 40 : i32
        %mul3A_211 = arith.muli %add3A_209, %mul3A_210 : i32
        %add3A_212 = arith.addi %mul3A_2, %mul3A_211 : i32
        %mul3A_213 = arith.constant 40 : i32
        %mul3A_214 = arith.muli %add3A_209, %mul3A_213 : i32
        %mul3A_215 = arith.constant 40 : i32
        %mul3A_216 = arith.muli %add3A_209, %mul3A_215 : i32
        %dma_start3A_217 = arith.constant 1 : i32
        %dma_start3A_218 = arith.constant 0 : i32
        %dma_start3A_219 = arith.constant 0 : i32
        %dma_start3A_220 = tpu.memref_slice %arg10[%dma_start3A_217, %dma_start3A_218, %dma_start3A_219] : memref<2x40x128xi32, #tpu.memory_space<vmem>> -> memref<1x40x128xi32, #tpu.memory_space<vmem>>
        %dma_start3A_221 = tpu.memref_squeeze %dma_start3A_220 : memref<1x40x128xi32, #tpu.memory_space<vmem>> -> memref<40x128xi32, #tpu.memory_space<vmem>>
        %dma_start3A_222 = arith.constant 0 : i32
        %dma_start3A_223 = tpu.memref_slice %arg2[%add3A_212, %dma_start3A_222] : memref<320000x128xi32, #tpu.memory_space<hbm>> -> memref<40x128xi32, #tpu.memory_space<hbm>>
        %dma_start3A_224 = arith.constant 0 : i32
        %dma_start3A_225 = arith.constant 0 : i32
        %dma_start3A_226 = tpu.memref_slice %arg10[%dma_start3A_217, %dma_start3A_224, %dma_start3A_225] : memref<2x40x128xi32, #tpu.memory_space<vmem>> -> memref<1x40x128xi32, #tpu.memory_space<vmem>>
        %dma_start3A_227 = tpu.memref_squeeze %dma_start3A_226 : memref<1x40x128xi32, #tpu.memory_space<vmem>> -> memref<40x128xi32, #tpu.memory_space<vmem>>
        %dma_start3A_228 = arith.constant 0 : i32
        %dma_start3A_229 = tpu.memref_slice %arg2[%add3A_212, %dma_start3A_228] : memref<320000x128xi32, #tpu.memory_space<hbm>> -> memref<40x128xi32, #tpu.memory_space<hbm>>
        tpu.enqueue_dma source(%dma_start3A_229 : memref<40x128xi32, #tpu.memory_space<hbm>>) target(%dma_start3A_227 : memref<40x128xi32, #tpu.memory_space<vmem>>) target_semaphore(%arg15 : memref<!tpu.dma_semaphore, #tpu.memory_space<semaphore_mem>>)
        %dma_start3A_230 = arith.constant 1 : i32
        %dma_start3A_231 = arith.constant 0 : i32
        %dma_start3A_232 = arith.constant 0 : i32
        %dma_start3A_233 = tpu.memref_slice %arg11[%dma_start3A_230, %dma_start3A_231, %dma_start3A_232] : memref<2x40x128xi32, #tpu.memory_space<vmem>> -> memref<1x40x128xi32, #tpu.memory_space<vmem>>
        %dma_start3A_234 = tpu.memref_squeeze %dma_start3A_233 : memref<1x40x128xi32, #tpu.memory_space<vmem>> -> memref<40x128xi32, #tpu.memory_space<vmem>>
        %dma_start3A_235 = tpu.memref_slice %arg8[%mul3A_214] : memref<10000xi32, #tpu.memory_space<vmem>> -> memref<40xi32, #tpu.memory_space<vmem>>
        %dma_start3A_236 = arith.constant 0 : i32
        %dma_start3A_237 = arith.constant 0 : i32
        %dma_start3A_238 = tpu.memref_slice %arg3[%dma_start3A_236, %dma_start3A_237] : memref<10000x128xi32, #tpu.memory_space<hbm>> -> memref<10000x128xi32, #tpu.memory_space<hbm>>
        tpu.enqueue_indirect_dma source(%dma_start3A_238 : memref<10000x128xi32, #tpu.memory_space<hbm>>) target(%dma_start3A_234 : memref<40x128xi32, #tpu.memory_space<vmem>>) offsets(%dma_start3A_235 : memref<40xi32, #tpu.memory_space<vmem>>) semaphore(%arg15 : memref<!tpu.dma_semaphore, #tpu.memory_space<semaphore_mem>>)
        %dma_start3A_239 = arith.constant 1 : i32
        %dma_start3A_240 = arith.constant 0 : i32
        %dma_start3A_241 = arith.constant 0 : i32
        %dma_start3A_242 = tpu.memref_slice %arg12[%dma_start3A_239, %dma_start3A_240, %dma_start3A_241] : memref<2x40x128xi32, #tpu.memory_space<vmem>> -> memref<1x40x128xi32, #tpu.memory_space<vmem>>
        %dma_start3A_243 = tpu.memref_squeeze %dma_start3A_242 : memref<1x40x128xi32, #tpu.memory_space<vmem>> -> memref<40x128xi32, #tpu.memory_space<vmem>>
        %dma_start3A_244 = tpu.memref_slice %arg9[%mul3A_216] : memref<10000xi32, #tpu.memory_space<vmem>> -> memref<40xi32, #tpu.memory_space<vmem>>
        %dma_start3A_245 = arith.constant 0 : i32
        %dma_start3A_246 = arith.constant 0 : i32
        %dma_start3A_247 = tpu.memref_slice %arg4[%dma_start3A_245, %dma_start3A_246] : memref<10000x128xi32, #tpu.memory_space<hbm>> -> memref<10000x128xi32, #tpu.memory_space<hbm>>
        tpu.enqueue_indirect_dma source(%dma_start3A_247 : memref<10000x128xi32, #tpu.memory_space<hbm>>) target(%dma_start3A_243 : memref<40x128xi32, #tpu.memory_space<vmem>>) offsets(%dma_start3A_244 : memref<40xi32, #tpu.memory_space<vmem>>) semaphore(%arg15 : memref<!tpu.dma_semaphore, #tpu.memory_space<semaphore_mem>>)
      } else {
      }
      %mul3A_80 = arith.constant 40 : i32
      %mul3A_81 = arith.muli %add3A_75, %mul3A_80 : i32
      %add3A_82 = arith.addi %mul3A_2, %mul3A_81 : i32
      %mul3A_83 = arith.constant 40 : i32
      %mul3A_84 = arith.muli %add3A_75, %mul3A_83 : i32
      %mul3A_85 = arith.constant 40 : i32
      %mul3A_86 = arith.muli %add3A_75, %mul3A_85 : i32
      %dma_wait3A_87 = arith.constant 0 : i32
      %dma_wait3A_88 = arith.constant 0 : i32
      %dma_wait3A_89 = arith.constant 0 : i32
      %dma_wait3A_90 = tpu.memref_slice %arg10[%dma_wait3A_87, %dma_wait3A_88, %dma_wait3A_89] : memref<2x40x128xi32, #tpu.memory_space<vmem>> -> memref<1x40x128xi32, #tpu.memory_space<vmem>>
      %dma_wait3A_91 = tpu.memref_squeeze %dma_wait3A_90 : memref<1x40x128xi32, #tpu.memory_space<vmem>> -> memref<40x128xi32, #tpu.memory_space<vmem>>
      %dma_wait3A_92 = arith.constant 0 : i32
      %dma_wait3A_93 = tpu.memref_slice %arg2[%add3A_82, %dma_wait3A_92] : memref<320000x128xi32, #tpu.memory_space<hbm>> -> memref<40x128xi32, #tpu.memory_space<hbm>>
      %dma_wait3A_94 = arith.constant 0 : i32
      %dma_wait3A_95 = arith.constant 0 : i32
      %dma_wait3A_96 = tpu.memref_slice %arg10[%dma_wait3A_87, %dma_wait3A_94, %dma_wait3A_95] : memref<2x40x128xi32, #tpu.memory_space<vmem>> -> memref<1x40x128xi32, #tpu.memory_space<vmem>>
      %dma_wait3A_97 = tpu.memref_squeeze %dma_wait3A_96 : memref<1x40x128xi32, #tpu.memory_space<vmem>> -> memref<40x128xi32, #tpu.memory_space<vmem>>
      %dma_wait3A_98 = arith.constant 0 : i32
      %dma_wait3A_99 = tpu.memref_slice %arg2[%add3A_82, %dma_wait3A_98] : memref<320000x128xi32, #tpu.memory_space<hbm>> -> memref<40x128xi32, #tpu.memory_space<hbm>>
      tpu.wait_dma2 semaphore(%arg14 : memref<!tpu.dma_semaphore, #tpu.memory_space<semaphore_mem>>) src(%dma_wait3A_99 : memref<40x128xi32, #tpu.memory_space<hbm>>) dst(%dma_wait3A_97 : memref<40x128xi32, #tpu.memory_space<vmem>>)
      %dma_wait3A_100 = arith.constant 0 : i32
      %dma_wait3A_101 = arith.constant 0 : i32
      %dma_wait3A_102 = arith.constant 0 : i32
      %dma_wait3A_103 = tpu.memref_slice %arg11[%dma_wait3A_100, %dma_wait3A_101, %dma_wait3A_102] : memref<2x40x128xi32, #tpu.memory_space<vmem>> -> memref<1x40x128xi32, #tpu.memory_space<vmem>>
      %dma_wait3A_104 = tpu.memref_squeeze %dma_wait3A_103 : memref<1x40x128xi32, #tpu.memory_space<vmem>> -> memref<40x128xi32, #tpu.memory_space<vmem>>
      %dma_wait3A_105 = tpu.memref_slice %arg8[%mul3A_84] : memref<10000xi32, #tpu.memory_space<vmem>> -> memref<40xi32, #tpu.memory_space<vmem>>
      %dma_wait3A_106 = arith.constant 0 : i32
      %dma_wait3A_107 = arith.constant 0 : i32
      %dma_wait3A_108 = tpu.memref_slice %arg3[%dma_wait3A_106, %dma_wait3A_107] : memref<10000x128xi32, #tpu.memory_space<hbm>> -> memref<10000x128xi32, #tpu.memory_space<hbm>>
      tpu.wait_indirect_dma semaphore(%arg14 : memref<!tpu.dma_semaphore, #tpu.memory_space<semaphore_mem>>) src(%dma_wait3A_108 : memref<10000x128xi32, #tpu.memory_space<hbm>>) dst(%dma_wait3A_104 : memref<40x128xi32, #tpu.memory_space<vmem>>)
      %dma_wait3A_109 = arith.constant 0 : i32
      %dma_wait3A_110 = arith.constant 0 : i32
      %dma_wait3A_111 = arith.constant 0 : i32
      %dma_wait3A_112 = tpu.memref_slice %arg12[%dma_wait3A_109, %dma_wait3A_110, %dma_wait3A_111] : memref<2x40x128xi32, #tpu.memory_space<vmem>> -> memref<1x40x128xi32, #tpu.memory_space<vmem>>
      %dma_wait3A_113 = tpu.memref_squeeze %dma_wait3A_112 : memref<1x40x128xi32, #tpu.memory_space<vmem>> -> memref<40x128xi32, #tpu.memory_space<vmem>>
      %dma_wait3A_114 = tpu.memref_slice %arg9[%mul3A_86] : memref<10000xi32, #tpu.memory_space<vmem>> -> memref<40xi32, #tpu.memory_space<vmem>>
      %dma_wait3A_115 = arith.constant 0 : i32
      %dma_wait3A_116 = arith.constant 0 : i32
      %dma_wait3A_117 = tpu.memref_slice %arg4[%dma_wait3A_115, %dma_wait3A_116] : memref<10000x128xi32, #tpu.memory_space<hbm>> -> memref<10000x128xi32, #tpu.memory_space<hbm>>
      tpu.wait_indirect_dma semaphore(%arg14 : memref<!tpu.dma_semaphore, #tpu.memory_space<semaphore_mem>>) src(%dma_wait3A_117 : memref<10000x128xi32, #tpu.memory_space<hbm>>) dst(%dma_wait3A_113 : memref<40x128xi32, #tpu.memory_space<vmem>>)
      %parallel_loop3A = arith.constant 0 : i32
      %parallel_loop3A_118 = arith.constant 40 : i32
      %parallel_loop3A_119 = arith.constant 1 : i32
      scf.for %parallel_loop3A_204 = %parallel_loop3A to %parallel_loop3A_118 step %parallel_loop3A_119  : i32 {
        %parallel_loop3A_205 = arith.constant -65536 : i32
        %parallel_loop3A_206 = vector.broadcast %parallel_loop3A_205 : i32 to vector<16xi32>
        %parallel_loop3A_207 = arith.constant 0 : i32
        %parallel_loop3A_208 = arith.index_cast %parallel_loop3A_207 : i32 to index
        %parallel_loop3A_209 = arith.index_cast %parallel_loop3A_204 : i32 to index
        %parallel_loop3A_210 = arith.constant 0 : index
        %parallel_loop3A_211 = tpu.vector_load %arg11[%parallel_loop3A_208, %parallel_loop3A_209, %parallel_loop3A_210] {strides = array<i32>} : memref<2x40x128xi32, #tpu.memory_space<vmem>>, vector<1x1x16xi32>,
        %parallel_loop3A_212 = vector.shape_cast %parallel_loop3A_211 : vector<1x1x16xi32> to vector<16xi32>
        %parallel_loop3A_213 = arith.constant 0 : i32
        %parallel_loop3A_214 = arith.index_cast %parallel_loop3A_213 : i32 to index
        %parallel_loop3A_215 = arith.index_cast %parallel_loop3A_204 : i32 to index
        %parallel_loop3A_216 = arith.constant 0 : index
        %parallel_loop3A_217 = tpu.vector_load %arg12[%parallel_loop3A_214, %parallel_loop3A_215, %parallel_loop3A_216] {strides = array<i32>} : memref<2x40x128xi32, #tpu.memory_space<vmem>>, vector<1x1x16xi32>,
        %parallel_loop3A_218 = vector.shape_cast %parallel_loop3A_217 : vector<1x1x16xi32> to vector<16xi32>
        %parallel_loop3A_219 = arith.constant 0 : i32
        %parallel_loop3A_220 = arith.index_cast %parallel_loop3A_219 : i32 to index
        %parallel_loop3A_221 = arith.index_cast %parallel_loop3A_204 : i32 to index
        %parallel_loop3A_222 = arith.constant 0 : index
        %parallel_loop3A_223 = tpu.vector_load %arg10[%parallel_loop3A_220, %parallel_loop3A_221, %parallel_loop3A_222] {strides = array<i32>} : memref<2x40x128xi32, #tpu.memory_space<vmem>>, vector<1x1x16xi32>,
        %parallel_loop3A_224 = vector.shape_cast %parallel_loop3A_223 : vector<1x1x16xi32> to vector<16xi32>
        %parallel_loop3A_225 = arith.constant 16 : i32
        %parallel_loop3A_226 = vector.broadcast %parallel_loop3A_225 : i32 to vector<16xi32>
        %parallel_loop3A_227 = arith.shli %parallel_loop3A_212, %parallel_loop3A_226 : vector<16xi32>
        %parallel_loop3A_228 = tpu.bitcast %parallel_loop3A_227 : vector<16xi32> -> vector<16xf32>
        %parallel_loop3A_229 = arith.andi %parallel_loop3A_212, %parallel_loop3A_206 : vector<16xi32>
        %parallel_loop3A_230 = tpu.bitcast %parallel_loop3A_229 : vector<16xi32> -> vector<16xf32>
        %parallel_loop3A_231 = arith.constant 16 : i32
        %parallel_loop3A_232 = vector.broadcast %parallel_loop3A_231 : i32 to vector<16xi32>
        %parallel_loop3A_233 = arith.shli %parallel_loop3A_218, %parallel_loop3A_232 : vector<16xi32>
        %parallel_loop3A_234 = tpu.bitcast %parallel_loop3A_233 : vector<16xi32> -> vector<16xf32>
        %parallel_loop3A_235 = arith.andi %parallel_loop3A_218, %parallel_loop3A_206 : vector<16xi32>
        %parallel_loop3A_236 = tpu.bitcast %parallel_loop3A_235 : vector<16xi32> -> vector<16xf32>
        %parallel_loop3A_237 = arith.constant 16 : i32
        %parallel_loop3A_238 = vector.broadcast %parallel_loop3A_237 : i32 to vector<16xi32>
        %parallel_loop3A_239 = arith.shli %parallel_loop3A_224, %parallel_loop3A_238 : vector<16xi32>
        %parallel_loop3A_240 = tpu.bitcast %parallel_loop3A_239 : vector<16xi32> -> vector<16xf32>
        %parallel_loop3A_241 = arith.andi %parallel_loop3A_224, %parallel_loop3A_206 : vector<16xi32>
        %parallel_loop3A_242 = tpu.bitcast %parallel_loop3A_241 : vector<16xi32> -> vector<16xf32>
        %parallel_loop3A_243 = arith.addf %parallel_loop3A_228, %parallel_loop3A_234 : vector<16xf32>
        %parallel_loop3A_244 = arith.addf %parallel_loop3A_243, %parallel_loop3A_240 : vector<16xf32>
        %parallel_loop3A_245 = arith.constant 0 : i32
        %parallel_loop3A_246 = arith.index_cast %parallel_loop3A_245 : i32 to index
        %parallel_loop3A_247 = arith.index_cast %parallel_loop3A_204 : i32 to index
        %parallel_loop3A_248 = arith.constant 0 : index
        %parallel_loop3A_249 = tpu.vector_load %arg13[%parallel_loop3A_246, %parallel_loop3A_247, %parallel_loop3A_248] {strides = array<i32>} : memref<2x40x256xf32, #tpu.memory_space<vmem>>, vector<1x1x16xf32>,
        %parallel_loop3A_250 = vector.shape_cast %parallel_loop3A_249 : vector<1x1x16xf32> to vector<16xf32>
        %parallel_loop3A_251 = vector.shape_cast %parallel_loop3A_244 : vector<16xf32> to vector<1x1x16xf32>
        tpu.vector_store %arg13[%parallel_loop3A_246, %parallel_loop3A_247, %parallel_loop3A_248], %parallel_loop3A_251 {strides = array<i32>} : memref<2x40x256xf32, #tpu.memory_space<vmem>>, vector<1x1x16xf32>,
        %parallel_loop3A_252 = arith.addf %parallel_loop3A_230, %parallel_loop3A_236 : vector<16xf32>
        %parallel_loop3A_253 = arith.addf %parallel_loop3A_252, %parallel_loop3A_242 : vector<16xf32>
        %parallel_loop3A_254 = arith.constant 0 : i32
        %parallel_loop3A_255 = arith.index_cast %parallel_loop3A_254 : i32 to index
        %parallel_loop3A_256 = arith.index_cast %parallel_loop3A_204 : i32 to index
        %parallel_loop3A_257 = arith.constant 16 : index
        %parallel_loop3A_258 = tpu.vector_load %arg13[%parallel_loop3A_255, %parallel_loop3A_256, %parallel_loop3A_257] {strides = array<i32>} : memref<2x40x256xf32, #tpu.memory_space<vmem>>, vector<1x1x16xf32>,
        %parallel_loop3A_259 = vector.shape_cast %parallel_loop3A_258 : vector<1x1x16xf32> to vector<16xf32>
        %parallel_loop3A_260 = vector.shape_cast %parallel_loop3A_253 : vector<16xf32> to vector<1x1x16xf32>
        tpu.vector_store %arg13[%parallel_loop3A_255, %parallel_loop3A_256, %parallel_loop3A_257], %parallel_loop3A_260 {strides = array<i32>} : memref<2x40x256xf32, #tpu.memory_space<vmem>>, vector<1x1x16xf32>,
        %parallel_loop3A_261 = arith.constant 0 : i32
        %parallel_loop3A_262 = arith.index_cast %parallel_loop3A_261 : i32 to index
        %parallel_loop3A_263 = arith.index_cast %parallel_loop3A_204 : i32 to index
        %parallel_loop3A_264 = arith.constant 16 : index
        %parallel_loop3A_265 = tpu.vector_load %arg11[%parallel_loop3A_262, %parallel_loop3A_263, %parallel_loop3A_264] {strides = array<i32>} : memref<2x40x128xi32, #tpu.memory_space<vmem>>, vector<1x1x16xi32>,
        %parallel_loop3A_266 = vector.shape_cast %parallel_loop3A_265 : vector<1x1x16xi32> to vector<16xi32>
        %parallel_loop3A_267 = arith.constant 0 : i32
        %parallel_loop3A_268 = arith.index_cast %parallel_loop3A_267 : i32 to index
        %parallel_loop3A_269 = arith.index_cast %parallel_loop3A_204 : i32 to index
        %parallel_loop3A_270 = arith.constant 16 : index
        %parallel_loop3A_271 = tpu.vector_load %arg12[%parallel_loop3A_268, %parallel_loop3A_269, %parallel_loop3A_270] {strides = array<i32>} : memref<2x40x128xi32, #tpu.memory_space<vmem>>, vector<1x1x16xi32>,
        %parallel_loop3A_272 = vector.shape_cast %parallel_loop3A_271 : vector<1x1x16xi32> to vector<16xi32>
        %parallel_loop3A_273 = arith.constant 0 : i32
        %parallel_loop3A_274 = arith.index_cast %parallel_loop3A_273 : i32 to index
        %parallel_loop3A_275 = arith.index_cast %parallel_loop3A_204 : i32 to index
        %parallel_loop3A_276 = arith.constant 16 : index
        %parallel_loop3A_277 = tpu.vector_load %arg10[%parallel_loop3A_274, %parallel_loop3A_275, %parallel_loop3A_276] {strides = array<i32>} : memref<2x40x128xi32, #tpu.memory_space<vmem>>, vector<1x1x16xi32>,
        %parallel_loop3A_278 = vector.shape_cast %parallel_loop3A_277 : vector<1x1x16xi32> to vector<16xi32>
        %parallel_loop3A_279 = arith.constant 16 : i32
        %parallel_loop3A_280 = vector.broadcast %parallel_loop3A_279 : i32 to vector<16xi32>
        %parallel_loop3A_281 = arith.shli %parallel_loop3A_266, %parallel_loop3A_280 : vector<16xi32>
        %parallel_loop3A_282 = tpu.bitcast %parallel_loop3A_281 : vector<16xi32> -> vector<16xf32>
        %parallel_loop3A_283 = arith.andi %parallel_loop3A_266, %parallel_loop3A_206 : vector<16xi32>
        %parallel_loop3A_284 = tpu.bitcast %parallel_loop3A_283 : vector<16xi32> -> vector<16xf32>
        %parallel_loop3A_285 = arith.constant 16 : i32
        %parallel_loop3A_286 = vector.broadcast %parallel_loop3A_285 : i32 to vector<16xi32>
        %parallel_loop3A_287 = arith.shli %parallel_loop3A_272, %parallel_loop3A_286 : vector<16xi32>
        %parallel_loop3A_288 = tpu.bitcast %parallel_loop3A_287 : vector<16xi32> -> vector<16xf32>
        %parallel_loop3A_289 = arith.andi %parallel_loop3A_272, %parallel_loop3A_206 : vector<16xi32>
        %parallel_loop3A_290 = tpu.bitcast %parallel_loop3A_289 : vector<16xi32> -> vector<16xf32>
        %parallel_loop3A_291 = arith.constant 16 : i32
        %parallel_loop3A_292 = vector.broadcast %parallel_loop3A_291 : i32 to vector<16xi32>
        %parallel_loop3A_293 = arith.shli %parallel_loop3A_278, %parallel_loop3A_292 : vector<16xi32>
        %parallel_loop3A_294 = tpu.bitcast %parallel_loop3A_293 : vector<16xi32> -> vector<16xf32>
        %parallel_loop3A_295 = arith.andi %parallel_loop3A_278, %parallel_loop3A_206 : vector<16xi32>
        %parallel_loop3A_296 = tpu.bitcast %parallel_loop3A_295 : vector<16xi32> -> vector<16xf32>
        %parallel_loop3A_297 = arith.addf %parallel_loop3A_282, %parallel_loop3A_288 : vector<16xf32>
        %parallel_loop3A_298 = arith.addf %parallel_loop3A_297, %parallel_loop3A_294 : vector<16xf32>
        %parallel_loop3A_299 = arith.constant 0 : i32
        %parallel_loop3A_300 = arith.index_cast %parallel_loop3A_299 : i32 to index
        %parallel_loop3A_301 = arith.index_cast %parallel_loop3A_204 : i32 to index
        %parallel_loop3A_302 = arith.constant 32 : index
        %parallel_loop3A_303 = tpu.vector_load %arg13[%parallel_loop3A_300, %parallel_loop3A_301, %parallel_loop3A_302] {strides = array<i32>} : memref<2x40x256xf32, #tpu.memory_space<vmem>>, vector<1x1x16xf32>,
        %parallel_loop3A_304 = vector.shape_cast %parallel_loop3A_303 : vector<1x1x16xf32> to vector<16xf32>
        %parallel_loop3A_305 = vector.shape_cast %parallel_loop3A_298 : vector<16xf32> to vector<1x1x16xf32>
        tpu.vector_store %arg13[%parallel_loop3A_300, %parallel_loop3A_301, %parallel_loop3A_302], %parallel_loop3A_305 {strides = array<i32>} : memref<2x40x256xf32, #tpu.memory_space<vmem>>, vector<1x1x16xf32>,
        %parallel_loop3A_306 = arith.addf %parallel_loop3A_284, %parallel_loop3A_290 : vector<16xf32>
        %parallel_loop3A_307 = arith.addf %parallel_loop3A_306, %parallel_loop3A_296 : vector<16xf32>
        %parallel_loop3A_308 = arith.constant 0 : i32
        %parallel_loop3A_309 = arith.index_cast %parallel_loop3A_308 : i32 to index
        %parallel_loop3A_310 = arith.index_cast %parallel_loop3A_204 : i32 to index
        %parallel_loop3A_311 = arith.constant 48 : index
        %parallel_loop3A_312 = tpu.vector_load %arg13[%parallel_loop3A_309, %parallel_loop3A_310, %parallel_loop3A_311] {strides = array<i32>} : memref<2x40x256xf32, #tpu.memory_space<vmem>>, vector<1x1x16xf32>,
        %parallel_loop3A_313 = vector.shape_cast %parallel_loop3A_312 : vector<1x1x16xf32> to vector<16xf32>
        %parallel_loop3A_314 = vector.shape_cast %parallel_loop3A_307 : vector<16xf32> to vector<1x1x16xf32>
        tpu.vector_store %arg13[%parallel_loop3A_309, %parallel_loop3A_310, %parallel_loop3A_311], %parallel_loop3A_314 {strides = array<i32>} : memref<2x40x256xf32, #tpu.memory_space<vmem>>, vector<1x1x16xf32>,
        %parallel_loop3A_315 = arith.constant 0 : i32
        %parallel_loop3A_316 = arith.index_cast %parallel_loop3A_315 : i32 to index
        %parallel_loop3A_317 = arith.index_cast %parallel_loop3A_204 : i32 to index
        %parallel_loop3A_318 = arith.constant 32 : index
        %parallel_loop3A_319 = tpu.vector_load %arg11[%parallel_loop3A_316, %parallel_loop3A_317, %parallel_loop3A_318] {strides = array<i32>} : memref<2x40x128xi32, #tpu.memory_space<vmem>>, vector<1x1x16xi32>,
        %parallel_loop3A_320 = vector.shape_cast %parallel_loop3A_319 : vector<1x1x16xi32> to vector<16xi32>
        %parallel_loop3A_321 = arith.constant 0 : i32
        %parallel_loop3A_322 = arith.index_cast %parallel_loop3A_321 : i32 to index
        %parallel_loop3A_323 = arith.index_cast %parallel_loop3A_204 : i32 to index
        %parallel_loop3A_324 = arith.constant 32 : index
        %parallel_loop3A_325 = tpu.vector_load %arg12[%parallel_loop3A_322, %parallel_loop3A_323, %parallel_loop3A_324] {strides = array<i32>} : memref<2x40x128xi32, #tpu.memory_space<vmem>>, vector<1x1x16xi32>,
        %parallel_loop3A_326 = vector.shape_cast %parallel_loop3A_325 : vector<1x1x16xi32> to vector<16xi32>
        %parallel_loop3A_327 = arith.constant 0 : i32
        %parallel_loop3A_328 = arith.index_cast %parallel_loop3A_327 : i32 to index
        %parallel_loop3A_329 = arith.index_cast %parallel_loop3A_204 : i32 to index
        %parallel_loop3A_330 = arith.constant 32 : index
        %parallel_loop3A_331 = tpu.vector_load %arg10[%parallel_loop3A_328, %parallel_loop3A_329, %parallel_loop3A_330] {strides = array<i32>} : memref<2x40x128xi32, #tpu.memory_space<vmem>>, vector<1x1x16xi32>,
        %parallel_loop3A_332 = vector.shape_cast %parallel_loop3A_331 : vector<1x1x16xi32> to vector<16xi32>
        %parallel_loop3A_333 = arith.constant 16 : i32
        %parallel_loop3A_334 = vector.broadcast %parallel_loop3A_333 : i32 to vector<16xi32>
        %parallel_loop3A_335 = arith.shli %parallel_loop3A_320, %parallel_loop3A_334 : vector<16xi32>
        %parallel_loop3A_336 = tpu.bitcast %parallel_loop3A_335 : vector<16xi32> -> vector<16xf32>
        %parallel_loop3A_337 = arith.andi %parallel_loop3A_320, %parallel_loop3A_206 : vector<16xi32>
        %parallel_loop3A_338 = tpu.bitcast %parallel_loop3A_337 : vector<16xi32> -> vector<16xf32>
        %parallel_loop3A_339 = arith.constant 16 : i32
        %parallel_loop3A_340 = vector.broadcast %parallel_loop3A_339 : i32 to vector<16xi32>
        %parallel_loop3A_341 = arith.shli %parallel_loop3A_326, %parallel_loop3A_340 : vector<16xi32>
        %parallel_loop3A_342 = tpu.bitcast %parallel_loop3A_341 : vector<16xi32> -> vector<16xf32>
        %parallel_loop3A_343 = arith.andi %parallel_loop3A_326, %parallel_loop3A_206 : vector<16xi32>
        %parallel_loop3A_344 = tpu.bitcast %parallel_loop3A_343 : vector<16xi32> -> vector<16xf32>
        %parallel_loop3A_345 = arith.constant 16 : i32
        %parallel_loop3A_346 = vector.broadcast %parallel_loop3A_345 : i32 to vector<16xi32>
        %parallel_loop3A_347 = arith.shli %parallel_loop3A_332, %parallel_loop3A_346 : vector<16xi32>
        %parallel_loop3A_348 = tpu.bitcast %parallel_loop3A_347 : vector<16xi32> -> vector<16xf32>
        %parallel_loop3A_349 = arith.andi %parallel_loop3A_332, %parallel_loop3A_206 : vector<16xi32>
        %parallel_loop3A_350 = tpu.bitcast %parallel_loop3A_349 : vector<16xi32> -> vector<16xf32>
        %parallel_loop3A_351 = arith.addf %parallel_loop3A_336, %parallel_loop3A_342 : vector<16xf32>
        %parallel_loop3A_352 = arith.addf %parallel_loop3A_351, %parallel_loop3A_348 : vector<16xf32>
        %parallel_loop3A_353 = arith.constant 0 : i32
        %parallel_loop3A_354 = arith.index_cast %parallel_loop3A_353 : i32 to index
        %parallel_loop3A_355 = arith.index_cast %parallel_loop3A_204 : i32 to index
        %parallel_loop3A_356 = arith.constant 64 : index
        %parallel_loop3A_357 = tpu.vector_load %arg13[%parallel_loop3A_354, %parallel_loop3A_355, %parallel_loop3A_356] {strides = array<i32>} : memref<2x40x256xf32, #tpu.memory_space<vmem>>, vector<1x1x16xf32>,
        %parallel_loop3A_358 = vector.shape_cast %parallel_loop3A_357 : vector<1x1x16xf32> to vector<16xf32>
        %parallel_loop3A_359 = vector.shape_cast %parallel_loop3A_352 : vector<16xf32> to vector<1x1x16xf32>
        tpu.vector_store %arg13[%parallel_loop3A_354, %parallel_loop3A_355, %parallel_loop3A_356], %parallel_loop3A_359 {strides = array<i32>} : memref<2x40x256xf32, #tpu.memory_space<vmem>>, vector<1x1x16xf32>,
        %parallel_loop3A_360 = arith.addf %parallel_loop3A_338, %parallel_loop3A_344 : vector<16xf32>
        %parallel_loop3A_361 = arith.addf %parallel_loop3A_360, %parallel_loop3A_350 : vector<16xf32>
        %parallel_loop3A_362 = arith.constant 0 : i32
        %parallel_loop3A_363 = arith.index_cast %parallel_loop3A_362 : i32 to index
        %parallel_loop3A_364 = arith.index_cast %parallel_loop3A_204 : i32 to index
        %parallel_loop3A_365 = arith.constant 80 : index
        %parallel_loop3A_366 = tpu.vector_load %arg13[%parallel_loop3A_363, %parallel_loop3A_364, %parallel_loop3A_365] {strides = array<i32>} : memref<2x40x256xf32, #tpu.memory_space<vmem>>, vector<1x1x16xf32>,
        %parallel_loop3A_367 = vector.shape_cast %parallel_loop3A_366 : vector<1x1x16xf32> to vector<16xf32>
        %parallel_loop3A_368 = vector.shape_cast %parallel_loop3A_361 : vector<16xf32> to vector<1x1x16xf32>
        tpu.vector_store %arg13[%parallel_loop3A_363, %parallel_loop3A_364, %parallel_loop3A_365], %parallel_loop3A_368 {strides = array<i32>} : memref<2x40x256xf32, #tpu.memory_space<vmem>>, vector<1x1x16xf32>,
        %parallel_loop3A_369 = arith.constant 0 : i32
        %parallel_loop3A_370 = arith.index_cast %parallel_loop3A_369 : i32 to index
        %parallel_loop3A_371 = arith.index_cast %parallel_loop3A_204 : i32 to index
        %parallel_loop3A_372 = arith.constant 48 : index
        %parallel_loop3A_373 = tpu.vector_load %arg11[%parallel_loop3A_370, %parallel_loop3A_371, %parallel_loop3A_372] {strides = array<i32>} : memref<2x40x128xi32, #tpu.memory_space<vmem>>, vector<1x1x16xi32>,
        %parallel_loop3A_374 = vector.shape_cast %parallel_loop3A_373 : vector<1x1x16xi32> to vector<16xi32>
        %parallel_loop3A_375 = arith.constant 0 : i32
        %parallel_loop3A_376 = arith.index_cast %parallel_loop3A_375 : i32 to index
        %parallel_loop3A_377 = arith.index_cast %parallel_loop3A_204 : i32 to index
        %parallel_loop3A_378 = arith.constant 48 : index
        %parallel_loop3A_379 = tpu.vector_load %arg12[%parallel_loop3A_376, %parallel_loop3A_377, %parallel_loop3A_378] {strides = array<i32>} : memref<2x40x128xi32, #tpu.memory_space<vmem>>, vector<1x1x16xi32>,
        %parallel_loop3A_380 = vector.shape_cast %parallel_loop3A_379 : vector<1x1x16xi32> to vector<16xi32>
        %parallel_loop3A_381 = arith.constant 0 : i32
        %parallel_loop3A_382 = arith.index_cast %parallel_loop3A_381 : i32 to index
        %parallel_loop3A_383 = arith.index_cast %parallel_loop3A_204 : i32 to index
        %parallel_loop3A_384 = arith.constant 48 : index
        %parallel_loop3A_385 = tpu.vector_load %arg10[%parallel_loop3A_382, %parallel_loop3A_383, %parallel_loop3A_384] {strides = array<i32>} : memref<2x40x128xi32, #tpu.memory_space<vmem>>, vector<1x1x16xi32>,
        %parallel_loop3A_386 = vector.shape_cast %parallel_loop3A_385 : vector<1x1x16xi32> to vector<16xi32>
        %parallel_loop3A_387 = arith.constant 16 : i32
        %parallel_loop3A_388 = vector.broadcast %parallel_loop3A_387 : i32 to vector<16xi32>
        %parallel_loop3A_389 = arith.shli %parallel_loop3A_374, %parallel_loop3A_388 : vector<16xi32>
        %parallel_loop3A_390 = tpu.bitcast %parallel_loop3A_389 : vector<16xi32> -> vector<16xf32>
        %parallel_loop3A_391 = arith.andi %parallel_loop3A_374, %parallel_loop3A_206 : vector<16xi32>
        %parallel_loop3A_392 = tpu.bitcast %parallel_loop3A_391 : vector<16xi32> -> vector<16xf32>
        %parallel_loop3A_393 = arith.constant 16 : i32
        %parallel_loop3A_394 = vector.broadcast %parallel_loop3A_393 : i32 to vector<16xi32>
        %parallel_loop3A_395 = arith.shli %parallel_loop3A_380, %parallel_loop3A_394 : vector<16xi32>
        %parallel_loop3A_396 = tpu.bitcast %parallel_loop3A_395 : vector<16xi32> -> vector<16xf32>
        %parallel_loop3A_397 = arith.andi %parallel_loop3A_380, %parallel_loop3A_206 : vector<16xi32>
        %parallel_loop3A_398 = tpu.bitcast %parallel_loop3A_397 : vector<16xi32> -> vector<16xf32>
        %parallel_loop3A_399 = arith.constant 16 : i32
        %parallel_loop3A_400 = vector.broadcast %parallel_loop3A_399 : i32 to vector<16xi32>
        %parallel_loop3A_401 = arith.shli %parallel_loop3A_386, %parallel_loop3A_400 : vector<16xi32>
        %parallel_loop3A_402 = tpu.bitcast %parallel_loop3A_401 : vector<16xi32> -> vector<16xf32>
        %parallel_loop3A_403 = arith.andi %parallel_loop3A_386, %parallel_loop3A_206 : vector<16xi32>
        %parallel_loop3A_404 = tpu.bitcast %parallel_loop3A_403 : vector<16xi32> -> vector<16xf32>
        %parallel_loop3A_405 = arith.addf %parallel_loop3A_390, %parallel_loop3A_396 : vector<16xf32>
        %parallel_loop3A_406 = arith.addf %parallel_loop3A_405, %parallel_loop3A_402 : vector<16xf32>
        %parallel_loop3A_407 = arith.constant 0 : i32
        %parallel_loop3A_408 = arith.index_cast %parallel_loop3A_407 : i32 to index
        %parallel_loop3A_409 = arith.index_cast %parallel_loop3A_204 : i32 to index
        %parallel_loop3A_410 = arith.constant 96 : index
        %parallel_loop3A_411 = tpu.vector_load %arg13[%parallel_loop3A_408, %parallel_loop3A_409, %parallel_loop3A_410] {strides = array<i32>} : memref<2x40x256xf32, #tpu.memory_space<vmem>>, vector<1x1x16xf32>,
        %parallel_loop3A_412 = vector.shape_cast %parallel_loop3A_411 : vector<1x1x16xf32> to vector<16xf32>
        %parallel_loop3A_413 = vector.shape_cast %parallel_loop3A_406 : vector<16xf32> to vector<1x1x16xf32>
        tpu.vector_store %arg13[%parallel_loop3A_408, %parallel_loop3A_409, %parallel_loop3A_410], %parallel_loop3A_413 {strides = array<i32>} : memref<2x40x256xf32, #tpu.memory_space<vmem>>, vector<1x1x16xf32>,
        %parallel_loop3A_414 = arith.addf %parallel_loop3A_392, %parallel_loop3A_398 : vector<16xf32>
        %parallel_loop3A_415 = arith.addf %parallel_loop3A_414, %parallel_loop3A_404 : vector<16xf32>
        %parallel_loop3A_416 = arith.constant 0 : i32
        %parallel_loop3A_417 = arith.index_cast %parallel_loop3A_416 : i32 to index
        %parallel_loop3A_418 = arith.index_cast %parallel_loop3A_204 : i32 to index
        %parallel_loop3A_419 = arith.constant 112 : index
        %parallel_loop3A_420 = tpu.vector_load %arg13[%parallel_loop3A_417, %parallel_loop3A_418, %parallel_loop3A_419] {strides = array<i32>} : memref<2x40x256xf32, #tpu.memory_space<vmem>>, vector<1x1x16xf32>,
        %parallel_loop3A_421 = vector.shape_cast %parallel_loop3A_420 : vector<1x1x16xf32> to vector<16xf32>
        %parallel_loop3A_422 = vector.shape_cast %parallel_loop3A_415 : vector<16xf32> to vector<1x1x16xf32>
        tpu.vector_store %arg13[%parallel_loop3A_417, %parallel_loop3A_418, %parallel_loop3A_419], %parallel_loop3A_422 {strides = array<i32>} : memref<2x40x256xf32, #tpu.memory_space<vmem>>, vector<1x1x16xf32>,
        %parallel_loop3A_423 = arith.constant 0 : i32
        %parallel_loop3A_424 = arith.index_cast %parallel_loop3A_423 : i32 to index
        %parallel_loop3A_425 = arith.index_cast %parallel_loop3A_204 : i32 to index
        %parallel_loop3A_426 = arith.constant 64 : index
        %parallel_loop3A_427 = tpu.vector_load %arg11[%parallel_loop3A_424, %parallel_loop3A_425, %parallel_loop3A_426] {strides = array<i32>} : memref<2x40x128xi32, #tpu.memory_space<vmem>>, vector<1x1x16xi32>,
        %parallel_loop3A_428 = vector.shape_cast %parallel_loop3A_427 : vector<1x1x16xi32> to vector<16xi32>
        %parallel_loop3A_429 = arith.constant 0 : i32
        %parallel_loop3A_430 = arith.index_cast %parallel_loop3A_429 : i32 to index
        %parallel_loop3A_431 = arith.index_cast %parallel_loop3A_204 : i32 to index
        %parallel_loop3A_432 = arith.constant 64 : index
        %parallel_loop3A_433 = tpu.vector_load %arg12[%parallel_loop3A_430, %parallel_loop3A_431, %parallel_loop3A_432] {strides = array<i32>} : memref<2x40x128xi32, #tpu.memory_space<vmem>>, vector<1x1x16xi32>,
        %parallel_loop3A_434 = vector.shape_cast %parallel_loop3A_433 : vector<1x1x16xi32> to vector<16xi32>
        %parallel_loop3A_435 = arith.constant 0 : i32
        %parallel_loop3A_436 = arith.index_cast %parallel_loop3A_435 : i32 to index
        %parallel_loop3A_437 = arith.index_cast %parallel_loop3A_204 : i32 to index
        %parallel_loop3A_438 = arith.constant 64 : index
        %parallel_loop3A_439 = tpu.vector_load %arg10[%parallel_loop3A_436, %parallel_loop3A_437, %parallel_loop3A_438] {strides = array<i32>} : memref<2x40x128xi32, #tpu.memory_space<vmem>>, vector<1x1x16xi32>,
        %parallel_loop3A_440 = vector.shape_cast %parallel_loop3A_439 : vector<1x1x16xi32> to vector<16xi32>
        %parallel_loop3A_441 = arith.constant 16 : i32
        %parallel_loop3A_442 = vector.broadcast %parallel_loop3A_441 : i32 to vector<16xi32>
        %parallel_loop3A_443 = arith.shli %parallel_loop3A_428, %parallel_loop3A_442 : vector<16xi32>
        %parallel_loop3A_444 = tpu.bitcast %parallel_loop3A_443 : vector<16xi32> -> vector<16xf32>
        %parallel_loop3A_445 = arith.andi %parallel_loop3A_428, %parallel_loop3A_206 : vector<16xi32>
        %parallel_loop3A_446 = tpu.bitcast %parallel_loop3A_445 : vector<16xi32> -> vector<16xf32>
        %parallel_loop3A_447 = arith.constant 16 : i32
        %parallel_loop3A_448 = vector.broadcast %parallel_loop3A_447 : i32 to vector<16xi32>
        %parallel_loop3A_449 = arith.shli %parallel_loop3A_434, %parallel_loop3A_448 : vector<16xi32>
        %parallel_loop3A_450 = tpu.bitcast %parallel_loop3A_449 : vector<16xi32> -> vector<16xf32>
        %parallel_loop3A_451 = arith.andi %parallel_loop3A_434, %parallel_loop3A_206 : vector<16xi32>
        %parallel_loop3A_452 = tpu.bitcast %parallel_loop3A_451 : vector<16xi32> -> vector<16xf32>
        %parallel_loop3A_453 = arith.constant 16 : i32
        %parallel_loop3A_454 = vector.broadcast %parallel_loop3A_453 : i32 to vector<16xi32>
        %parallel_loop3A_455 = arith.shli %parallel_loop3A_440, %parallel_loop3A_454 : vector<16xi32>
        %parallel_loop3A_456 = tpu.bitcast %parallel_loop3A_455 : vector<16xi32> -> vector<16xf32>
        %parallel_loop3A_457 = arith.andi %parallel_loop3A_440, %parallel_loop3A_206 : vector<16xi32>
        %parallel_loop3A_458 = tpu.bitcast %parallel_loop3A_457 : vector<16xi32> -> vector<16xf32>
        %parallel_loop3A_459 = arith.addf %parallel_loop3A_444, %parallel_loop3A_450 : vector<16xf32>
        %parallel_loop3A_460 = arith.addf %parallel_loop3A_459, %parallel_loop3A_456 : vector<16xf32>
        %parallel_loop3A_461 = arith.constant 0 : i32
        %parallel_loop3A_462 = arith.index_cast %parallel_loop3A_461 : i32 to index
        %parallel_loop3A_463 = arith.index_cast %parallel_loop3A_204 : i32 to index
        %parallel_loop3A_464 = arith.constant 128 : index
        %parallel_loop3A_465 = tpu.vector_load %arg13[%parallel_loop3A_462, %parallel_loop3A_463, %parallel_loop3A_464] {strides = array<i32>} : memref<2x40x256xf32, #tpu.memory_space<vmem>>, vector<1x1x16xf32>,
        %parallel_loop3A_466 = vector.shape_cast %parallel_loop3A_465 : vector<1x1x16xf32> to vector<16xf32>
        %parallel_loop3A_467 = vector.shape_cast %parallel_loop3A_460 : vector<16xf32> to vector<1x1x16xf32>
        tpu.vector_store %arg13[%parallel_loop3A_462, %parallel_loop3A_463, %parallel_loop3A_464], %parallel_loop3A_467 {strides = array<i32>} : memref<2x40x256xf32, #tpu.memory_space<vmem>>, vector<1x1x16xf32>,
        %parallel_loop3A_468 = arith.addf %parallel_loop3A_446, %parallel_loop3A_452 : vector<16xf32>
        %parallel_loop3A_469 = arith.addf %parallel_loop3A_468, %parallel_loop3A_458 : vector<16xf32>
        %parallel_loop3A_470 = arith.constant 0 : i32
        %parallel_loop3A_471 = arith.index_cast %parallel_loop3A_470 : i32 to index
        %parallel_loop3A_472 = arith.index_cast %parallel_loop3A_204 : i32 to index
        %parallel_loop3A_473 = arith.constant 144 : index
        %parallel_loop3A_474 = tpu.vector_load %arg13[%parallel_loop3A_471, %parallel_loop3A_472, %parallel_loop3A_473] {strides = array<i32>} : memref<2x40x256xf32, #tpu.memory_space<vmem>>, vector<1x1x16xf32>,
        %parallel_loop3A_475 = vector.shape_cast %parallel_loop3A_474 : vector<1x1x16xf32> to vector<16xf32>
        %parallel_loop3A_476 = vector.shape_cast %parallel_loop3A_469 : vector<16xf32> to vector<1x1x16xf32>
        tpu.vector_store %arg13[%parallel_loop3A_471, %parallel_loop3A_472, %parallel_loop3A_473], %parallel_loop3A_476 {strides = array<i32>} : memref<2x40x256xf32, #tpu.memory_space<vmem>>, vector<1x1x16xf32>,
        %parallel_loop3A_477 = arith.constant 0 : i32
        %parallel_loop3A_478 = arith.index_cast %parallel_loop3A_477 : i32 to index
        %parallel_loop3A_479 = arith.index_cast %parallel_loop3A_204 : i32 to index
        %parallel_loop3A_480 = arith.constant 80 : index
        %parallel_loop3A_481 = tpu.vector_load %arg11[%parallel_loop3A_478, %parallel_loop3A_479, %parallel_loop3A_480] {strides = array<i32>} : memref<2x40x128xi32, #tpu.memory_space<vmem>>, vector<1x1x16xi32>,
        %parallel_loop3A_482 = vector.shape_cast %parallel_loop3A_481 : vector<1x1x16xi32> to vector<16xi32>
        %parallel_loop3A_483 = arith.constant 0 : i32
        %parallel_loop3A_484 = arith.index_cast %parallel_loop3A_483 : i32 to index
        %parallel_loop3A_485 = arith.index_cast %parallel_loop3A_204 : i32 to index
        %parallel_loop3A_486 = arith.constant 80 : index
        %parallel_loop3A_487 = tpu.vector_load %arg12[%parallel_loop3A_484, %parallel_loop3A_485, %parallel_loop3A_486] {strides = array<i32>} : memref<2x40x128xi32, #tpu.memory_space<vmem>>, vector<1x1x16xi32>,
        %parallel_loop3A_488 = vector.shape_cast %parallel_loop3A_487 : vector<1x1x16xi32> to vector<16xi32>
        %parallel_loop3A_489 = arith.constant 0 : i32
        %parallel_loop3A_490 = arith.index_cast %parallel_loop3A_489 : i32 to index
        %parallel_loop3A_491 = arith.index_cast %parallel_loop3A_204 : i32 to index
        %parallel_loop3A_492 = arith.constant 80 : index
        %parallel_loop3A_493 = tpu.vector_load %arg10[%parallel_loop3A_490, %parallel_loop3A_491, %parallel_loop3A_492] {strides = array<i32>} : memref<2x40x128xi32, #tpu.memory_space<vmem>>, vector<1x1x16xi32>,
        %parallel_loop3A_494 = vector.shape_cast %parallel_loop3A_493 : vector<1x1x16xi32> to vector<16xi32>
        %parallel_loop3A_495 = arith.constant 16 : i32
        %parallel_loop3A_496 = vector.broadcast %parallel_loop3A_495 : i32 to vector<16xi32>
        %parallel_loop3A_497 = arith.shli %parallel_loop3A_482, %parallel_loop3A_496 : vector<16xi32>
        %parallel_loop3A_498 = tpu.bitcast %parallel_loop3A_497 : vector<16xi32> -> vector<16xf32>
        %parallel_loop3A_499 = arith.andi %parallel_loop3A_482, %parallel_loop3A_206 : vector<16xi32>
        %parallel_loop3A_500 = tpu.bitcast %parallel_loop3A_499 : vector<16xi32> -> vector<16xf32>
        %parallel_loop3A_501 = arith.constant 16 : i32
        %parallel_loop3A_502 = vector.broadcast %parallel_loop3A_501 : i32 to vector<16xi32>
        %parallel_loop3A_503 = arith.shli %parallel_loop3A_488, %parallel_loop3A_502 : vector<16xi32>
        %parallel_loop3A_504 = tpu.bitcast %parallel_loop3A_503 : vector<16xi32> -> vector<16xf32>
        %parallel_loop3A_505 = arith.andi %parallel_loop3A_488, %parallel_loop3A_206 : vector<16xi32>
        %parallel_loop3A_506 = tpu.bitcast %parallel_loop3A_505 : vector<16xi32> -> vector<16xf32>
        %parallel_loop3A_507 = arith.constant 16 : i32
        %parallel_loop3A_508 = vector.broadcast %parallel_loop3A_507 : i32 to vector<16xi32>
        %parallel_loop3A_509 = arith.shli %parallel_loop3A_494, %parallel_loop3A_508 : vector<16xi32>
        %parallel_loop3A_510 = tpu.bitcast %parallel_loop3A_509 : vector<16xi32> -> vector<16xf32>
        %parallel_loop3A_511 = arith.andi %parallel_loop3A_494, %parallel_loop3A_206 : vector<16xi32>
        %parallel_loop3A_512 = tpu.bitcast %parallel_loop3A_511 : vector<16xi32> -> vector<16xf32>
        %parallel_loop3A_513 = arith.addf %parallel_loop3A_498, %parallel_loop3A_504 : vector<16xf32>
        %parallel_loop3A_514 = arith.addf %parallel_loop3A_513, %parallel_loop3A_510 : vector<16xf32>
        %parallel_loop3A_515 = arith.constant 0 : i32
        %parallel_loop3A_516 = arith.index_cast %parallel_loop3A_515 : i32 to index
        %parallel_loop3A_517 = arith.index_cast %parallel_loop3A_204 : i32 to index
        %parallel_loop3A_518 = arith.constant 160 : index
        %parallel_loop3A_519 = tpu.vector_load %arg13[%parallel_loop3A_516, %parallel_loop3A_517, %parallel_loop3A_518] {strides = array<i32>} : memref<2x40x256xf32, #tpu.memory_space<vmem>>, vector<1x1x16xf32>,
        %parallel_loop3A_520 = vector.shape_cast %parallel_loop3A_519 : vector<1x1x16xf32> to vector<16xf32>
        %parallel_loop3A_521 = vector.shape_cast %parallel_loop3A_514 : vector<16xf32> to vector<1x1x16xf32>
        tpu.vector_store %arg13[%parallel_loop3A_516, %parallel_loop3A_517, %parallel_loop3A_518], %parallel_loop3A_521 {strides = array<i32>} : memref<2x40x256xf32, #tpu.memory_space<vmem>>, vector<1x1x16xf32>,
        %parallel_loop3A_522 = arith.addf %parallel_loop3A_500, %parallel_loop3A_506 : vector<16xf32>
        %parallel_loop3A_523 = arith.addf %parallel_loop3A_522, %parallel_loop3A_512 : vector<16xf32>
        %parallel_loop3A_524 = arith.constant 0 : i32
        %parallel_loop3A_525 = arith.index_cast %parallel_loop3A_524 : i32 to index
        %parallel_loop3A_526 = arith.index_cast %parallel_loop3A_204 : i32 to index
        %parallel_loop3A_527 = arith.constant 176 : index
        %parallel_loop3A_528 = tpu.vector_load %arg13[%parallel_loop3A_525, %parallel_loop3A_526, %parallel_loop3A_527] {strides = array<i32>} : memref<2x40x256xf32, #tpu.memory_space<vmem>>, vector<1x1x16xf32>,
        %parallel_loop3A_529 = vector.shape_cast %parallel_loop3A_528 : vector<1x1x16xf32> to vector<16xf32>
        %parallel_loop3A_530 = vector.shape_cast %parallel_loop3A_523 : vector<16xf32> to vector<1x1x16xf32>
        tpu.vector_store %arg13[%parallel_loop3A_525, %parallel_loop3A_526, %parallel_loop3A_527], %parallel_loop3A_530 {strides = array<i32>} : memref<2x40x256xf32, #tpu.memory_space<vmem>>, vector<1x1x16xf32>,
        %parallel_loop3A_531 = arith.constant 0 : i32
        %parallel_loop3A_532 = arith.index_cast %parallel_loop3A_531 : i32 to index
        %parallel_loop3A_533 = arith.index_cast %parallel_loop3A_204 : i32 to index
        %parallel_loop3A_534 = arith.constant 96 : index
        %parallel_loop3A_535 = tpu.vector_load %arg11[%parallel_loop3A_532, %parallel_loop3A_533, %parallel_loop3A_534] {strides = array<i32>} : memref<2x40x128xi32, #tpu.memory_space<vmem>>, vector<1x1x16xi32>,
        %parallel_loop3A_536 = vector.shape_cast %parallel_loop3A_535 : vector<1x1x16xi32> to vector<16xi32>
        %parallel_loop3A_537 = arith.constant 0 : i32
        %parallel_loop3A_538 = arith.index_cast %parallel_loop3A_537 : i32 to index
        %parallel_loop3A_539 = arith.index_cast %parallel_loop3A_204 : i32 to index
        %parallel_loop3A_540 = arith.constant 96 : index
        %parallel_loop3A_541 = tpu.vector_load %arg12[%parallel_loop3A_538, %parallel_loop3A_539, %parallel_loop3A_540] {strides = array<i32>} : memref<2x40x128xi32, #tpu.memory_space<vmem>>, vector<1x1x16xi32>,
        %parallel_loop3A_542 = vector.shape_cast %parallel_loop3A_541 : vector<1x1x16xi32> to vector<16xi32>
        %parallel_loop3A_543 = arith.constant 0 : i32
        %parallel_loop3A_544 = arith.index_cast %parallel_loop3A_543 : i32 to index
        %parallel_loop3A_545 = arith.index_cast %parallel_loop3A_204 : i32 to index
        %parallel_loop3A_546 = arith.constant 96 : index
        %parallel_loop3A_547 = tpu.vector_load %arg10[%parallel_loop3A_544, %parallel_loop3A_545, %parallel_loop3A_546] {strides = array<i32>} : memref<2x40x128xi32, #tpu.memory_space<vmem>>, vector<1x1x16xi32>,
        %parallel_loop3A_548 = vector.shape_cast %parallel_loop3A_547 : vector<1x1x16xi32> to vector<16xi32>
        %parallel_loop3A_549 = arith.constant 16 : i32
        %parallel_loop3A_550 = vector.broadcast %parallel_loop3A_549 : i32 to vector<16xi32>
        %parallel_loop3A_551 = arith.shli %parallel_loop3A_536, %parallel_loop3A_550 : vector<16xi32>
        %parallel_loop3A_552 = tpu.bitcast %parallel_loop3A_551 : vector<16xi32> -> vector<16xf32>
        %parallel_loop3A_553 = arith.andi %parallel_loop3A_536, %parallel_loop3A_206 : vector<16xi32>
        %parallel_loop3A_554 = tpu.bitcast %parallel_loop3A_553 : vector<16xi32> -> vector<16xf32>
        %parallel_loop3A_555 = arith.constant 16 : i32
        %parallel_loop3A_556 = vector.broadcast %parallel_loop3A_555 : i32 to vector<16xi32>
        %parallel_loop3A_557 = arith.shli %parallel_loop3A_542, %parallel_loop3A_556 : vector<16xi32>
        %parallel_loop3A_558 = tpu.bitcast %parallel_loop3A_557 : vector<16xi32> -> vector<16xf32>
        %parallel_loop3A_559 = arith.andi %parallel_loop3A_542, %parallel_loop3A_206 : vector<16xi32>
        %parallel_loop3A_560 = tpu.bitcast %parallel_loop3A_559 : vector<16xi32> -> vector<16xf32>
        %parallel_loop3A_561 = arith.constant 16 : i32
        %parallel_loop3A_562 = vector.broadcast %parallel_loop3A_561 : i32 to vector<16xi32>
        %parallel_loop3A_563 = arith.shli %parallel_loop3A_548, %parallel_loop3A_562 : vector<16xi32>
        %parallel_loop3A_564 = tpu.bitcast %parallel_loop3A_563 : vector<16xi32> -> vector<16xf32>
        %parallel_loop3A_565 = arith.andi %parallel_loop3A_548, %parallel_loop3A_206 : vector<16xi32>
        %parallel_loop3A_566 = tpu.bitcast %parallel_loop3A_565 : vector<16xi32> -> vector<16xf32>
        %parallel_loop3A_567 = arith.addf %parallel_loop3A_552, %parallel_loop3A_558 : vector<16xf32>
        %parallel_loop3A_568 = arith.addf %parallel_loop3A_567, %parallel_loop3A_564 : vector<16xf32>
        %parallel_loop3A_569 = arith.constant 0 : i32
        %parallel_loop3A_570 = arith.index_cast %parallel_loop3A_569 : i32 to index
        %parallel_loop3A_571 = arith.index_cast %parallel_loop3A_204 : i32 to index
        %parallel_loop3A_572 = arith.constant 192 : index
        %parallel_loop3A_573 = tpu.vector_load %arg13[%parallel_loop3A_570, %parallel_loop3A_571, %parallel_loop3A_572] {strides = array<i32>} : memref<2x40x256xf32, #tpu.memory_space<vmem>>, vector<1x1x16xf32>,
        %parallel_loop3A_574 = vector.shape_cast %parallel_loop3A_573 : vector<1x1x16xf32> to vector<16xf32>
        %parallel_loop3A_575 = vector.shape_cast %parallel_loop3A_568 : vector<16xf32> to vector<1x1x16xf32>
        tpu.vector_store %arg13[%parallel_loop3A_570, %parallel_loop3A_571, %parallel_loop3A_572], %parallel_loop3A_575 {strides = array<i32>} : memref<2x40x256xf32, #tpu.memory_space<vmem>>, vector<1x1x16xf32>,
        %parallel_loop3A_576 = arith.addf %parallel_loop3A_554, %parallel_loop3A_560 : vector<16xf32>
        %parallel_loop3A_577 = arith.addf %parallel_loop3A_576, %parallel_loop3A_566 : vector<16xf32>
        %parallel_loop3A_578 = arith.constant 0 : i32
        %parallel_loop3A_579 = arith.index_cast %parallel_loop3A_578 : i32 to index
        %parallel_loop3A_580 = arith.index_cast %parallel_loop3A_204 : i32 to index
        %parallel_loop3A_581 = arith.constant 208 : index
        %parallel_loop3A_582 = tpu.vector_load %arg13[%parallel_loop3A_579, %parallel_loop3A_580, %parallel_loop3A_581] {strides = array<i32>} : memref<2x40x256xf32, #tpu.memory_space<vmem>>, vector<1x1x16xf32>,
        %parallel_loop3A_583 = vector.shape_cast %parallel_loop3A_582 : vector<1x1x16xf32> to vector<16xf32>
        %parallel_loop3A_584 = vector.shape_cast %parallel_loop3A_577 : vector<16xf32> to vector<1x1x16xf32>
        tpu.vector_store %arg13[%parallel_loop3A_579, %parallel_loop3A_580, %parallel_loop3A_581], %parallel_loop3A_584 {strides = array<i32>} : memref<2x40x256xf32, #tpu.memory_space<vmem>>, vector<1x1x16xf32>,
        %parallel_loop3A_585 = arith.constant 0 : i32
        %parallel_loop3A_586 = arith.index_cast %parallel_loop3A_585 : i32 to index
        %parallel_loop3A_587 = arith.index_cast %parallel_loop3A_204 : i32 to index
        %parallel_loop3A_588 = arith.constant 112 : index
        %parallel_loop3A_589 = tpu.vector_load %arg11[%parallel_loop3A_586, %parallel_loop3A_587, %parallel_loop3A_588] {strides = array<i32>} : memref<2x40x128xi32, #tpu.memory_space<vmem>>, vector<1x1x16xi32>,
        %parallel_loop3A_590 = vector.shape_cast %parallel_loop3A_589 : vector<1x1x16xi32> to vector<16xi32>
        %parallel_loop3A_591 = arith.constant 0 : i32
        %parallel_loop3A_592 = arith.index_cast %parallel_loop3A_591 : i32 to index
        %parallel_loop3A_593 = arith.index_cast %parallel_loop3A_204 : i32 to index
        %parallel_loop3A_594 = arith.constant 112 : index
        %parallel_loop3A_595 = tpu.vector_load %arg12[%parallel_loop3A_592, %parallel_loop3A_593, %parallel_loop3A_594] {strides = array<i32>} : memref<2x40x128xi32, #tpu.memory_space<vmem>>, vector<1x1x16xi32>,
        %parallel_loop3A_596 = vector.shape_cast %parallel_loop3A_595 : vector<1x1x16xi32> to vector<16xi32>
        %parallel_loop3A_597 = arith.constant 0 : i32
        %parallel_loop3A_598 = arith.index_cast %parallel_loop3A_597 : i32 to index
        %parallel_loop3A_599 = arith.index_cast %parallel_loop3A_204 : i32 to index
        %parallel_loop3A_600 = arith.constant 112 : index
        %parallel_loop3A_601 = tpu.vector_load %arg10[%parallel_loop3A_598, %parallel_loop3A_599, %parallel_loop3A_600] {strides = array<i32>} : memref<2x40x128xi32, #tpu.memory_space<vmem>>, vector<1x1x16xi32>,
        %parallel_loop3A_602 = vector.shape_cast %parallel_loop3A_601 : vector<1x1x16xi32> to vector<16xi32>
        %parallel_loop3A_603 = arith.constant 16 : i32
        %parallel_loop3A_604 = vector.broadcast %parallel_loop3A_603 : i32 to vector<16xi32>
        %parallel_loop3A_605 = arith.shli %parallel_loop3A_590, %parallel_loop3A_604 : vector<16xi32>
        %parallel_loop3A_606 = tpu.bitcast %parallel_loop3A_605 : vector<16xi32> -> vector<16xf32>
        %parallel_loop3A_607 = arith.andi %parallel_loop3A_590, %parallel_loop3A_206 : vector<16xi32>
        %parallel_loop3A_608 = tpu.bitcast %parallel_loop3A_607 : vector<16xi32> -> vector<16xf32>
        %parallel_loop3A_609 = arith.constant 16 : i32
        %parallel_loop3A_610 = vector.broadcast %parallel_loop3A_609 : i32 to vector<16xi32>
        %parallel_loop3A_611 = arith.shli %parallel_loop3A_596, %parallel_loop3A_610 : vector<16xi32>
        %parallel_loop3A_612 = tpu.bitcast %parallel_loop3A_611 : vector<16xi32> -> vector<16xf32>
        %parallel_loop3A_613 = arith.andi %parallel_loop3A_596, %parallel_loop3A_206 : vector<16xi32>
        %parallel_loop3A_614 = tpu.bitcast %parallel_loop3A_613 : vector<16xi32> -> vector<16xf32>
        %parallel_loop3A_615 = arith.constant 16 : i32
        %parallel_loop3A_616 = vector.broadcast %parallel_loop3A_615 : i32 to vector<16xi32>
        %parallel_loop3A_617 = arith.shli %parallel_loop3A_602, %parallel_loop3A_616 : vector<16xi32>
        %parallel_loop3A_618 = tpu.bitcast %parallel_loop3A_617 : vector<16xi32> -> vector<16xf32>
        %parallel_loop3A_619 = arith.andi %parallel_loop3A_602, %parallel_loop3A_206 : vector<16xi32>
        %parallel_loop3A_620 = tpu.bitcast %parallel_loop3A_619 : vector<16xi32> -> vector<16xf32>
        %parallel_loop3A_621 = arith.addf %parallel_loop3A_606, %parallel_loop3A_612 : vector<16xf32>
        %parallel_loop3A_622 = arith.addf %parallel_loop3A_621, %parallel_loop3A_618 : vector<16xf32>
        %parallel_loop3A_623 = arith.constant 0 : i32
        %parallel_loop3A_624 = arith.index_cast %parallel_loop3A_623 : i32 to index
        %parallel_loop3A_625 = arith.index_cast %parallel_loop3A_204 : i32 to index
        %parallel_loop3A_626 = arith.constant 224 : index
        %parallel_loop3A_627 = tpu.vector_load %arg13[%parallel_loop3A_624, %parallel_loop3A_625, %parallel_loop3A_626] {strides = array<i32>} : memref<2x40x256xf32, #tpu.memory_space<vmem>>, vector<1x1x16xf32>,
        %parallel_loop3A_628 = vector.shape_cast %parallel_loop3A_627 : vector<1x1x16xf32> to vector<16xf32>
        %parallel_loop3A_629 = vector.shape_cast %parallel_loop3A_622 : vector<16xf32> to vector<1x1x16xf32>
        tpu.vector_store %arg13[%parallel_loop3A_624, %parallel_loop3A_625, %parallel_loop3A_626], %parallel_loop3A_629 {strides = array<i32>} : memref<2x40x256xf32, #tpu.memory_space<vmem>>, vector<1x1x16xf32>,
        %parallel_loop3A_630 = arith.addf %parallel_loop3A_608, %parallel_loop3A_614 : vector<16xf32>
        %parallel_loop3A_631 = arith.addf %parallel_loop3A_630, %parallel_loop3A_620 : vector<16xf32>
        %parallel_loop3A_632 = arith.constant 0 : i32
        %parallel_loop3A_633 = arith.index_cast %parallel_loop3A_632 : i32 to index
        %parallel_loop3A_634 = arith.index_cast %parallel_loop3A_204 : i32 to index
        %parallel_loop3A_635 = arith.constant 240 : index
        %parallel_loop3A_636 = tpu.vector_load %arg13[%parallel_loop3A_633, %parallel_loop3A_634, %parallel_loop3A_635] {strides = array<i32>} : memref<2x40x256xf32, #tpu.memory_space<vmem>>, vector<1x1x16xf32>,
        %parallel_loop3A_637 = vector.shape_cast %parallel_loop3A_636 : vector<1x1x16xf32> to vector<16xf32>
        %parallel_loop3A_638 = vector.shape_cast %parallel_loop3A_631 : vector<16xf32> to vector<1x1x16xf32>
        tpu.vector_store %arg13[%parallel_loop3A_633, %parallel_loop3A_634, %parallel_loop3A_635], %parallel_loop3A_638 {strides = array<i32>} : memref<2x40x256xf32, #tpu.memory_space<vmem>>, vector<1x1x16xf32>,
      } {sc.loop_unroll_factor = 2 : i64, sc.parallel_access}
      %mul3A_120 = arith.constant 40 : i32
      %mul3A_121 = arith.muli %add3A_75, %mul3A_120 : i32
      %add3A_122 = arith.addi %mul3A_2, %mul3A_121 : i32
      %dma_start3A_123 = arith.constant 0 : i32
      %dma_start3A_124 = arith.constant 0 : i32
      %dma_start3A_125 = arith.constant 0 : i32
      %dma_start3A_126 = tpu.memref_slice %arg13[%dma_start3A_123, %dma_start3A_124, %dma_start3A_125] : memref<2x40x256xf32, #tpu.memory_space<vmem>> -> memref<1x40x256xf32, #tpu.memory_space<vmem>>
      %dma_start3A_127 = tpu.memref_squeeze %dma_start3A_126 : memref<1x40x256xf32, #tpu.memory_space<vmem>> -> memref<40x256xf32, #tpu.memory_space<vmem>>
      %dma_start3A_128 = arith.constant 0 : i32
      %dma_start3A_129 = tpu.memref_slice %arg7[%add3A_122, %dma_start3A_128] : memref<320000x256xf32, #tpu.memory_space<hbm>> -> memref<40x256xf32, #tpu.memory_space<hbm>>
      %dma_start3A_130 = arith.constant 0 : i32
      %dma_start3A_131 = tpu.memref_slice %arg7[%add3A_122, %dma_start3A_130] : memref<320000x256xf32, #tpu.memory_space<hbm>> -> memref<40x256xf32, #tpu.memory_space<hbm>>
      %dma_start3A_132 = arith.constant 0 : i32
      %dma_start3A_133 = arith.constant 0 : i32
      %dma_start3A_134 = tpu.memref_slice %arg13[%dma_start3A_123, %dma_start3A_132, %dma_start3A_133] : memref<2x40x256xf32, #tpu.memory_space<vmem>> -> memref<1x40x256xf32, #tpu.memory_space<vmem>>
      %dma_start3A_135 = tpu.memref_squeeze %dma_start3A_134 : memref<1x40x256xf32, #tpu.memory_space<vmem>> -> memref<40x256xf32, #tpu.memory_space<vmem>>
      tpu.enqueue_dma source(%dma_start3A_135 : memref<40x256xf32, #tpu.memory_space<vmem>>) target(%dma_start3A_131 : memref<40x256xf32, #tpu.memory_space<hbm>>) target_semaphore(%arg16 : memref<!tpu.dma_semaphore, #tpu.memory_space<semaphore_mem>>)
      %mul3A_136 = arith.constant 2 : i32
      %mul3A_137 = arith.muli %mul3A_136, %scan3A_71 : i32
      %add3A_138 = arith.constant 1 : i32
      %add3A_139 = arith.addi %mul3A_137, %add3A_138 : i32
      %add3A_140 = arith.constant 1 : i32
      %add3A_141 = arith.addi %add3A_139, %add3A_140 : i32
      %lt3A_142 = arith.constant 250 : i32
      %lt3A_143 = arith.cmpi slt, %add3A_141, %lt3A_142 : i32
      %convert_element_type3A_144 = arith.extui %lt3A_143 : i1 to i32
      %cond3A_145 = arith.constant 0 : i32
      %cond3A_146 = arith.cmpi ne, %convert_element_type3A_144, %cond3A_145 : i32
      scf.if %cond3A_146 {
        %ge3A = arith.constant 1 : i32
        %ge3A_204 = arith.cmpi sge, %add3A_139, %ge3A : i32
        %convert_element_type3A_205 = arith.extui %ge3A_204 : i1 to i32
        %cond3A_206 = arith.constant 0 : i32
        %cond3A_207 = arith.cmpi ne, %convert_element_type3A_205, %cond3A_206 : i32
        scf.if %cond3A_207 {
          %sub3A = arith.constant 1 : i32
          %sub3A_248 = arith.subi %add3A_139, %sub3A : i32
          %mul3A_249 = arith.constant 40 : i32
          %mul3A_250 = arith.muli %sub3A_248, %mul3A_249 : i32
          %add3A_251 = arith.addi %mul3A_2, %mul3A_250 : i32
          %dma_wait3A_252 = arith.constant 0 : i32
          %dma_wait3A_253 = arith.constant 0 : i32
          %dma_wait3A_254 = arith.constant 0 : i32
          %dma_wait3A_255 = tpu.memref_slice %arg13[%dma_wait3A_252, %dma_wait3A_253, %dma_wait3A_254] : memref<2x40x256xf32, #tpu.memory_space<vmem>> -> memref<1x40x256xf32, #tpu.memory_space<vmem>>
          %dma_wait3A_256 = tpu.memref_squeeze %dma_wait3A_255 : memref<1x40x256xf32, #tpu.memory_space<vmem>> -> memref<40x256xf32, #tpu.memory_space<vmem>>
          %dma_wait3A_257 = arith.constant 0 : i32
          %dma_wait3A_258 = tpu.memref_slice %arg7[%add3A_251, %dma_wait3A_257] : memref<320000x256xf32, #tpu.memory_space<hbm>> -> memref<40x256xf32, #tpu.memory_space<hbm>>
          %dma_wait3A_259 = arith.constant 0 : i32
          %dma_wait3A_260 = tpu.memref_slice %arg7[%add3A_251, %dma_wait3A_259] : memref<320000x256xf32, #tpu.memory_space<hbm>> -> memref<40x256xf32, #tpu.memory_space<hbm>>
          %dma_wait3A_261 = arith.constant 0 : i32
          %dma_wait3A_262 = arith.constant 0 : i32
          %dma_wait3A_263 = tpu.memref_slice %arg13[%dma_wait3A_252, %dma_wait3A_261, %dma_wait3A_262] : memref<2x40x256xf32, #tpu.memory_space<vmem>> -> memref<1x40x256xf32, #tpu.memory_space<vmem>>
          %dma_wait3A_264 = tpu.memref_squeeze %dma_wait3A_263 : memref<1x40x256xf32, #tpu.memory_space<vmem>> -> memref<40x256xf32, #tpu.memory_space<vmem>>
          tpu.wait_dma2 semaphore(%arg16 : memref<!tpu.dma_semaphore, #tpu.memory_space<semaphore_mem>>) src(%dma_wait3A_264 : memref<40x256xf32, #tpu.memory_space<vmem>>) dst(%dma_wait3A_260 : memref<40x256xf32, #tpu.memory_space<hbm>>)
        } else {
        }
        %add3A_208 = arith.constant 1 : i32
        %add3A_209 = arith.addi %add3A_139, %add3A_208 : i32
        %mul3A_210 = arith.constant 40 : i32
        %mul3A_211 = arith.muli %add3A_209, %mul3A_210 : i32
        %add3A_212 = arith.addi %mul3A_2, %mul3A_211 : i32
        %mul3A_213 = arith.constant 40 : i32
        %mul3A_214 = arith.muli %add3A_209, %mul3A_213 : i32
        %mul3A_215 = arith.constant 40 : i32
        %mul3A_216 = arith.muli %add3A_209, %mul3A_215 : i32
        %dma_start3A_217 = arith.constant 0 : i32
        %dma_start3A_218 = arith.constant 0 : i32
        %dma_start3A_219 = arith.constant 0 : i32
        %dma_start3A_220 = tpu.memref_slice %arg10[%dma_start3A_217, %dma_start3A_218, %dma_start3A_219] : memref<2x40x128xi32, #tpu.memory_space<vmem>> -> memref<1x40x128xi32, #tpu.memory_space<vmem>>
        %dma_start3A_221 = tpu.memref_squeeze %dma_start3A_220 : memref<1x40x128xi32, #tpu.memory_space<vmem>> -> memref<40x128xi32, #tpu.memory_space<vmem>>
        %dma_start3A_222 = arith.constant 0 : i32
        %dma_start3A_223 = tpu.memref_slice %arg2[%add3A_212, %dma_start3A_222] : memref<320000x128xi32, #tpu.memory_space<hbm>> -> memref<40x128xi32, #tpu.memory_space<hbm>>
        %dma_start3A_224 = arith.constant 0 : i32
        %dma_start3A_225 = arith.constant 0 : i32
        %dma_start3A_226 = tpu.memref_slice %arg10[%dma_start3A_217, %dma_start3A_224, %dma_start3A_225] : memref<2x40x128xi32, #tpu.memory_space<vmem>> -> memref<1x40x128xi32, #tpu.memory_space<vmem>>
        %dma_start3A_227 = tpu.memref_squeeze %dma_start3A_226 : memref<1x40x128xi32, #tpu.memory_space<vmem>> -> memref<40x128xi32, #tpu.memory_space<vmem>>
        %dma_start3A_228 = arith.constant 0 : i32
        %dma_start3A_229 = tpu.memref_slice %arg2[%add3A_212, %dma_start3A_228] : memref<320000x128xi32, #tpu.memory_space<hbm>> -> memref<40x128xi32, #tpu.memory_space<hbm>>
        tpu.enqueue_dma source(%dma_start3A_229 : memref<40x128xi32, #tpu.memory_space<hbm>>) target(%dma_start3A_227 : memref<40x128xi32, #tpu.memory_space<vmem>>) target_semaphore(%arg14 : memref<!tpu.dma_semaphore, #tpu.memory_space<semaphore_mem>>)
        %dma_start3A_230 = arith.constant 0 : i32
        %dma_start3A_231 = arith.constant 0 : i32
        %dma_start3A_232 = arith.constant 0 : i32
        %dma_start3A_233 = tpu.memref_slice %arg11[%dma_start3A_230, %dma_start3A_231, %dma_start3A_232] : memref<2x40x128xi32, #tpu.memory_space<vmem>> -> memref<1x40x128xi32, #tpu.memory_space<vmem>>
        %dma_start3A_234 = tpu.memref_squeeze %dma_start3A_233 : memref<1x40x128xi32, #tpu.memory_space<vmem>> -> memref<40x128xi32, #tpu.memory_space<vmem>>
        %dma_start3A_235 = tpu.memref_slice %arg8[%mul3A_214] : memref<10000xi32, #tpu.memory_space<vmem>> -> memref<40xi32, #tpu.memory_space<vmem>>
        %dma_start3A_236 = arith.constant 0 : i32
        %dma_start3A_237 = arith.constant 0 : i32
        %dma_start3A_238 = tpu.memref_slice %arg3[%dma_start3A_236, %dma_start3A_237] : memref<10000x128xi32, #tpu.memory_space<hbm>> -> memref<10000x128xi32, #tpu.memory_space<hbm>>
        tpu.enqueue_indirect_dma source(%dma_start3A_238 : memref<10000x128xi32, #tpu.memory_space<hbm>>) target(%dma_start3A_234 : memref<40x128xi32, #tpu.memory_space<vmem>>) offsets(%dma_start3A_235 : memref<40xi32, #tpu.memory_space<vmem>>) semaphore(%arg14 : memref<!tpu.dma_semaphore, #tpu.memory_space<semaphore_mem>>)
        %dma_start3A_239 = arith.constant 0 : i32
        %dma_start3A_240 = arith.constant 0 : i32
        %dma_start3A_241 = arith.constant 0 : i32
        %dma_start3A_242 = tpu.memref_slice %arg12[%dma_start3A_239, %dma_start3A_240, %dma_start3A_241] : memref<2x40x128xi32, #tpu.memory_space<vmem>> -> memref<1x40x128xi32, #tpu.memory_space<vmem>>
        %dma_start3A_243 = tpu.memref_squeeze %dma_start3A_242 : memref<1x40x128xi32, #tpu.memory_space<vmem>> -> memref<40x128xi32, #tpu.memory_space<vmem>>
        %dma_start3A_244 = tpu.memref_slice %arg9[%mul3A_216] : memref<10000xi32, #tpu.memory_space<vmem>> -> memref<40xi32, #tpu.memory_space<vmem>>
        %dma_start3A_245 = arith.constant 0 : i32
        %dma_start3A_246 = arith.constant 0 : i32
        %dma_start3A_247 = tpu.memref_slice %arg4[%dma_start3A_245, %dma_start3A_246] : memref<10000x128xi32, #tpu.memory_space<hbm>> -> memref<10000x128xi32, #tpu.memory_space<hbm>>
        tpu.enqueue_indirect_dma source(%dma_start3A_247 : memref<10000x128xi32, #tpu.memory_space<hbm>>) target(%dma_start3A_243 : memref<40x128xi32, #tpu.memory_space<vmem>>) offsets(%dma_start3A_244 : memref<40xi32, #tpu.memory_space<vmem>>) semaphore(%arg14 : memref<!tpu.dma_semaphore, #tpu.memory_space<semaphore_mem>>)
      } else {
      }
      %mul3A_147 = arith.constant 40 : i32
      %mul3A_148 = arith.muli %add3A_139, %mul3A_147 : i32
      %add3A_149 = arith.addi %mul3A_2, %mul3A_148 : i32
      %mul3A_150 = arith.constant 40 : i32
      %mul3A_151 = arith.muli %add3A_139, %mul3A_150 : i32
      %mul3A_152 = arith.constant 40 : i32
      %mul3A_153 = arith.muli %add3A_139, %mul3A_152 : i32
      %dma_wait3A_154 = arith.constant 1 : i32
      %dma_wait3A_155 = arith.constant 0 : i32
      %dma_wait3A_156 = arith.constant 0 : i32
      %dma_wait3A_157 = tpu.memref_slice %arg10[%dma_wait3A_154, %dma_wait3A_155, %dma_wait3A_156] : memref<2x40x128xi32, #tpu.memory_space<vmem>> -> memref<1x40x128xi32, #tpu.memory_space<vmem>>
      %dma_wait3A_158 = tpu.memref_squeeze %dma_wait3A_157 : memref<1x40x128xi32, #tpu.memory_space<vmem>> -> memref<40x128xi32, #tpu.memory_space<vmem>>
      %dma_wait3A_159 = arith.constant 0 : i32
      %dma_wait3A_160 = tpu.memref_slice %arg2[%add3A_149, %dma_wait3A_159] : memref<320000x128xi32, #tpu.memory_space<hbm>> -> memref<40x128xi32, #tpu.memory_space<hbm>>
      %dma_wait3A_161 = arith.constant 0 : i32
      %dma_wait3A_162 = arith.constant 0 : i32
      %dma_wait3A_163 = tpu.memref_slice %arg10[%dma_wait3A_154, %dma_wait3A_161, %dma_wait3A_162] : memref<2x40x128xi32, #tpu.memory_space<vmem>> -> memref<1x40x128xi32, #tpu.memory_space<vmem>>
      %dma_wait3A_164 = tpu.memref_squeeze %dma_wait3A_163 : memref<1x40x128xi32, #tpu.memory_space<vmem>> -> memref<40x128xi32, #tpu.memory_space<vmem>>
      %dma_wait3A_165 = arith.constant 0 : i32
      %dma_wait3A_166 = tpu.memref_slice %arg2[%add3A_149, %dma_wait3A_165] : memref<320000x128xi32, #tpu.memory_space<hbm>> -> memref<40x128xi32, #tpu.memory_space<hbm>>
      tpu.wait_dma2 semaphore(%arg15 : memref<!tpu.dma_semaphore, #tpu.memory_space<semaphore_mem>>) src(%dma_wait3A_166 : memref<40x128xi32, #tpu.memory_space<hbm>>) dst(%dma_wait3A_164 : memref<40x128xi32, #tpu.memory_space<vmem>>)
      %dma_wait3A_167 = arith.constant 1 : i32
      %dma_wait3A_168 = arith.constant 0 : i32
      %dma_wait3A_169 = arith.constant 0 : i32
      %dma_wait3A_170 = tpu.memref_slice %arg11[%dma_wait3A_167, %dma_wait3A_168, %dma_wait3A_169] : memref<2x40x128xi32, #tpu.memory_space<vmem>> -> memref<1x40x128xi32, #tpu.memory_space<vmem>>
      %dma_wait3A_171 = tpu.memref_squeeze %dma_wait3A_170 : memref<1x40x128xi32, #tpu.memory_space<vmem>> -> memref<40x128xi32, #tpu.memory_space<vmem>>
      %dma_wait3A_172 = tpu.memref_slice %arg8[%mul3A_151] : memref<10000xi32, #tpu.memory_space<vmem>> -> memref<40xi32, #tpu.memory_space<vmem>>
      %dma_wait3A_173 = arith.constant 0 : i32
      %dma_wait3A_174 = arith.constant 0 : i32
      %dma_wait3A_175 = tpu.memref_slice %arg3[%dma_wait3A_173, %dma_wait3A_174] : memref<10000x128xi32, #tpu.memory_space<hbm>> -> memref<10000x128xi32, #tpu.memory_space<hbm>>
      tpu.wait_indirect_dma semaphore(%arg15 : memref<!tpu.dma_semaphore, #tpu.memory_space<semaphore_mem>>) src(%dma_wait3A_175 : memref<10000x128xi32, #tpu.memory_space<hbm>>) dst(%dma_wait3A_171 : memref<40x128xi32, #tpu.memory_space<vmem>>)
      %dma_wait3A_176 = arith.constant 1 : i32
      %dma_wait3A_177 = arith.constant 0 : i32
      %dma_wait3A_178 = arith.constant 0 : i32
      %dma_wait3A_179 = tpu.memref_slice %arg12[%dma_wait3A_176, %dma_wait3A_177, %dma_wait3A_178] : memref<2x40x128xi32, #tpu.memory_space<vmem>> -> memref<1x40x128xi32, #tpu.memory_space<vmem>>
      %dma_wait3A_180 = tpu.memref_squeeze %dma_wait3A_179 : memref<1x40x128xi32, #tpu.memory_space<vmem>> -> memref<40x128xi32, #tpu.memory_space<vmem>>
      %dma_wait3A_181 = tpu.memref_slice %arg9[%mul3A_153] : memref<10000xi32, #tpu.memory_space<vmem>> -> memref<40xi32, #tpu.memory_space<vmem>>
      %dma_wait3A_182 = arith.constant 0 : i32
      %dma_wait3A_183 = arith.constant 0 : i32
      %dma_wait3A_184 = tpu.memref_slice %arg4[%dma_wait3A_182, %dma_wait3A_183] : memref<10000x128xi32, #tpu.memory_space<hbm>> -> memref<10000x128xi32, #tpu.memory_space<hbm>>
      tpu.wait_indirect_dma semaphore(%arg15 : memref<!tpu.dma_semaphore, #tpu.memory_space<semaphore_mem>>) src(%dma_wait3A_184 : memref<10000x128xi32, #tpu.memory_space<hbm>>) dst(%dma_wait3A_180 : memref<40x128xi32, #tpu.memory_space<vmem>>)
      %parallel_loop3A_185 = arith.constant 0 : i32
      %parallel_loop3A_186 = arith.constant 40 : i32
      %parallel_loop3A_187 = arith.constant 1 : i32
      scf.for %parallel_loop3A_204 = %parallel_loop3A_185 to %parallel_loop3A_186 step %parallel_loop3A_187  : i32 {
        %parallel_loop3A_205 = arith.constant -65536 : i32
        %parallel_loop3A_206 = vector.broadcast %parallel_loop3A_205 : i32 to vector<16xi32>
        %parallel_loop3A_207 = arith.constant 1 : i32
        %parallel_loop3A_208 = arith.index_cast %parallel_loop3A_207 : i32 to index
        %parallel_loop3A_209 = arith.index_cast %parallel_loop3A_204 : i32 to index
        %parallel_loop3A_210 = arith.constant 0 : index
        %parallel_loop3A_211 = tpu.vector_load %arg11[%parallel_loop3A_208, %parallel_loop3A_209, %parallel_loop3A_210] {strides = array<i32>} : memref<2x40x128xi32, #tpu.memory_space<vmem>>, vector<1x1x16xi32>,
        %parallel_loop3A_212 = vector.shape_cast %parallel_loop3A_211 : vector<1x1x16xi32> to vector<16xi32>
        %parallel_loop3A_213 = arith.constant 1 : i32
        %parallel_loop3A_214 = arith.index_cast %parallel_loop3A_213 : i32 to index
        %parallel_loop3A_215 = arith.index_cast %parallel_loop3A_204 : i32 to index
        %parallel_loop3A_216 = arith.constant 0 : index
        %parallel_loop3A_217 = tpu.vector_load %arg12[%parallel_loop3A_214, %parallel_loop3A_215, %parallel_loop3A_216] {strides = array<i32>} : memref<2x40x128xi32, #tpu.memory_space<vmem>>, vector<1x1x16xi32>,
        %parallel_loop3A_218 = vector.shape_cast %parallel_loop3A_217 : vector<1x1x16xi32> to vector<16xi32>
        %parallel_loop3A_219 = arith.constant 1 : i32
        %parallel_loop3A_220 = arith.index_cast %parallel_loop3A_219 : i32 to index
        %parallel_loop3A_221 = arith.index_cast %parallel_loop3A_204 : i32 to index
        %parallel_loop3A_222 = arith.constant 0 : index
        %parallel_loop3A_223 = tpu.vector_load %arg10[%parallel_loop3A_220, %parallel_loop3A_221, %parallel_loop3A_222] {strides = array<i32>} : memref<2x40x128xi32, #tpu.memory_space<vmem>>, vector<1x1x16xi32>,
        %parallel_loop3A_224 = vector.shape_cast %parallel_loop3A_223 : vector<1x1x16xi32> to vector<16xi32>
        %parallel_loop3A_225 = arith.constant 16 : i32
        %parallel_loop3A_226 = vector.broadcast %parallel_loop3A_225 : i32 to vector<16xi32>
        %parallel_loop3A_227 = arith.shli %parallel_loop3A_212, %parallel_loop3A_226 : vector<16xi32>
        %parallel_loop3A_228 = tpu.bitcast %parallel_loop3A_227 : vector<16xi32> -> vector<16xf32>
        %parallel_loop3A_229 = arith.andi %parallel_loop3A_212, %parallel_loop3A_206 : vector<16xi32>
        %parallel_loop3A_230 = tpu.bitcast %parallel_loop3A_229 : vector<16xi32> -> vector<16xf32>
        %parallel_loop3A_231 = arith.constant 16 : i32
        %parallel_loop3A_232 = vector.broadcast %parallel_loop3A_231 : i32 to vector<16xi32>
        %parallel_loop3A_233 = arith.shli %parallel_loop3A_218, %parallel_loop3A_232 : vector<16xi32>
        %parallel_loop3A_234 = tpu.bitcast %parallel_loop3A_233 : vector<16xi32> -> vector<16xf32>
        %parallel_loop3A_235 = arith.andi %parallel_loop3A_218, %parallel_loop3A_206 : vector<16xi32>
        %parallel_loop3A_236 = tpu.bitcast %parallel_loop3A_235 : vector<16xi32> -> vector<16xf32>
        %parallel_loop3A_237 = arith.constant 16 : i32
        %parallel_loop3A_238 = vector.broadcast %parallel_loop3A_237 : i32 to vector<16xi32>
        %parallel_loop3A_239 = arith.shli %parallel_loop3A_224, %parallel_loop3A_238 : vector<16xi32>
        %parallel_loop3A_240 = tpu.bitcast %parallel_loop3A_239 : vector<16xi32> -> vector<16xf32>
        %parallel_loop3A_241 = arith.andi %parallel_loop3A_224, %parallel_loop3A_206 : vector<16xi32>
        %parallel_loop3A_242 = tpu.bitcast %parallel_loop3A_241 : vector<16xi32> -> vector<16xf32>
        %parallel_loop3A_243 = arith.addf %parallel_loop3A_228, %parallel_loop3A_234 : vector<16xf32>
        %parallel_loop3A_244 = arith.addf %parallel_loop3A_243, %parallel_loop3A_240 : vector<16xf32>
        %parallel_loop3A_245 = arith.constant 1 : i32
        %parallel_loop3A_246 = arith.index_cast %parallel_loop3A_245 : i32 to index
        %parallel_loop3A_247 = arith.index_cast %parallel_loop3A_204 : i32 to index
        %parallel_loop3A_248 = arith.constant 0 : index
        %parallel_loop3A_249 = tpu.vector_load %arg13[%parallel_loop3A_246, %parallel_loop3A_247, %parallel_loop3A_248] {strides = array<i32>} : memref<2x40x256xf32, #tpu.memory_space<vmem>>, vector<1x1x16xf32>,
        %parallel_loop3A_250 = vector.shape_cast %parallel_loop3A_249 : vector<1x1x16xf32> to vector<16xf32>
        %parallel_loop3A_251 = vector.shape_cast %parallel_loop3A_244 : vector<16xf32> to vector<1x1x16xf32>
        tpu.vector_store %arg13[%parallel_loop3A_246, %parallel_loop3A_247, %parallel_loop3A_248], %parallel_loop3A_251 {strides = array<i32>} : memref<2x40x256xf32, #tpu.memory_space<vmem>>, vector<1x1x16xf32>,
        %parallel_loop3A_252 = arith.addf %parallel_loop3A_230, %parallel_loop3A_236 : vector<16xf32>
        %parallel_loop3A_253 = arith.addf %parallel_loop3A_252, %parallel_loop3A_242 : vector<16xf32>
        %parallel_loop3A_254 = arith.constant 1 : i32
        %parallel_loop3A_255 = arith.index_cast %parallel_loop3A_254 : i32 to index
        %parallel_loop3A_256 = arith.index_cast %parallel_loop3A_204 : i32 to index
        %parallel_loop3A_257 = arith.constant 16 : index
        %parallel_loop3A_258 = tpu.vector_load %arg13[%parallel_loop3A_255, %parallel_loop3A_256, %parallel_loop3A_257] {strides = array<i32>} : memref<2x40x256xf32, #tpu.memory_space<vmem>>, vector<1x1x16xf32>,
        %parallel_loop3A_259 = vector.shape_cast %parallel_loop3A_258 : vector<1x1x16xf32> to vector<16xf32>
        %parallel_loop3A_260 = vector.shape_cast %parallel_loop3A_253 : vector<16xf32> to vector<1x1x16xf32>
        tpu.vector_store %arg13[%parallel_loop3A_255, %parallel_loop3A_256, %parallel_loop3A_257], %parallel_loop3A_260 {strides = array<i32>} : memref<2x40x256xf32, #tpu.memory_space<vmem>>, vector<1x1x16xf32>,
        %parallel_loop3A_261 = arith.constant 1 : i32
        %parallel_loop3A_262 = arith.index_cast %parallel_loop3A_261 : i32 to index
        %parallel_loop3A_263 = arith.index_cast %parallel_loop3A_204 : i32 to index
        %parallel_loop3A_264 = arith.constant 16 : index
        %parallel_loop3A_265 = tpu.vector_load %arg11[%parallel_loop3A_262, %parallel_loop3A_263, %parallel_loop3A_264] {strides = array<i32>} : memref<2x40x128xi32, #tpu.memory_space<vmem>>, vector<1x1x16xi32>,
        %parallel_loop3A_266 = vector.shape_cast %parallel_loop3A_265 : vector<1x1x16xi32> to vector<16xi32>
        %parallel_loop3A_267 = arith.constant 1 : i32
        %parallel_loop3A_268 = arith.index_cast %parallel_loop3A_267 : i32 to index
        %parallel_loop3A_269 = arith.index_cast %parallel_loop3A_204 : i32 to index
        %parallel_loop3A_270 = arith.constant 16 : index
        %parallel_loop3A_271 = tpu.vector_load %arg12[%parallel_loop3A_268, %parallel_loop3A_269, %parallel_loop3A_270] {strides = array<i32>} : memref<2x40x128xi32, #tpu.memory_space<vmem>>, vector<1x1x16xi32>,
        %parallel_loop3A_272 = vector.shape_cast %parallel_loop3A_271 : vector<1x1x16xi32> to vector<16xi32>
        %parallel_loop3A_273 = arith.constant 1 : i32
        %parallel_loop3A_274 = arith.index_cast %parallel_loop3A_273 : i32 to index
        %parallel_loop3A_275 = arith.index_cast %parallel_loop3A_204 : i32 to index
        %parallel_loop3A_276 = arith.constant 16 : index
        %parallel_loop3A_277 = tpu.vector_load %arg10[%parallel_loop3A_274, %parallel_loop3A_275, %parallel_loop3A_276] {strides = array<i32>} : memref<2x40x128xi32, #tpu.memory_space<vmem>>, vector<1x1x16xi32>,
        %parallel_loop3A_278 = vector.shape_cast %parallel_loop3A_277 : vector<1x1x16xi32> to vector<16xi32>
        %parallel_loop3A_279 = arith.constant 16 : i32
        %parallel_loop3A_280 = vector.broadcast %parallel_loop3A_279 : i32 to vector<16xi32>
        %parallel_loop3A_281 = arith.shli %parallel_loop3A_266, %parallel_loop3A_280 : vector<16xi32>
        %parallel_loop3A_282 = tpu.bitcast %parallel_loop3A_281 : vector<16xi32> -> vector<16xf32>
        %parallel_loop3A_283 = arith.andi %parallel_loop3A_266, %parallel_loop3A_206 : vector<16xi32>
        %parallel_loop3A_284 = tpu.bitcast %parallel_loop3A_283 : vector<16xi32> -> vector<16xf32>
        %parallel_loop3A_285 = arith.constant 16 : i32
        %parallel_loop3A_286 = vector.broadcast %parallel_loop3A_285 : i32 to vector<16xi32>
        %parallel_loop3A_287 = arith.shli %parallel_loop3A_272, %parallel_loop3A_286 : vector<16xi32>
        %parallel_loop3A_288 = tpu.bitcast %parallel_loop3A_287 : vector<16xi32> -> vector<16xf32>
        %parallel_loop3A_289 = arith.andi %parallel_loop3A_272, %parallel_loop3A_206 : vector<16xi32>
        %parallel_loop3A_290 = tpu.bitcast %parallel_loop3A_289 : vector<16xi32> -> vector<16xf32>
        %parallel_loop3A_291 = arith.constant 16 : i32
        %parallel_loop3A_292 = vector.broadcast %parallel_loop3A_291 : i32 to vector<16xi32>
        %parallel_loop3A_293 = arith.shli %parallel_loop3A_278, %parallel_loop3A_292 : vector<16xi32>
        %parallel_loop3A_294 = tpu.bitcast %parallel_loop3A_293 : vector<16xi32> -> vector<16xf32>
        %parallel_loop3A_295 = arith.andi %parallel_loop3A_278, %parallel_loop3A_206 : vector<16xi32>
        %parallel_loop3A_296 = tpu.bitcast %parallel_loop3A_295 : vector<16xi32> -> vector<16xf32>
        %parallel_loop3A_297 = arith.addf %parallel_loop3A_282, %parallel_loop3A_288 : vector<16xf32>
        %parallel_loop3A_298 = arith.addf %parallel_loop3A_297, %parallel_loop3A_294 : vector<16xf32>
        %parallel_loop3A_299 = arith.constant 1 : i32
        %parallel_loop3A_300 = arith.index_cast %parallel_loop3A_299 : i32 to index
        %parallel_loop3A_301 = arith.index_cast %parallel_loop3A_204 : i32 to index
        %parallel_loop3A_302 = arith.constant 32 : index
        %parallel_loop3A_303 = tpu.vector_load %arg13[%parallel_loop3A_300, %parallel_loop3A_301, %parallel_loop3A_302] {strides = array<i32>} : memref<2x40x256xf32, #tpu.memory_space<vmem>>, vector<1x1x16xf32>,
        %parallel_loop3A_304 = vector.shape_cast %parallel_loop3A_303 : vector<1x1x16xf32> to vector<16xf32>
        %parallel_loop3A_305 = vector.shape_cast %parallel_loop3A_298 : vector<16xf32> to vector<1x1x16xf32>
        tpu.vector_store %arg13[%parallel_loop3A_300, %parallel_loop3A_301, %parallel_loop3A_302], %parallel_loop3A_305 {strides = array<i32>} : memref<2x40x256xf32, #tpu.memory_space<vmem>>, vector<1x1x16xf32>,
        %parallel_loop3A_306 = arith.addf %parallel_loop3A_284, %parallel_loop3A_290 : vector<16xf32>
        %parallel_loop3A_307 = arith.addf %parallel_loop3A_306, %parallel_loop3A_296 : vector<16xf32>
        %parallel_loop3A_308 = arith.constant 1 : i32
        %parallel_loop3A_309 = arith.index_cast %parallel_loop3A_308 : i32 to index
        %parallel_loop3A_310 = arith.index_cast %parallel_loop3A_204 : i32 to index
        %parallel_loop3A_311 = arith.constant 48 : index
        %parallel_loop3A_312 = tpu.vector_load %arg13[%parallel_loop3A_309, %parallel_loop3A_310, %parallel_loop3A_311] {strides = array<i32>} : memref<2x40x256xf32, #tpu.memory_space<vmem>>, vector<1x1x16xf32>,
        %parallel_loop3A_313 = vector.shape_cast %parallel_loop3A_312 : vector<1x1x16xf32> to vector<16xf32>
        %parallel_loop3A_314 = vector.shape_cast %parallel_loop3A_307 : vector<16xf32> to vector<1x1x16xf32>
        tpu.vector_store %arg13[%parallel_loop3A_309, %parallel_loop3A_310, %parallel_loop3A_311], %parallel_loop3A_314 {strides = array<i32>} : memref<2x40x256xf32, #tpu.memory_space<vmem>>, vector<1x1x16xf32>,
        %parallel_loop3A_315 = arith.constant 1 : i32
        %parallel_loop3A_316 = arith.index_cast %parallel_loop3A_315 : i32 to index
        %parallel_loop3A_317 = arith.index_cast %parallel_loop3A_204 : i32 to index
        %parallel_loop3A_318 = arith.constant 32 : index
        %parallel_loop3A_319 = tpu.vector_load %arg11[%parallel_loop3A_316, %parallel_loop3A_317, %parallel_loop3A_318] {strides = array<i32>} : memref<2x40x128xi32, #tpu.memory_space<vmem>>, vector<1x1x16xi32>,
        %parallel_loop3A_320 = vector.shape_cast %parallel_loop3A_319 : vector<1x1x16xi32> to vector<16xi32>
        %parallel_loop3A_321 = arith.constant 1 : i32
        %parallel_loop3A_322 = arith.index_cast %parallel_loop3A_321 : i32 to index
        %parallel_loop3A_323 = arith.index_cast %parallel_loop3A_204 : i32 to index
        %parallel_loop3A_324 = arith.constant 32 : index
        %parallel_loop3A_325 = tpu.vector_load %arg12[%parallel_loop3A_322, %parallel_loop3A_323, %parallel_loop3A_324] {strides = array<i32>} : memref<2x40x128xi32, #tpu.memory_space<vmem>>, vector<1x1x16xi32>,
        %parallel_loop3A_326 = vector.shape_cast %parallel_loop3A_325 : vector<1x1x16xi32> to vector<16xi32>
        %parallel_loop3A_327 = arith.constant 1 : i32
        %parallel_loop3A_328 = arith.index_cast %parallel_loop3A_327 : i32 to index
        %parallel_loop3A_329 = arith.index_cast %parallel_loop3A_204 : i32 to index
        %parallel_loop3A_330 = arith.constant 32 : index
        %parallel_loop3A_331 = tpu.vector_load %arg10[%parallel_loop3A_328, %parallel_loop3A_329, %parallel_loop3A_330] {strides = array<i32>} : memref<2x40x128xi32, #tpu.memory_space<vmem>>, vector<1x1x16xi32>,
        %parallel_loop3A_332 = vector.shape_cast %parallel_loop3A_331 : vector<1x1x16xi32> to vector<16xi32>
        %parallel_loop3A_333 = arith.constant 16 : i32
        %parallel_loop3A_334 = vector.broadcast %parallel_loop3A_333 : i32 to vector<16xi32>
        %parallel_loop3A_335 = arith.shli %parallel_loop3A_320, %parallel_loop3A_334 : vector<16xi32>
        %parallel_loop3A_336 = tpu.bitcast %parallel_loop3A_335 : vector<16xi32> -> vector<16xf32>
        %parallel_loop3A_337 = arith.andi %parallel_loop3A_320, %parallel_loop3A_206 : vector<16xi32>
        %parallel_loop3A_338 = tpu.bitcast %parallel_loop3A_337 : vector<16xi32> -> vector<16xf32>
        %parallel_loop3A_339 = arith.constant 16 : i32
        %parallel_loop3A_340 = vector.broadcast %parallel_loop3A_339 : i32 to vector<16xi32>
        %parallel_loop3A_341 = arith.shli %parallel_loop3A_326, %parallel_loop3A_340 : vector<16xi32>
        %parallel_loop3A_342 = tpu.bitcast %parallel_loop3A_341 : vector<16xi32> -> vector<16xf32>
        %parallel_loop3A_343 = arith.andi %parallel_loop3A_326, %parallel_loop3A_206 : vector<16xi32>
        %parallel_loop3A_344 = tpu.bitcast %parallel_loop3A_343 : vector<16xi32> -> vector<16xf32>
        %parallel_loop3A_345 = arith.constant 16 : i32
        %parallel_loop3A_346 = vector.broadcast %parallel_loop3A_345 : i32 to vector<16xi32>
        %parallel_loop3A_347 = arith.shli %parallel_loop3A_332, %parallel_loop3A_346 : vector<16xi32>
        %parallel_loop3A_348 = tpu.bitcast %parallel_loop3A_347 : vector<16xi32> -> vector<16xf32>
        %parallel_loop3A_349 = arith.andi %parallel_loop3A_332, %parallel_loop3A_206 : vector<16xi32>
        %parallel_loop3A_350 = tpu.bitcast %parallel_loop3A_349 : vector<16xi32> -> vector<16xf32>
        %parallel_loop3A_351 = arith.addf %parallel_loop3A_336, %parallel_loop3A_342 : vector<16xf32>
        %parallel_loop3A_352 = arith.addf %parallel_loop3A_351, %parallel_loop3A_348 : vector<16xf32>
        %parallel_loop3A_353 = arith.constant 1 : i32
        %parallel_loop3A_354 = arith.index_cast %parallel_loop3A_353 : i32 to index
        %parallel_loop3A_355 = arith.index_cast %parallel_loop3A_204 : i32 to index
        %parallel_loop3A_356 = arith.constant 64 : index
        %parallel_loop3A_357 = tpu.vector_load %arg13[%parallel_loop3A_354, %parallel_loop3A_355, %parallel_loop3A_356] {strides = array<i32>} : memref<2x40x256xf32, #tpu.memory_space<vmem>>, vector<1x1x16xf32>,
        %parallel_loop3A_358 = vector.shape_cast %parallel_loop3A_357 : vector<1x1x16xf32> to vector<16xf32>
        %parallel_loop3A_359 = vector.shape_cast %parallel_loop3A_352 : vector<16xf32> to vector<1x1x16xf32>
        tpu.vector_store %arg13[%parallel_loop3A_354, %parallel_loop3A_355, %parallel_loop3A_356], %parallel_loop3A_359 {strides = array<i32>} : memref<2x40x256xf32, #tpu.memory_space<vmem>>, vector<1x1x16xf32>,
        %parallel_loop3A_360 = arith.addf %parallel_loop3A_338, %parallel_loop3A_344 : vector<16xf32>
        %parallel_loop3A_361 = arith.addf %parallel_loop3A_360, %parallel_loop3A_350 : vector<16xf32>
        %parallel_loop3A_362 = arith.constant 1 : i32
        %parallel_loop3A_363 = arith.index_cast %parallel_loop3A_362 : i32 to index
        %parallel_loop3A_364 = arith.index_cast %parallel_loop3A_204 : i32 to index
        %parallel_loop3A_365 = arith.constant 80 : index
        %parallel_loop3A_366 = tpu.vector_load %arg13[%parallel_loop3A_363, %parallel_loop3A_364, %parallel_loop3A_365] {strides = array<i32>} : memref<2x40x256xf32, #tpu.memory_space<vmem>>, vector<1x1x16xf32>,
        %parallel_loop3A_367 = vector.shape_cast %parallel_loop3A_366 : vector<1x1x16xf32> to vector<16xf32>
        %parallel_loop3A_368 = vector.shape_cast %parallel_loop3A_361 : vector<16xf32> to vector<1x1x16xf32>
        tpu.vector_store %arg13[%parallel_loop3A_363, %parallel_loop3A_364, %parallel_loop3A_365], %parallel_loop3A_368 {strides = array<i32>} : memref<2x40x256xf32, #tpu.memory_space<vmem>>, vector<1x1x16xf32>,
        %parallel_loop3A_369 = arith.constant 1 : i32
        %parallel_loop3A_370 = arith.index_cast %parallel_loop3A_369 : i32 to index
        %parallel_loop3A_371 = arith.index_cast %parallel_loop3A_204 : i32 to index
        %parallel_loop3A_372 = arith.constant 48 : index
        %parallel_loop3A_373 = tpu.vector_load %arg11[%parallel_loop3A_370, %parallel_loop3A_371, %parallel_loop3A_372] {strides = array<i32>} : memref<2x40x128xi32, #tpu.memory_space<vmem>>, vector<1x1x16xi32>,
        %parallel_loop3A_374 = vector.shape_cast %parallel_loop3A_373 : vector<1x1x16xi32> to vector<16xi32>
        %parallel_loop3A_375 = arith.constant 1 : i32
        %parallel_loop3A_376 = arith.index_cast %parallel_loop3A_375 : i32 to index
        %parallel_loop3A_377 = arith.index_cast %parallel_loop3A_204 : i32 to index
        %parallel_loop3A_378 = arith.constant 48 : index
        %parallel_loop3A_379 = tpu.vector_load %arg12[%parallel_loop3A_376, %parallel_loop3A_377, %parallel_loop3A_378] {strides = array<i32>} : memref<2x40x128xi32, #tpu.memory_space<vmem>>, vector<1x1x16xi32>,
        %parallel_loop3A_380 = vector.shape_cast %parallel_loop3A_379 : vector<1x1x16xi32> to vector<16xi32>
        %parallel_loop3A_381 = arith.constant 1 : i32
        %parallel_loop3A_382 = arith.index_cast %parallel_loop3A_381 : i32 to index
        %parallel_loop3A_383 = arith.index_cast %parallel_loop3A_204 : i32 to index
        %parallel_loop3A_384 = arith.constant 48 : index
        %parallel_loop3A_385 = tpu.vector_load %arg10[%parallel_loop3A_382, %parallel_loop3A_383, %parallel_loop3A_384] {strides = array<i32>} : memref<2x40x128xi32, #tpu.memory_space<vmem>>, vector<1x1x16xi32>,
        %parallel_loop3A_386 = vector.shape_cast %parallel_loop3A_385 : vector<1x1x16xi32> to vector<16xi32>
        %parallel_loop3A_387 = arith.constant 16 : i32
        %parallel_loop3A_388 = vector.broadcast %parallel_loop3A_387 : i32 to vector<16xi32>
        %parallel_loop3A_389 = arith.shli %parallel_loop3A_374, %parallel_loop3A_388 : vector<16xi32>
        %parallel_loop3A_390 = tpu.bitcast %parallel_loop3A_389 : vector<16xi32> -> vector<16xf32>
        %parallel_loop3A_391 = arith.andi %parallel_loop3A_374, %parallel_loop3A_206 : vector<16xi32>
        %parallel_loop3A_392 = tpu.bitcast %parallel_loop3A_391 : vector<16xi32> -> vector<16xf32>
        %parallel_loop3A_393 = arith.constant 16 : i32
        %parallel_loop3A_394 = vector.broadcast %parallel_loop3A_393 : i32 to vector<16xi32>
        %parallel_loop3A_395 = arith.shli %parallel_loop3A_380, %parallel_loop3A_394 : vector<16xi32>
        %parallel_loop3A_396 = tpu.bitcast %parallel_loop3A_395 : vector<16xi32> -> vector<16xf32>
        %parallel_loop3A_397 = arith.andi %parallel_loop3A_380, %parallel_loop3A_206 : vector<16xi32>
        %parallel_loop3A_398 = tpu.bitcast %parallel_loop3A_397 : vector<16xi32> -> vector<16xf32>
        %parallel_loop3A_399 = arith.constant 16 : i32
        %parallel_loop3A_400 = vector.broadcast %parallel_loop3A_399 : i32 to vector<16xi32>
        %parallel_loop3A_401 = arith.shli %parallel_loop3A_386, %parallel_loop3A_400 : vector<16xi32>
        %parallel_loop3A_402 = tpu.bitcast %parallel_loop3A_401 : vector<16xi32> -> vector<16xf32>
        %parallel_loop3A_403 = arith.andi %parallel_loop3A_386, %parallel_loop3A_206 : vector<16xi32>
        %parallel_loop3A_404 = tpu.bitcast %parallel_loop3A_403 : vector<16xi32> -> vector<16xf32>
        %parallel_loop3A_405 = arith.addf %parallel_loop3A_390, %parallel_loop3A_396 : vector<16xf32>
        %parallel_loop3A_406 = arith.addf %parallel_loop3A_405, %parallel_loop3A_402 : vector<16xf32>
        %parallel_loop3A_407 = arith.constant 1 : i32
        %parallel_loop3A_408 = arith.index_cast %parallel_loop3A_407 : i32 to index
        %parallel_loop3A_409 = arith.index_cast %parallel_loop3A_204 : i32 to index
        %parallel_loop3A_410 = arith.constant 96 : index
        %parallel_loop3A_411 = tpu.vector_load %arg13[%parallel_loop3A_408, %parallel_loop3A_409, %parallel_loop3A_410] {strides = array<i32>} : memref<2x40x256xf32, #tpu.memory_space<vmem>>, vector<1x1x16xf32>,
        %parallel_loop3A_412 = vector.shape_cast %parallel_loop3A_411 : vector<1x1x16xf32> to vector<16xf32>
        %parallel_loop3A_413 = vector.shape_cast %parallel_loop3A_406 : vector<16xf32> to vector<1x1x16xf32>
        tpu.vector_store %arg13[%parallel_loop3A_408, %parallel_loop3A_409, %parallel_loop3A_410], %parallel_loop3A_413 {strides = array<i32>} : memref<2x40x256xf32, #tpu.memory_space<vmem>>, vector<1x1x16xf32>,
        %parallel_loop3A_414 = arith.addf %parallel_loop3A_392, %parallel_loop3A_398 : vector<16xf32>
        %parallel_loop3A_415 = arith.addf %parallel_loop3A_414, %parallel_loop3A_404 : vector<16xf32>
        %parallel_loop3A_416 = arith.constant 1 : i32
        %parallel_loop3A_417 = arith.index_cast %parallel_loop3A_416 : i32 to index
        %parallel_loop3A_418 = arith.index_cast %parallel_loop3A_204 : i32 to index
        %parallel_loop3A_419 = arith.constant 112 : index
        %parallel_loop3A_420 = tpu.vector_load %arg13[%parallel_loop3A_417, %parallel_loop3A_418, %parallel_loop3A_419] {strides = array<i32>} : memref<2x40x256xf32, #tpu.memory_space<vmem>>, vector<1x1x16xf32>,
        %parallel_loop3A_421 = vector.shape_cast %parallel_loop3A_420 : vector<1x1x16xf32> to vector<16xf32>
        %parallel_loop3A_422 = vector.shape_cast %parallel_loop3A_415 : vector<16xf32> to vector<1x1x16xf32>
        tpu.vector_store %arg13[%parallel_loop3A_417, %parallel_loop3A_418, %parallel_loop3A_419], %parallel_loop3A_422 {strides = array<i32>} : memref<2x40x256xf32, #tpu.memory_space<vmem>>, vector<1x1x16xf32>,
        %parallel_loop3A_423 = arith.constant 1 : i32
        %parallel_loop3A_424 = arith.index_cast %parallel_loop3A_423 : i32 to index
        %parallel_loop3A_425 = arith.index_cast %parallel_loop3A_204 : i32 to index
        %parallel_loop3A_426 = arith.constant 64 : index
        %parallel_loop3A_427 = tpu.vector_load %arg11[%parallel_loop3A_424, %parallel_loop3A_425, %parallel_loop3A_426] {strides = array<i32>} : memref<2x40x128xi32, #tpu.memory_space<vmem>>, vector<1x1x16xi32>,
        %parallel_loop3A_428 = vector.shape_cast %parallel_loop3A_427 : vector<1x1x16xi32> to vector<16xi32>
        %parallel_loop3A_429 = arith.constant 1 : i32
        %parallel_loop3A_430 = arith.index_cast %parallel_loop3A_429 : i32 to index
        %parallel_loop3A_431 = arith.index_cast %parallel_loop3A_204 : i32 to index
        %parallel_loop3A_432 = arith.constant 64 : index
        %parallel_loop3A_433 = tpu.vector_load %arg12[%parallel_loop3A_430, %parallel_loop3A_431, %parallel_loop3A_432] {strides = array<i32>} : memref<2x40x128xi32, #tpu.memory_space<vmem>>, vector<1x1x16xi32>,
        %parallel_loop3A_434 = vector.shape_cast %parallel_loop3A_433 : vector<1x1x16xi32> to vector<16xi32>
        %parallel_loop3A_435 = arith.constant 1 : i32
        %parallel_loop3A_436 = arith.index_cast %parallel_loop3A_435 : i32 to index
        %parallel_loop3A_437 = arith.index_cast %parallel_loop3A_204 : i32 to index
        %parallel_loop3A_438 = arith.constant 64 : index
        %parallel_loop3A_439 = tpu.vector_load %arg10[%parallel_loop3A_436, %parallel_loop3A_437, %parallel_loop3A_438] {strides = array<i32>} : memref<2x40x128xi32, #tpu.memory_space<vmem>>, vector<1x1x16xi32>,
        %parallel_loop3A_440 = vector.shape_cast %parallel_loop3A_439 : vector<1x1x16xi32> to vector<16xi32>
        %parallel_loop3A_441 = arith.constant 16 : i32
        %parallel_loop3A_442 = vector.broadcast %parallel_loop3A_441 : i32 to vector<16xi32>
        %parallel_loop3A_443 = arith.shli %parallel_loop3A_428, %parallel_loop3A_442 : vector<16xi32>
        %parallel_loop3A_444 = tpu.bitcast %parallel_loop3A_443 : vector<16xi32> -> vector<16xf32>
        %parallel_loop3A_445 = arith.andi %parallel_loop3A_428, %parallel_loop3A_206 : vector<16xi32>
        %parallel_loop3A_446 = tpu.bitcast %parallel_loop3A_445 : vector<16xi32> -> vector<16xf32>
        %parallel_loop3A_447 = arith.constant 16 : i32
        %parallel_loop3A_448 = vector.broadcast %parallel_loop3A_447 : i32 to vector<16xi32>
        %parallel_loop3A_449 = arith.shli %parallel_loop3A_434, %parallel_loop3A_448 : vector<16xi32>
        %parallel_loop3A_450 = tpu.bitcast %parallel_loop3A_449 : vector<16xi32> -> vector<16xf32>
        %parallel_loop3A_451 = arith.andi %parallel_loop3A_434, %parallel_loop3A_206 : vector<16xi32>
        %parallel_loop3A_452 = tpu.bitcast %parallel_loop3A_451 : vector<16xi32> -> vector<16xf32>
        %parallel_loop3A_453 = arith.constant 16 : i32
        %parallel_loop3A_454 = vector.broadcast %parallel_loop3A_453 : i32 to vector<16xi32>
        %parallel_loop3A_455 = arith.shli %parallel_loop3A_440, %parallel_loop3A_454 : vector<16xi32>
        %parallel_loop3A_456 = tpu.bitcast %parallel_loop3A_455 : vector<16xi32> -> vector<16xf32>
        %parallel_loop3A_457 = arith.andi %parallel_loop3A_440, %parallel_loop3A_206 : vector<16xi32>
        %parallel_loop3A_458 = tpu.bitcast %parallel_loop3A_457 : vector<16xi32> -> vector<16xf32>
        %parallel_loop3A_459 = arith.addf %parallel_loop3A_444, %parallel_loop3A_450 : vector<16xf32>
        %parallel_loop3A_460 = arith.addf %parallel_loop3A_459, %parallel_loop3A_456 : vector<16xf32>
        %parallel_loop3A_461 = arith.constant 1 : i32
        %parallel_loop3A_462 = arith.index_cast %parallel_loop3A_461 : i32 to index
        %parallel_loop3A_463 = arith.index_cast %parallel_loop3A_204 : i32 to index
        %parallel_loop3A_464 = arith.constant 128 : index
        %parallel_loop3A_465 = tpu.vector_load %arg13[%parallel_loop3A_462, %parallel_loop3A_463, %parallel_loop3A_464] {strides = array<i32>} : memref<2x40x256xf32, #tpu.memory_space<vmem>>, vector<1x1x16xf32>,
        %parallel_loop3A_466 = vector.shape_cast %parallel_loop3A_465 : vector<1x1x16xf32> to vector<16xf32>
        %parallel_loop3A_467 = vector.shape_cast %parallel_loop3A_460 : vector<16xf32> to vector<1x1x16xf32>
        tpu.vector_store %arg13[%parallel_loop3A_462, %parallel_loop3A_463, %parallel_loop3A_464], %parallel_loop3A_467 {strides = array<i32>} : memref<2x40x256xf32, #tpu.memory_space<vmem>>, vector<1x1x16xf32>,
        %parallel_loop3A_468 = arith.addf %parallel_loop3A_446, %parallel_loop3A_452 : vector<16xf32>
        %parallel_loop3A_469 = arith.addf %parallel_loop3A_468, %parallel_loop3A_458 : vector<16xf32>
        %parallel_loop3A_470 = arith.constant 1 : i32
        %parallel_loop3A_471 = arith.index_cast %parallel_loop3A_470 : i32 to index
        %parallel_loop3A_472 = arith.index_cast %parallel_loop3A_204 : i32 to index
        %parallel_loop3A_473 = arith.constant 144 : index
        %parallel_loop3A_474 = tpu.vector_load %arg13[%parallel_loop3A_471, %parallel_loop3A_472, %parallel_loop3A_473] {strides = array<i32>} : memref<2x40x256xf32, #tpu.memory_space<vmem>>, vector<1x1x16xf32>,
        %parallel_loop3A_475 = vector.shape_cast %parallel_loop3A_474 : vector<1x1x16xf32> to vector<16xf32>
        %parallel_loop3A_476 = vector.shape_cast %parallel_loop3A_469 : vector<16xf32> to vector<1x1x16xf32>
        tpu.vector_store %arg13[%parallel_loop3A_471, %parallel_loop3A_472, %parallel_loop3A_473], %parallel_loop3A_476 {strides = array<i32>} : memref<2x40x256xf32, #tpu.memory_space<vmem>>, vector<1x1x16xf32>,
        %parallel_loop3A_477 = arith.constant 1 : i32
        %parallel_loop3A_478 = arith.index_cast %parallel_loop3A_477 : i32 to index
        %parallel_loop3A_479 = arith.index_cast %parallel_loop3A_204 : i32 to index
        %parallel_loop3A_480 = arith.constant 80 : index
        %parallel_loop3A_481 = tpu.vector_load %arg11[%parallel_loop3A_478, %parallel_loop3A_479, %parallel_loop3A_480] {strides = array<i32>} : memref<2x40x128xi32, #tpu.memory_space<vmem>>, vector<1x1x16xi32>,
        %parallel_loop3A_482 = vector.shape_cast %parallel_loop3A_481 : vector<1x1x16xi32> to vector<16xi32>
        %parallel_loop3A_483 = arith.constant 1 : i32
        %parallel_loop3A_484 = arith.index_cast %parallel_loop3A_483 : i32 to index
        %parallel_loop3A_485 = arith.index_cast %parallel_loop3A_204 : i32 to index
        %parallel_loop3A_486 = arith.constant 80 : index
        %parallel_loop3A_487 = tpu.vector_load %arg12[%parallel_loop3A_484, %parallel_loop3A_485, %parallel_loop3A_486] {strides = array<i32>} : memref<2x40x128xi32, #tpu.memory_space<vmem>>, vector<1x1x16xi32>,
        %parallel_loop3A_488 = vector.shape_cast %parallel_loop3A_487 : vector<1x1x16xi32> to vector<16xi32>
        %parallel_loop3A_489 = arith.constant 1 : i32
        %parallel_loop3A_490 = arith.index_cast %parallel_loop3A_489 : i32 to index
        %parallel_loop3A_491 = arith.index_cast %parallel_loop3A_204 : i32 to index
        %parallel_loop3A_492 = arith.constant 80 : index
        %parallel_loop3A_493 = tpu.vector_load %arg10[%parallel_loop3A_490, %parallel_loop3A_491, %parallel_loop3A_492] {strides = array<i32>} : memref<2x40x128xi32, #tpu.memory_space<vmem>>, vector<1x1x16xi32>,
        %parallel_loop3A_494 = vector.shape_cast %parallel_loop3A_493 : vector<1x1x16xi32> to vector<16xi32>
        %parallel_loop3A_495 = arith.constant 16 : i32
        %parallel_loop3A_496 = vector.broadcast %parallel_loop3A_495 : i32 to vector<16xi32>
        %parallel_loop3A_497 = arith.shli %parallel_loop3A_482, %parallel_loop3A_496 : vector<16xi32>
        %parallel_loop3A_498 = tpu.bitcast %parallel_loop3A_497 : vector<16xi32> -> vector<16xf32>
        %parallel_loop3A_499 = arith.andi %parallel_loop3A_482, %parallel_loop3A_206 : vector<16xi32>
        %parallel_loop3A_500 = tpu.bitcast %parallel_loop3A_499 : vector<16xi32> -> vector<16xf32>
        %parallel_loop3A_501 = arith.constant 16 : i32
        %parallel_loop3A_502 = vector.broadcast %parallel_loop3A_501 : i32 to vector<16xi32>
        %parallel_loop3A_503 = arith.shli %parallel_loop3A_488, %parallel_loop3A_502 : vector<16xi32>
        %parallel_loop3A_504 = tpu.bitcast %parallel_loop3A_503 : vector<16xi32> -> vector<16xf32>
        %parallel_loop3A_505 = arith.andi %parallel_loop3A_488, %parallel_loop3A_206 : vector<16xi32>
        %parallel_loop3A_506 = tpu.bitcast %parallel_loop3A_505 : vector<16xi32> -> vector<16xf32>
        %parallel_loop3A_507 = arith.constant 16 : i32
        %parallel_loop3A_508 = vector.broadcast %parallel_loop3A_507 : i32 to vector<16xi32>
        %parallel_loop3A_509 = arith.shli %parallel_loop3A_494, %parallel_loop3A_508 : vector<16xi32>
        %parallel_loop3A_510 = tpu.bitcast %parallel_loop3A_509 : vector<16xi32> -> vector<16xf32>
        %parallel_loop3A_511 = arith.andi %parallel_loop3A_494, %parallel_loop3A_206 : vector<16xi32>
        %parallel_loop3A_512 = tpu.bitcast %parallel_loop3A_511 : vector<16xi32> -> vector<16xf32>
        %parallel_loop3A_513 = arith.addf %parallel_loop3A_498, %parallel_loop3A_504 : vector<16xf32>
        %parallel_loop3A_514 = arith.addf %parallel_loop3A_513, %parallel_loop3A_510 : vector<16xf32>
        %parallel_loop3A_515 = arith.constant 1 : i32
        %parallel_loop3A_516 = arith.index_cast %parallel_loop3A_515 : i32 to index
        %parallel_loop3A_517 = arith.index_cast %parallel_loop3A_204 : i32 to index
        %parallel_loop3A_518 = arith.constant 160 : index
        %parallel_loop3A_519 = tpu.vector_load %arg13[%parallel_loop3A_516, %parallel_loop3A_517, %parallel_loop3A_518] {strides = array<i32>} : memref<2x40x256xf32, #tpu.memory_space<vmem>>, vector<1x1x16xf32>,
        %parallel_loop3A_520 = vector.shape_cast %parallel_loop3A_519 : vector<1x1x16xf32> to vector<16xf32>
        %parallel_loop3A_521 = vector.shape_cast %parallel_loop3A_514 : vector<16xf32> to vector<1x1x16xf32>
        tpu.vector_store %arg13[%parallel_loop3A_516, %parallel_loop3A_517, %parallel_loop3A_518], %parallel_loop3A_521 {strides = array<i32>} : memref<2x40x256xf32, #tpu.memory_space<vmem>>, vector<1x1x16xf32>,
        %parallel_loop3A_522 = arith.addf %parallel_loop3A_500, %parallel_loop3A_506 : vector<16xf32>
        %parallel_loop3A_523 = arith.addf %parallel_loop3A_522, %parallel_loop3A_512 : vector<16xf32>
        %parallel_loop3A_524 = arith.constant 1 : i32
        %parallel_loop3A_525 = arith.index_cast %parallel_loop3A_524 : i32 to index
        %parallel_loop3A_526 = arith.index_cast %parallel_loop3A_204 : i32 to index
        %parallel_loop3A_527 = arith.constant 176 : index
        %parallel_loop3A_528 = tpu.vector_load %arg13[%parallel_loop3A_525, %parallel_loop3A_526, %parallel_loop3A_527] {strides = array<i32>} : memref<2x40x256xf32, #tpu.memory_space<vmem>>, vector<1x1x16xf32>,
        %parallel_loop3A_529 = vector.shape_cast %parallel_loop3A_528 : vector<1x1x16xf32> to vector<16xf32>
        %parallel_loop3A_530 = vector.shape_cast %parallel_loop3A_523 : vector<16xf32> to vector<1x1x16xf32>
        tpu.vector_store %arg13[%parallel_loop3A_525, %parallel_loop3A_526, %parallel_loop3A_527], %parallel_loop3A_530 {strides = array<i32>} : memref<2x40x256xf32, #tpu.memory_space<vmem>>, vector<1x1x16xf32>,
        %parallel_loop3A_531 = arith.constant 1 : i32
        %parallel_loop3A_532 = arith.index_cast %parallel_loop3A_531 : i32 to index
        %parallel_loop3A_533 = arith.index_cast %parallel_loop3A_204 : i32 to index
        %parallel_loop3A_534 = arith.constant 96 : index
        %parallel_loop3A_535 = tpu.vector_load %arg11[%parallel_loop3A_532, %parallel_loop3A_533, %parallel_loop3A_534] {strides = array<i32>} : memref<2x40x128xi32, #tpu.memory_space<vmem>>, vector<1x1x16xi32>,
        %parallel_loop3A_536 = vector.shape_cast %parallel_loop3A_535 : vector<1x1x16xi32> to vector<16xi32>
        %parallel_loop3A_537 = arith.constant 1 : i32
        %parallel_loop3A_538 = arith.index_cast %parallel_loop3A_537 : i32 to index
        %parallel_loop3A_539 = arith.index_cast %parallel_loop3A_204 : i32 to index
        %parallel_loop3A_540 = arith.constant 96 : index
        %parallel_loop3A_541 = tpu.vector_load %arg12[%parallel_loop3A_538, %parallel_loop3A_539, %parallel_loop3A_540] {strides = array<i32>} : memref<2x40x128xi32, #tpu.memory_space<vmem>>, vector<1x1x16xi32>,
        %parallel_loop3A_542 = vector.shape_cast %parallel_loop3A_541 : vector<1x1x16xi32> to vector<16xi32>
        %parallel_loop3A_543 = arith.constant 1 : i32
        %parallel_loop3A_544 = arith.index_cast %parallel_loop3A_543 : i32 to index
        %parallel_loop3A_545 = arith.index_cast %parallel_loop3A_204 : i32 to index
        %parallel_loop3A_546 = arith.constant 96 : index
        %parallel_loop3A_547 = tpu.vector_load %arg10[%parallel_loop3A_544, %parallel_loop3A_545, %parallel_loop3A_546] {strides = array<i32>} : memref<2x40x128xi32, #tpu.memory_space<vmem>>, vector<1x1x16xi32>,
        %parallel_loop3A_548 = vector.shape_cast %parallel_loop3A_547 : vector<1x1x16xi32> to vector<16xi32>
        %parallel_loop3A_549 = arith.constant 16 : i32
        %parallel_loop3A_550 = vector.broadcast %parallel_loop3A_549 : i32 to vector<16xi32>
        %parallel_loop3A_551 = arith.shli %parallel_loop3A_536, %parallel_loop3A_550 : vector<16xi32>
        %parallel_loop3A_552 = tpu.bitcast %parallel_loop3A_551 : vector<16xi32> -> vector<16xf32>
        %parallel_loop3A_553 = arith.andi %parallel_loop3A_536, %parallel_loop3A_206 : vector<16xi32>
        %parallel_loop3A_554 = tpu.bitcast %parallel_loop3A_553 : vector<16xi32> -> vector<16xf32>
        %parallel_loop3A_555 = arith.constant 16 : i32
        %parallel_loop3A_556 = vector.broadcast %parallel_loop3A_555 : i32 to vector<16xi32>
        %parallel_loop3A_557 = arith.shli %parallel_loop3A_542, %parallel_loop3A_556 : vector<16xi32>
        %parallel_loop3A_558 = tpu.bitcast %parallel_loop3A_557 : vector<16xi32> -> vector<16xf32>
        %parallel_loop3A_559 = arith.andi %parallel_loop3A_542, %parallel_loop3A_206 : vector<16xi32>
        %parallel_loop3A_560 = tpu.bitcast %parallel_loop3A_559 : vector<16xi32> -> vector<16xf32>
        %parallel_loop3A_561 = arith.constant 16 : i32
        %parallel_loop3A_562 = vector.broadcast %parallel_loop3A_561 : i32 to vector<16xi32>
        %parallel_loop3A_563 = arith.shli %parallel_loop3A_548, %parallel_loop3A_562 : vector<16xi32>
        %parallel_loop3A_564 = tpu.bitcast %parallel_loop3A_563 : vector<16xi32> -> vector<16xf32>
        %parallel_loop3A_565 = arith.andi %parallel_loop3A_548, %parallel_loop3A_206 : vector<16xi32>
        %parallel_loop3A_566 = tpu.bitcast %parallel_loop3A_565 : vector<16xi32> -> vector<16xf32>
        %parallel_loop3A_567 = arith.addf %parallel_loop3A_552, %parallel_loop3A_558 : vector<16xf32>
        %parallel_loop3A_568 = arith.addf %parallel_loop3A_567, %parallel_loop3A_564 : vector<16xf32>
        %parallel_loop3A_569 = arith.constant 1 : i32
        %parallel_loop3A_570 = arith.index_cast %parallel_loop3A_569 : i32 to index
        %parallel_loop3A_571 = arith.index_cast %parallel_loop3A_204 : i32 to index
        %parallel_loop3A_572 = arith.constant 192 : index
        %parallel_loop3A_573 = tpu.vector_load %arg13[%parallel_loop3A_570, %parallel_loop3A_571, %parallel_loop3A_572] {strides = array<i32>} : memref<2x40x256xf32, #tpu.memory_space<vmem>>, vector<1x1x16xf32>,
        %parallel_loop3A_574 = vector.shape_cast %parallel_loop3A_573 : vector<1x1x16xf32> to vector<16xf32>
        %parallel_loop3A_575 = vector.shape_cast %parallel_loop3A_568 : vector<16xf32> to vector<1x1x16xf32>
        tpu.vector_store %arg13[%parallel_loop3A_570, %parallel_loop3A_571, %parallel_loop3A_572], %parallel_loop3A_575 {strides = array<i32>} : memref<2x40x256xf32, #tpu.memory_space<vmem>>, vector<1x1x16xf32>,
        %parallel_loop3A_576 = arith.addf %parallel_loop3A_554, %parallel_loop3A_560 : vector<16xf32>
        %parallel_loop3A_577 = arith.addf %parallel_loop3A_576, %parallel_loop3A_566 : vector<16xf32>
        %parallel_loop3A_578 = arith.constant 1 : i32
        %parallel_loop3A_579 = arith.index_cast %parallel_loop3A_578 : i32 to index
        %parallel_loop3A_580 = arith.index_cast %parallel_loop3A_204 : i32 to index
        %parallel_loop3A_581 = arith.constant 208 : index
        %parallel_loop3A_582 = tpu.vector_load %arg13[%parallel_loop3A_579, %parallel_loop3A_580, %parallel_loop3A_581] {strides = array<i32>} : memref<2x40x256xf32, #tpu.memory_space<vmem>>, vector<1x1x16xf32>,
        %parallel_loop3A_583 = vector.shape_cast %parallel_loop3A_582 : vector<1x1x16xf32> to vector<16xf32>
        %parallel_loop3A_584 = vector.shape_cast %parallel_loop3A_577 : vector<16xf32> to vector<1x1x16xf32>
        tpu.vector_store %arg13[%parallel_loop3A_579, %parallel_loop3A_580, %parallel_loop3A_581], %parallel_loop3A_584 {strides = array<i32>} : memref<2x40x256xf32, #tpu.memory_space<vmem>>, vector<1x1x16xf32>,
        %parallel_loop3A_585 = arith.constant 1 : i32
        %parallel_loop3A_586 = arith.index_cast %parallel_loop3A_585 : i32 to index
        %parallel_loop3A_587 = arith.index_cast %parallel_loop3A_204 : i32 to index
        %parallel_loop3A_588 = arith.constant 112 : index
        %parallel_loop3A_589 = tpu.vector_load %arg11[%parallel_loop3A_586, %parallel_loop3A_587, %parallel_loop3A_588] {strides = array<i32>} : memref<2x40x128xi32, #tpu.memory_space<vmem>>, vector<1x1x16xi32>,
        %parallel_loop3A_590 = vector.shape_cast %parallel_loop3A_589 : vector<1x1x16xi32> to vector<16xi32>
        %parallel_loop3A_591 = arith.constant 1 : i32
        %parallel_loop3A_592 = arith.index_cast %parallel_loop3A_591 : i32 to index
        %parallel_loop3A_593 = arith.index_cast %parallel_loop3A_204 : i32 to index
        %parallel_loop3A_594 = arith.constant 112 : index
        %parallel_loop3A_595 = tpu.vector_load %arg12[%parallel_loop3A_592, %parallel_loop3A_593, %parallel_loop3A_594] {strides = array<i32>} : memref<2x40x128xi32, #tpu.memory_space<vmem>>, vector<1x1x16xi32>,
        %parallel_loop3A_596 = vector.shape_cast %parallel_loop3A_595 : vector<1x1x16xi32> to vector<16xi32>
        %parallel_loop3A_597 = arith.constant 1 : i32
        %parallel_loop3A_598 = arith.index_cast %parallel_loop3A_597 : i32 to index
        %parallel_loop3A_599 = arith.index_cast %parallel_loop3A_204 : i32 to index
        %parallel_loop3A_600 = arith.constant 112 : index
        %parallel_loop3A_601 = tpu.vector_load %arg10[%parallel_loop3A_598, %parallel_loop3A_599, %parallel_loop3A_600] {strides = array<i32>} : memref<2x40x128xi32, #tpu.memory_space<vmem>>, vector<1x1x16xi32>,
        %parallel_loop3A_602 = vector.shape_cast %parallel_loop3A_601 : vector<1x1x16xi32> to vector<16xi32>
        %parallel_loop3A_603 = arith.constant 16 : i32
        %parallel_loop3A_604 = vector.broadcast %parallel_loop3A_603 : i32 to vector<16xi32>
        %parallel_loop3A_605 = arith.shli %parallel_loop3A_590, %parallel_loop3A_604 : vector<16xi32>
        %parallel_loop3A_606 = tpu.bitcast %parallel_loop3A_605 : vector<16xi32> -> vector<16xf32>
        %parallel_loop3A_607 = arith.andi %parallel_loop3A_590, %parallel_loop3A_206 : vector<16xi32>
        %parallel_loop3A_608 = tpu.bitcast %parallel_loop3A_607 : vector<16xi32> -> vector<16xf32>
        %parallel_loop3A_609 = arith.constant 16 : i32
        %parallel_loop3A_610 = vector.broadcast %parallel_loop3A_609 : i32 to vector<16xi32>
        %parallel_loop3A_611 = arith.shli %parallel_loop3A_596, %parallel_loop3A_610 : vector<16xi32>
        %parallel_loop3A_612 = tpu.bitcast %parallel_loop3A_611 : vector<16xi32> -> vector<16xf32>
        %parallel_loop3A_613 = arith.andi %parallel_loop3A_596, %parallel_loop3A_206 : vector<16xi32>
        %parallel_loop3A_614 = tpu.bitcast %parallel_loop3A_613 : vector<16xi32> -> vector<16xf32>
        %parallel_loop3A_615 = arith.constant 16 : i32
        %parallel_loop3A_616 = vector.broadcast %parallel_loop3A_615 : i32 to vector<16xi32>
        %parallel_loop3A_617 = arith.shli %parallel_loop3A_602, %parallel_loop3A_616 : vector<16xi32>
        %parallel_loop3A_618 = tpu.bitcast %parallel_loop3A_617 : vector<16xi32> -> vector<16xf32>
        %parallel_loop3A_619 = arith.andi %parallel_loop3A_602, %parallel_loop3A_206 : vector<16xi32>
        %parallel_loop3A_620 = tpu.bitcast %parallel_loop3A_619 : vector<16xi32> -> vector<16xf32>
        %parallel_loop3A_621 = arith.addf %parallel_loop3A_606, %parallel_loop3A_612 : vector<16xf32>
        %parallel_loop3A_622 = arith.addf %parallel_loop3A_621, %parallel_loop3A_618 : vector<16xf32>
        %parallel_loop3A_623 = arith.constant 1 : i32
        %parallel_loop3A_624 = arith.index_cast %parallel_loop3A_623 : i32 to index
        %parallel_loop3A_625 = arith.index_cast %parallel_loop3A_204 : i32 to index
        %parallel_loop3A_626 = arith.constant 224 : index
        %parallel_loop3A_627 = tpu.vector_load %arg13[%parallel_loop3A_624, %parallel_loop3A_625, %parallel_loop3A_626] {strides = array<i32>} : memref<2x40x256xf32, #tpu.memory_space<vmem>>, vector<1x1x16xf32>,
        %parallel_loop3A_628 = vector.shape_cast %parallel_loop3A_627 : vector<1x1x16xf32> to vector<16xf32>
        %parallel_loop3A_629 = vector.shape_cast %parallel_loop3A_622 : vector<16xf32> to vector<1x1x16xf32>
        tpu.vector_store %arg13[%parallel_loop3A_624, %parallel_loop3A_625, %parallel_loop3A_626], %parallel_loop3A_629 {strides = array<i32>} : memref<2x40x256xf32, #tpu.memory_space<vmem>>, vector<1x1x16xf32>,
        %parallel_loop3A_630 = arith.addf %parallel_loop3A_608, %parallel_loop3A_614 : vector<16xf32>
        %parallel_loop3A_631 = arith.addf %parallel_loop3A_630, %parallel_loop3A_620 : vector<16xf32>
        %parallel_loop3A_632 = arith.constant 1 : i32
        %parallel_loop3A_633 = arith.index_cast %parallel_loop3A_632 : i32 to index
        %parallel_loop3A_634 = arith.index_cast %parallel_loop3A_204 : i32 to index
        %parallel_loop3A_635 = arith.constant 240 : index
        %parallel_loop3A_636 = tpu.vector_load %arg13[%parallel_loop3A_633, %parallel_loop3A_634, %parallel_loop3A_635] {strides = array<i32>} : memref<2x40x256xf32, #tpu.memory_space<vmem>>, vector<1x1x16xf32>,
        %parallel_loop3A_637 = vector.shape_cast %parallel_loop3A_636 : vector<1x1x16xf32> to vector<16xf32>
        %parallel_loop3A_638 = vector.shape_cast %parallel_loop3A_631 : vector<16xf32> to vector<1x1x16xf32>
        tpu.vector_store %arg13[%parallel_loop3A_633, %parallel_loop3A_634, %parallel_loop3A_635], %parallel_loop3A_638 {strides = array<i32>} : memref<2x40x256xf32, #tpu.memory_space<vmem>>, vector<1x1x16xf32>,
      } {sc.loop_unroll_factor = 2 : i64, sc.parallel_access}
      %mul3A_188 = arith.constant 40 : i32
      %mul3A_189 = arith.muli %add3A_139, %mul3A_188 : i32
      %add3A_190 = arith.addi %mul3A_2, %mul3A_189 : i32
      %dma_start3A_191 = arith.constant 1 : i32
      %dma_start3A_192 = arith.constant 0 : i32
      %dma_start3A_193 = arith.constant 0 : i32
      %dma_start3A_194 = tpu.memref_slice %arg13[%dma_start3A_191, %dma_start3A_192, %dma_start3A_193] : memref<2x40x256xf32, #tpu.memory_space<vmem>> -> memref<1x40x256xf32, #tpu.memory_space<vmem>>
      %dma_start3A_195 = tpu.memref_squeeze %dma_start3A_194 : memref<1x40x256xf32, #tpu.memory_space<vmem>> -> memref<40x256xf32, #tpu.memory_space<vmem>>
      %dma_start3A_196 = arith.constant 0 : i32
      %dma_start3A_197 = tpu.memref_slice %arg7[%add3A_190, %dma_start3A_196] : memref<320000x256xf32, #tpu.memory_space<hbm>> -> memref<40x256xf32, #tpu.memory_space<hbm>>
      %dma_start3A_198 = arith.constant 0 : i32
      %dma_start3A_199 = tpu.memref_slice %arg7[%add3A_190, %dma_start3A_198] : memref<320000x256xf32, #tpu.memory_space<hbm>> -> memref<40x256xf32, #tpu.memory_space<hbm>>
      %dma_start3A_200 = arith.constant 0 : i32
      %dma_start3A_201 = arith.constant 0 : i32
      %dma_start3A_202 = tpu.memref_slice %arg13[%dma_start3A_191, %dma_start3A_200, %dma_start3A_201] : memref<2x40x256xf32, #tpu.memory_space<vmem>> -> memref<1x40x256xf32, #tpu.memory_space<vmem>>
      %dma_start3A_203 = tpu.memref_squeeze %dma_start3A_202 : memref<1x40x256xf32, #tpu.memory_space<vmem>> -> memref<40x256xf32, #tpu.memory_space<vmem>>
      tpu.enqueue_dma source(%dma_start3A_203 : memref<40x256xf32, #tpu.memory_space<vmem>>) target(%dma_start3A_199 : memref<40x256xf32, #tpu.memory_space<hbm>>) target_semaphore(%arg17 : memref<!tpu.dma_semaphore, #tpu.memory_space<semaphore_mem>>)
    }
    %scan3A_41 = arith.constant 125 : i32
    %add3A_42 = arith.constant 9920 : i32
    %add3A_43 = arith.addi %mul3A_2, %add3A_42 : i32
    %dma_wait3A = arith.constant 0 : i32
    %dma_wait3A_44 = arith.constant 0 : i32
    %dma_wait3A_45 = arith.constant 0 : i32
    %dma_wait3A_46 = tpu.memref_slice %arg13[%dma_wait3A, %dma_wait3A_44, %dma_wait3A_45] : memref<2x40x256xf32, #tpu.memory_space<vmem>> -> memref<1x40x256xf32, #tpu.memory_space<vmem>>
    %dma_wait3A_47 = tpu.memref_squeeze %dma_wait3A_46 : memref<1x40x256xf32, #tpu.memory_space<vmem>> -> memref<40x256xf32, #tpu.memory_space<vmem>>
    %dma_wait3A_48 = arith.constant 0 : i32
    %dma_wait3A_49 = tpu.memref_slice %arg7[%add3A_43, %dma_wait3A_48] : memref<320000x256xf32, #tpu.memory_space<hbm>> -> memref<40x256xf32, #tpu.memory_space<hbm>>
    %dma_wait3A_50 = arith.constant 0 : i32
    %dma_wait3A_51 = tpu.memref_slice %arg7[%add3A_43, %dma_wait3A_50] : memref<320000x256xf32, #tpu.memory_space<hbm>> -> memref<40x256xf32, #tpu.memory_space<hbm>>
    %dma_wait3A_52 = arith.constant 0 : i32
    %dma_wait3A_53 = arith.constant 0 : i32
    %dma_wait3A_54 = tpu.memref_slice %arg13[%dma_wait3A, %dma_wait3A_52, %dma_wait3A_53] : memref<2x40x256xf32, #tpu.memory_space<vmem>> -> memref<1x40x256xf32, #tpu.memory_space<vmem>>
    %dma_wait3A_55 = tpu.memref_squeeze %dma_wait3A_54 : memref<1x40x256xf32, #tpu.memory_space<vmem>> -> memref<40x256xf32, #tpu.memory_space<vmem>>
    tpu.wait_dma2 semaphore(%arg16 : memref<!tpu.dma_semaphore, #tpu.memory_space<semaphore_mem>>) src(%dma_wait3A_55 : memref<40x256xf32, #tpu.memory_space<vmem>>) dst(%dma_wait3A_51 : memref<40x256xf32, #tpu.memory_space<hbm>>)
    %add3A_56 = arith.constant 9960 : i32
    %add3A_57 = arith.addi %mul3A_2, %add3A_56 : i32
    %dma_wait3A_58 = arith.constant 1 : i32
    %dma_wait3A_59 = arith.constant 0 : i32
    %dma_wait3A_60 = arith.constant 0 : i32
    %dma_wait3A_61 = tpu.memref_slice %arg13[%dma_wait3A_58, %dma_wait3A_59, %dma_wait3A_60] : memref<2x40x256xf32, #tpu.memory_space<vmem>> -> memref<1x40x256xf32, #tpu.memory_space<vmem>>
    %dma_wait3A_62 = tpu.memref_squeeze %dma_wait3A_61 : memref<1x40x256xf32, #tpu.memory_space<vmem>> -> memref<40x256xf32, #tpu.memory_space<vmem>>
    %dma_wait3A_63 = arith.constant 0 : i32
    %dma_wait3A_64 = tpu.memref_slice %arg7[%add3A_57, %dma_wait3A_63] : memref<320000x256xf32, #tpu.memory_space<hbm>> -> memref<40x256xf32, #tpu.memory_space<hbm>>
    %dma_wait3A_65 = arith.constant 0 : i32
    %dma_wait3A_66 = tpu.memref_slice %arg7[%add3A_57, %dma_wait3A_65] : memref<320000x256xf32, #tpu.memory_space<hbm>> -> memref<40x256xf32, #tpu.memory_space<hbm>>
    %dma_wait3A_67 = arith.constant 0 : i32
    %dma_wait3A_68 = arith.constant 0 : i32
    %dma_wait3A_69 = tpu.memref_slice %arg13[%dma_wait3A_58, %dma_wait3A_67, %dma_wait3A_68] : memref<2x40x256xf32, #tpu.memory_space<vmem>> -> memref<1x40x256xf32, #tpu.memory_space<vmem>>
    %dma_wait3A_70 = tpu.memref_squeeze %dma_wait3A_69 : memref<1x40x256xf32, #tpu.memory_space<vmem>> -> memref<40x256xf32, #tpu.memory_space<vmem>>
    tpu.wait_dma2 semaphore(%arg17 : memref<!tpu.dma_semaphore, #tpu.memory_space<semaphore_mem>>) src(%dma_wait3A_70 : memref<40x256xf32, #tpu.memory_space<vmem>>) dst(%dma_wait3A_66 : memref<40x256xf32, #tpu.memory_space<hbm>>)
    return
  }
}

module attributes {stable_mosaic.version = 14 : i64} {
  func.func @_edge_body(%arg0: i32, %arg1: memref<4000x16xf32, #tpu.memory_space<vmem>>, %arg2: memref<16x256xf32, #tpu.memory_space<vmem>>, %arg3: memref<1x256xf32, #tpu.memory_space<vmem>>, %arg4: memref<4000x128xi32, #tpu.memory_space<vmem>>) attributes {dimension_semantics = [#tpu.dimension_semantics<arbitrary>], iteration_bounds = array<i64: 80>, scalar_prefetch = 0 : i64, scratch_operands = 0 : i64, tpu.core_type = #tpu.core_type<tc>, window_params = [{transform_indices = @transform_0, window_bounds = array<i64: 4000, 16>}, {pipeline_mode = #tpu.pipeline_mode<synchronous>, transform_indices = @transform_1, window_bounds = array<i64: 16, 256>}, {pipeline_mode = #tpu.pipeline_mode<synchronous>, transform_indices = @transform_2, window_bounds = array<i64: 1, 256>}, {transform_indices = @transform_3, window_bounds = array<i64: 4000, 128>}]} {
    %get3A = arith.constant 0 : index
    %get3A_0 = arith.constant 0 : index
    %get3A_1 = vector.load %arg1[%get3A, %get3A_0] : memref<4000x16xf32, #tpu.memory_space<vmem>>, vector<4000x16xf32>
    %max3A = arith.constant 0.000000e+00 : f32
    %max3A_2 = vector.broadcast %max3A : f32 to vector<4000x16xf32>
    %max3A_3 = arith.maximumf %get3A_1, %max3A_2 : vector<4000x16xf32>
    %get3A_4 = arith.constant 0 : index
    %get3A_5 = arith.constant 0 : index
    %get3A_6 = vector.load %arg2[%get3A_4, %get3A_5] : memref<16x256xf32, #tpu.memory_space<vmem>>, vector<16x256xf32>
    %dot_general3A = arith.constant dense<0.000000e+00> : vector<4000x256xf32>
    %dot_general3A_7 = tpu.matmul %max3A_3, %get3A_6, %dot_general3A {dimension_numbers = #tpu.dot_dimension_numbers<[1], [0], [0], [1], [0, 0, 1, 1], [], []>, transpose_lhs_hint = false} : vector<4000x16xf32>, vector<16x256xf32>, vector<4000x256xf32> -> vector<4000x256xf32>
    %get3A_8 = arith.constant 0 : index
    %get3A_9 = arith.constant 0 : index
    %get3A_10 = vector.load %arg3[%get3A_8, %get3A_9] : memref<1x256xf32, #tpu.memory_space<vmem>>, vector<1x256xf32>
    %add3A = vector.broadcast %get3A_10 : vector<1x256xf32> to vector<4000x256xf32>
    %add3A_11 = arith.addf %dot_general3A_7, %add3A : vector<4000x256xf32>
    %bitcast_convert_type3A = tpu.bitcast %add3A_11 : vector<4000x256xf32> -> vector<4000x256xi32>
    %add3A_12 = arith.constant 32767 : i32
    %add3A_13 = vector.broadcast %add3A_12 : i32 to vector<4000x256xi32>
    %add3A_14 = arith.addi %bitcast_convert_type3A, %add3A_13 : vector<4000x256xi32>
    %shift_right_logical3A = arith.constant 16 : i32
    %shift_right_logical3A_15 = vector.broadcast %shift_right_logical3A : i32 to vector<4000x256xi32>
    %shift_right_logical3A_16 = arith.shrui %bitcast_convert_type3A, %shift_right_logical3A_15 : vector<4000x256xi32>
    %and3A = arith.constant 1 : i32
    %and3A_17 = vector.broadcast %and3A : i32 to vector<4000x256xi32>
    %and3A_18 = arith.andi %shift_right_logical3A_16, %and3A_17 : vector<4000x256xi32>
    %add3A_19 = arith.addi %add3A_14, %and3A_18 : vector<4000x256xi32>
    %shift_right_logical3A_20 = arith.constant 16 : i32
    %shift_right_logical3A_21 = vector.broadcast %shift_right_logical3A_20 : i32 to vector<4000x256xi32>
    %shift_right_logical3A_22 = arith.shrui %add3A_19, %shift_right_logical3A_21 : vector<4000x256xi32>
    %slice3A = vector.extract_strided_slice %shift_right_logical3A_22 {offsets = [0, 0], sizes = [4000, 128], strides = [1, 1]} : vector<4000x256xi32> to vector<4000x128xi32>
    %slice3A_23 = vector.extract_strided_slice %shift_right_logical3A_22 {offsets = [0, 128], sizes = [4000, 128], strides = [1, 1]} : vector<4000x256xi32> to vector<4000x128xi32>
    %shift_left3A = arith.constant 16 : i32
    %shift_left3A_24 = vector.broadcast %shift_left3A : i32 to vector<4000x128xi32>
    %shift_left3A_25 = arith.shli %slice3A_23, %shift_left3A_24 : vector<4000x128xi32>
    %or3A = arith.ori %slice3A, %shift_left3A_25 : vector<4000x128xi32>
    %bitcast_convert_type3A_26 = tpu.bitcast %or3A : vector<4000x128xi32> -> vector<4000x128xi32>
    %swap3A = arith.constant 0 : index
    %swap3A_27 = arith.constant 0 : index
    %swap3A_28 = vector.load %arg4[%swap3A, %swap3A_27] : memref<4000x128xi32, #tpu.memory_space<vmem>>, vector<4000x128xi32>
    tpu.vector_store %arg4[%swap3A, %swap3A_27], %bitcast_convert_type3A_26 {strides = array<i32>} : memref<4000x128xi32, #tpu.memory_space<vmem>>, vector<4000x128xi32>,
    return
  }
  func.func @transform_0(%arg0: i32) -> (i32, i32) {
    %c0_i32 = arith.constant 0 : i32
    %c0_i32_0 = arith.constant 0 : i32
    return %arg0, %c0_i32 : i32, i32
  }
  func.func @transform_1(%arg0: i32) -> (i32, i32) {
    %c0_i32 = arith.constant 0 : i32
    %c0_i32_0 = arith.constant 0 : i32
    %c0_i32_1 = arith.constant 0 : i32
    return %c0_i32, %c0_i32_0 : i32, i32
  }
  func.func @transform_2(%arg0: i32) -> (i32, i32) {
    %c0_i32 = arith.constant 0 : i32
    %c0_i32_0 = arith.constant 0 : i32
    %c0_i32_1 = arith.constant 0 : i32
    return %c0_i32, %c0_i32_0 : i32, i32
  }
  func.func @transform_3(%arg0: i32) -> (i32, i32) {
    %c0_i32 = arith.constant 0 : i32
    %c0_i32_0 = arith.constant 0 : i32
    return %arg0, %c0_i32 : i32, i32
  }
}

module attributes {stable_mosaic.version = 14 : i64} {
  func.func @_node_body(%arg0: i32, %arg1: memref<1000x128xf32, #tpu.memory_space<vmem>>, %arg2: memref<128x256xf32, #tpu.memory_space<vmem>>, %arg3: memref<1x256xf32, #tpu.memory_space<vmem>>, %arg4: memref<256x256xf32, #tpu.memory_space<vmem>>, %arg5: memref<256x256xf32, #tpu.memory_space<vmem>>, %arg6: memref<1000x256xf32, #tpu.memory_space<vmem>>, %arg7: memref<1000x128xi32, #tpu.memory_space<vmem>>, %arg8: memref<1000x128xi32, #tpu.memory_space<vmem>>) attributes {dimension_semantics = [#tpu.dimension_semantics<arbitrary>], iteration_bounds = array<i64: 10>, scalar_prefetch = 0 : i64, scratch_operands = 0 : i64, tpu.core_type = #tpu.core_type<tc>, window_params = [{transform_indices = @transform_0, window_bounds = array<i64: 1000, 128>}, {pipeline_mode = #tpu.pipeline_mode<synchronous>, transform_indices = @transform_1, window_bounds = array<i64: 128, 256>}, {pipeline_mode = #tpu.pipeline_mode<synchronous>, transform_indices = @transform_2, window_bounds = array<i64: 1, 256>}, {pipeline_mode = #tpu.pipeline_mode<synchronous>, transform_indices = @transform_3, window_bounds = array<i64: 256, 256>}, {pipeline_mode = #tpu.pipeline_mode<synchronous>, transform_indices = @transform_4, window_bounds = array<i64: 256, 256>}, {transform_indices = @transform_5, window_bounds = array<i64: 1000, 256>}, {transform_indices = @transform_6, window_bounds = array<i64: 1000, 128>}, {transform_indices = @transform_7, window_bounds = array<i64: 1000, 128>}]} {
    %get3A = arith.constant 0 : index
    %get3A_0 = arith.constant 0 : index
    %get3A_1 = vector.load %arg1[%get3A, %get3A_0] : memref<1000x128xf32, #tpu.memory_space<vmem>>, vector<1000x128xf32>
    %get3A_2 = arith.constant 0 : index
    %get3A_3 = arith.constant 0 : index
    %get3A_4 = vector.load %arg2[%get3A_2, %get3A_3] : memref<128x256xf32, #tpu.memory_space<vmem>>, vector<128x256xf32>
    %dot_general3A = arith.constant dense<0.000000e+00> : vector<1000x256xf32>
    %dot_general3A_5 = tpu.matmul %get3A_1, %get3A_4, %dot_general3A {dimension_numbers = #tpu.dot_dimension_numbers<[1], [0], [0], [1], [0, 0, 1, 1], [], []>, transpose_lhs_hint = false} : vector<1000x128xf32>, vector<128x256xf32>, vector<1000x256xf32> -> vector<1000x256xf32>
    %get3A_6 = arith.constant 0 : index
    %get3A_7 = arith.constant 0 : index
    %get3A_8 = vector.load %arg3[%get3A_6, %get3A_7] : memref<1x256xf32, #tpu.memory_space<vmem>>, vector<1x256xf32>
    %add3A = vector.broadcast %get3A_8 : vector<1x256xf32> to vector<1000x256xf32>
    %add3A_9 = arith.addf %dot_general3A_5, %add3A : vector<1000x256xf32>
    %max3A = arith.constant 0.000000e+00 : f32
    %max3A_10 = vector.broadcast %max3A : f32 to vector<1000x256xf32>
    %max3A_11 = arith.maximumf %add3A_9, %max3A_10 : vector<1000x256xf32>
    %swap3A = arith.constant 0 : index
    %swap3A_12 = arith.constant 0 : index
    %swap3A_13 = vector.load %arg6[%swap3A, %swap3A_12] : memref<1000x256xf32, #tpu.memory_space<vmem>>, vector<1000x256xf32>
    tpu.vector_store %arg6[%swap3A, %swap3A_12], %max3A_11 {strides = array<i32>} : memref<1000x256xf32, #tpu.memory_space<vmem>>, vector<1000x256xf32>,
    %get3A_14 = arith.constant 0 : index
    %get3A_15 = arith.constant 0 : index
    %get3A_16 = vector.load %arg4[%get3A_14, %get3A_15] : memref<256x256xf32, #tpu.memory_space<vmem>>, vector<256x256xf32>
    %dot_general3A_17 = arith.constant dense<0.000000e+00> : vector<1000x256xf32>
    %dot_general3A_18 = tpu.matmul %max3A_11, %get3A_16, %dot_general3A_17 {dimension_numbers = #tpu.dot_dimension_numbers<[1], [0], [0], [1], [0, 0, 1, 1], [], []>, transpose_lhs_hint = false} : vector<1000x256xf32>, vector<256x256xf32>, vector<1000x256xf32> -> vector<1000x256xf32>
    %bitcast_convert_type3A = tpu.bitcast %dot_general3A_18 : vector<1000x256xf32> -> vector<1000x256xi32>
    %add3A_19 = arith.constant 32767 : i32
    %add3A_20 = vector.broadcast %add3A_19 : i32 to vector<1000x256xi32>
    %add3A_21 = arith.addi %bitcast_convert_type3A, %add3A_20 : vector<1000x256xi32>
    %shift_right_logical3A = arith.constant 16 : i32
    %shift_right_logical3A_22 = vector.broadcast %shift_right_logical3A : i32 to vector<1000x256xi32>
    %shift_right_logical3A_23 = arith.shrui %bitcast_convert_type3A, %shift_right_logical3A_22 : vector<1000x256xi32>
    %and3A = arith.constant 1 : i32
    %and3A_24 = vector.broadcast %and3A : i32 to vector<1000x256xi32>
    %and3A_25 = arith.andi %shift_right_logical3A_23, %and3A_24 : vector<1000x256xi32>
    %add3A_26 = arith.addi %add3A_21, %and3A_25 : vector<1000x256xi32>
    %shift_right_logical3A_27 = arith.constant 16 : i32
    %shift_right_logical3A_28 = vector.broadcast %shift_right_logical3A_27 : i32 to vector<1000x256xi32>
    %shift_right_logical3A_29 = arith.shrui %add3A_26, %shift_right_logical3A_28 : vector<1000x256xi32>
    %slice3A = vector.extract_strided_slice %shift_right_logical3A_29 {offsets = [0, 0], sizes = [1000, 128], strides = [1, 1]} : vector<1000x256xi32> to vector<1000x128xi32>
    %slice3A_30 = vector.extract_strided_slice %shift_right_logical3A_29 {offsets = [0, 128], sizes = [1000, 128], strides = [1, 1]} : vector<1000x256xi32> to vector<1000x128xi32>
    %shift_left3A = arith.constant 16 : i32
    %shift_left3A_31 = vector.broadcast %shift_left3A : i32 to vector<1000x128xi32>
    %shift_left3A_32 = arith.shli %slice3A_30, %shift_left3A_31 : vector<1000x128xi32>
    %or3A = arith.ori %slice3A, %shift_left3A_32 : vector<1000x128xi32>
    %bitcast_convert_type3A_33 = tpu.bitcast %or3A : vector<1000x128xi32> -> vector<1000x128xi32>
    %swap3A_34 = arith.constant 0 : index
    %swap3A_35 = arith.constant 0 : index
    %swap3A_36 = vector.load %arg7[%swap3A_34, %swap3A_35] : memref<1000x128xi32, #tpu.memory_space<vmem>>, vector<1000x128xi32>
    tpu.vector_store %arg7[%swap3A_34, %swap3A_35], %bitcast_convert_type3A_33 {strides = array<i32>} : memref<1000x128xi32, #tpu.memory_space<vmem>>, vector<1000x128xi32>,
    %get3A_37 = arith.constant 0 : index
    %get3A_38 = arith.constant 0 : index
    %get3A_39 = vector.load %arg5[%get3A_37, %get3A_38] : memref<256x256xf32, #tpu.memory_space<vmem>>, vector<256x256xf32>
    %dot_general3A_40 = arith.constant dense<0.000000e+00> : vector<1000x256xf32>
    %dot_general3A_41 = tpu.matmul %max3A_11, %get3A_39, %dot_general3A_40 {dimension_numbers = #tpu.dot_dimension_numbers<[1], [0], [0], [1], [0, 0, 1, 1], [], []>, transpose_lhs_hint = false} : vector<1000x256xf32>, vector<256x256xf32>, vector<1000x256xf32> -> vector<1000x256xf32>
    %bitcast_convert_type3A_42 = tpu.bitcast %dot_general3A_41 : vector<1000x256xf32> -> vector<1000x256xi32>
    %add3A_43 = arith.constant 32767 : i32
    %add3A_44 = vector.broadcast %add3A_43 : i32 to vector<1000x256xi32>
    %add3A_45 = arith.addi %bitcast_convert_type3A_42, %add3A_44 : vector<1000x256xi32>
    %shift_right_logical3A_46 = arith.constant 16 : i32
    %shift_right_logical3A_47 = vector.broadcast %shift_right_logical3A_46 : i32 to vector<1000x256xi32>
    %shift_right_logical3A_48 = arith.shrui %bitcast_convert_type3A_42, %shift_right_logical3A_47 : vector<1000x256xi32>
    %and3A_49 = arith.constant 1 : i32
    %and3A_50 = vector.broadcast %and3A_49 : i32 to vector<1000x256xi32>
    %and3A_51 = arith.andi %shift_right_logical3A_48, %and3A_50 : vector<1000x256xi32>
    %add3A_52 = arith.addi %add3A_45, %and3A_51 : vector<1000x256xi32>
    %shift_right_logical3A_53 = arith.constant 16 : i32
    %shift_right_logical3A_54 = vector.broadcast %shift_right_logical3A_53 : i32 to vector<1000x256xi32>
    %shift_right_logical3A_55 = arith.shrui %add3A_52, %shift_right_logical3A_54 : vector<1000x256xi32>
    %slice3A_56 = vector.extract_strided_slice %shift_right_logical3A_55 {offsets = [0, 0], sizes = [1000, 128], strides = [1, 1]} : vector<1000x256xi32> to vector<1000x128xi32>
    %slice3A_57 = vector.extract_strided_slice %shift_right_logical3A_55 {offsets = [0, 128], sizes = [1000, 128], strides = [1, 1]} : vector<1000x256xi32> to vector<1000x128xi32>
    %shift_left3A_58 = arith.constant 16 : i32
    %shift_left3A_59 = vector.broadcast %shift_left3A_58 : i32 to vector<1000x128xi32>
    %shift_left3A_60 = arith.shli %slice3A_57, %shift_left3A_59 : vector<1000x128xi32>
    %or3A_61 = arith.ori %slice3A_56, %shift_left3A_60 : vector<1000x128xi32>
    %bitcast_convert_type3A_62 = tpu.bitcast %or3A_61 : vector<1000x128xi32> -> vector<1000x128xi32>
    %swap3A_63 = arith.constant 0 : index
    %swap3A_64 = arith.constant 0 : index
    %swap3A_65 = vector.load %arg8[%swap3A_63, %swap3A_64] : memref<1000x128xi32, #tpu.memory_space<vmem>>, vector<1000x128xi32>
    tpu.vector_store %arg8[%swap3A_63, %swap3A_64], %bitcast_convert_type3A_62 {strides = array<i32>} : memref<1000x128xi32, #tpu.memory_space<vmem>>, vector<1000x128xi32>,
    return
  }
  func.func @transform_0(%arg0: i32) -> (i32, i32) {
    %c0_i32 = arith.constant 0 : i32
    %c0_i32_0 = arith.constant 0 : i32
    return %arg0, %c0_i32 : i32, i32
  }
  func.func @transform_1(%arg0: i32) -> (i32, i32) {
    %c0_i32 = arith.constant 0 : i32
    %c0_i32_0 = arith.constant 0 : i32
    %c0_i32_1 = arith.constant 0 : i32
    return %c0_i32, %c0_i32_0 : i32, i32
  }
  func.func @transform_2(%arg0: i32) -> (i32, i32) {
    %c0_i32 = arith.constant 0 : i32
    %c0_i32_0 = arith.constant 0 : i32
    %c0_i32_1 = arith.constant 0 : i32
    return %c0_i32, %c0_i32_0 : i32, i32
  }
  func.func @transform_3(%arg0: i32) -> (i32, i32) {
    %c0_i32 = arith.constant 0 : i32
    %c0_i32_0 = arith.constant 0 : i32
    %c0_i32_1 = arith.constant 0 : i32
    return %c0_i32, %c0_i32_0 : i32, i32
  }
  func.func @transform_4(%arg0: i32) -> (i32, i32) {
    %c0_i32 = arith.constant 0 : i32
    %c0_i32_0 = arith.constant 0 : i32
    %c0_i32_1 = arith.constant 0 : i32
    return %c0_i32, %c0_i32_0 : i32, i32
  }
  func.func @transform_5(%arg0: i32) -> (i32, i32) {
    %c0_i32 = arith.constant 0 : i32
    %c0_i32_0 = arith.constant 0 : i32
    return %arg0, %c0_i32 : i32, i32
  }
  func.func @transform_6(%arg0: i32) -> (i32, i32) {
    %c0_i32 = arith.constant 0 : i32
    %c0_i32_0 = arith.constant 0 : i32
    return %arg0, %c0_i32 : i32, i32
  }
  func.func @transform_7(%arg0: i32) -> (i32, i32) {
    %c0_i32 = arith.constant 0 : i32
    %c0_i32_0 = arith.constant 0 : i32
    return %arg0, %c0_i32 : i32, i32
  }
}

</mosaic_0001>

<sc_bundles>
// kernel: kernel.5.cloned.1.call-start
scs
__scs_entry_jumppad:
0x0: {  	(pc) =	sbr.rel $0x88, $3  }
0x1: {  	(tag) =	ssettag $0x0;
	lr =	simm.s32 $0x1  }
0x2: {  	[smem:$0x3F9A] =	sst lr;
	_ =	strace $0xD0000000  }
0x3: {  	_ = 	snop  }
0x4: {  	_ = 	snop  }
0x5: {  	_ = 	snop  }
0x6: {  	_ = 	snop  }
0x7: {  	_ = 	snop  }
__scs_overlays_trampoline_lowered:
0x8: {  	[smem:$0x3FA9] =	sst s0  }
0x9: {  	[smem:$0x3FAA] =	sst s1  }
0xa: {  	[smem:$0x3FAB] =	sst s2  }
0xb: {  	[smem:$0x3FAC] =	sst s3  }
0xc: {  	[smem:$0x3FAD] =	sst s4  }
0xd: {  	[smem:$0x3FAE] =	sst s5  }
0xe: {  	[smem:$0x3FAF] =	sst s6  }
0xf: {  	[smem:$0x3FB0] =	sst s7  }
0x10: {  	[smem:$0x3FB1] =	sst s8  }
0x11: {  	[smem:$0x3FB2] =	sst s9;
	s0 =	simm.s32 @!p0 $0x0  }
0x12: {  	s1 =	sld [smem:$0x3F98];
	s0 =	simm.s32 @p0 $0x1  }
0x13: {  	[smem:$0x3FB3] =	sst s0;
	s0 =	simm.s32 @!p1 $0x0  }
0x14: {  	s2 =	sld [smem:$0x3F97];
	s0 =	simm.s32 @p1 $0x1  }
0x15: {  	[smem:$0x3FB4] =	sst s0;
	s0 =	simm.s32 @!p2 $0x0  }
0x16: {  	s3 =	sld [smem:$0x3FDB];
	s0 =	simm.s32 @p2 $0x1  }
0x17: {  	s4 =	simm.s32 $0x1BF5;
	[smem:$0x3FB6] =	sst s0  }
0x18: {  	s0 =	sld [smem:$0x3F99];
	_ =	swait.ge [sflag:s4], $0x0  }
0x19: {  	s7 =	sld [smem:$0x3F9A]  }
0x1a: {  	s8 =	sadd.s32 $0xFFFFE003, lr  }
0x1b: {  	s9 =	sadd.s32 $0xFFFFFEF7, lr;
	s5 =	simm.s32 $0xFFFFFFFF;
	p2 =	slt.u32 s8, $0xFFFFF086  }
0x1c: {  	p1 =	slt.u32 s9, $0xF7A;
	s5 =	simm.s32 @!p2 $0x0  }
0x1d: {  	s5 =	simm.s32 @p1 $0x1;
	p0 =	seq.s32 s7, s2  }
0x1e: {  	s7 =	smul.u32 @!p0 $0xF7A, s2;
	p2 =	seq.s32 @!p0 s5, $0x0  }
0x1f: {  	s9 =	smul.u32 $0xF7A, s1;
	s8 =	simm.s32 @!p0 $0x1BF5;
	p2 =	por !p2, p0  }
0x20: {  	[sflag:s8] =	ssyncset.s32 @!p0 $0xFFFFF086;
	s6 =	sadd.s32 @!p0 s3, s7;
	s7 =	simm.s32 @!p0 $0x108  }
0x21: {  	s3 =	sadd.s32 s3, s9;
	s6 =	sadd.s32 @!p0 $0x88, s6;
	s7 =	simm.s32 @p2 $0x1082  }
0x22: {  	[simem:s7], [sflag:s8] =	dma.local @!p0 [hbm:s6], $0xF7A  }
0x23: {  	s9 =	sor.u32 $0xD0000000, s2;
	s6 =	simm.s32 $0x108;
	_ =	swait.ge @!p0 [sflag:s8], $0x0  }
0x24: {  	s3 =	sadd.s32 $0x88, s3;
	s6 =	simm.s32 @!p1 $0x1082;
	[sflag:s4] =	ssyncset.s32 $0xFFFFF086  }
0x25: {  	[simem:s6], [sflag:s4] =	dma.local [hbm:s3], $0xF7A  }
0x26: {  	[smem:$0x3F9A] =	sst s1;
	(tag) =	ssettag s2;
	_ =	strace s9  }
0x27: {  	s1 =	sld [smem:$0x3FAA]  }
0x28: {  	s2 =	sld [smem:$0x3FAB]  }
0x29: {  	s4 =	sld [smem:$0x3FAD]  }
0x2a: {  	p0 =	seq.s32 s5, $0x0;
	s5 =	sld [smem:$0x3FAE]  }
0x2b: {  	s6 =	sld [smem:$0x3FAF]  }
0x2c: {  	s7 =	sld [smem:$0x3FB0]  }
0x2d: {  	s3 =	simm.s32 $0x108;
	s8 =	sld [smem:$0x3FB1]  }
0x2e: {  	s3 =	simm.s32 @!p0 $0x1082;
	s9 =	sld [smem:$0x3FB2]  }
0x2f: {  	lr =	sadd.s32 s0, s3;
	s0 =	sld [smem:$0x3FA9]  }
0x30: {  	s3 =	sld [smem:$0x3FAC]  }
0x31: {  	[smem:$0x3FB5] =	sst s10  }
0x32: {  	s10 =	sld [smem:$0x3FB3];
	_ =	sdelay $0x3  }
0x33: {  	p0 =	seq.s32 s10, $0x1;
	s10 =	sld [smem:$0x3FB5];
	_ =	sdelay $0x3  }
0x34: {  	[smem:$0x3FB5] =	sst s10  }
0x35: {  	s10 =	sld [smem:$0x3FB4];
	_ =	sdelay $0x3  }
0x36: {  	p1 =	seq.s32 s10, $0x1;
	s10 =	sld [smem:$0x3FB5];
	_ =	sdelay $0x3  }
0x37: {  	[smem:$0x3FB5] =	sst s10  }
0x38: {  	s10 =	sld [smem:$0x3FB6]  }
0x39: {  	_ = 	snop;
	(pc) =	sbr.ind lr, $3  }
0x3a: {  	_ = 	snop  }
0x3b: {  	_ = 	snop  }
0x3c: {  	p2 =	seq.s32 s10, $0x1;
	s10 =	sld [smem:$0x3FB5]  }
0x3d: {  	_ =	shalt  }
0x3e: {  	_ =	shalt  }
0x3f: {  	_ =	shalt  }
0x40: {  	_ =	shalt  }
0x41: {  	_ =	shalt  }
0x42: {  	_ =	shalt  }
0x43: {  	_ =	shalt  }
0x44: {  	_ =	shalt  }
0x45: {  	_ =	shalt  }
0x46: {  	_ =	shalt  }
0x47: {  	_ =	shalt  }
0x48: {  	_ =	shalt  }
0x49: {  	_ =	shalt  }
0x4a: {  	_ =	shalt  }
0x4b: {  	_ =	shalt  }
0x4c: {  	_ =	shalt  }
0x4d: {  	_ =	shalt  }
0x4e: {  	_ =	shalt  }
0x4f: {  	_ =	shalt  }
0x50: {  	_ =	shalt  }
0x51: {  	_ =	shalt  }
0x52: {  	_ =	shalt  }
0x53: {  	_ =	shalt  }
0x54: {  	_ =	shalt  }
0x55: {  	_ =	shalt  }
0x56: {  	_ =	shalt  }
0x57: {  	_ =	shalt  }
0x58: {  	_ =	shalt  }
0x59: {  	_ =	shalt  }
0x5a: {  	_ =	shalt  }
0x5b: {  	_ =	shalt  }
0x5c: {  	_ =	shalt  }
0x5d: {  	_ =	shalt  }
0x5e: {  	_ =	shalt  }
0x5f: {  	_ =	shalt  }
0x60: {  	_ =	shalt  }
0x61: {  	_ =	shalt  }
0x62: {  	_ =	shalt  }
0x63: {  	_ =	shalt  }
0x64: {  	_ =	shalt  }
0x65: {  	_ =	shalt  }
0x66: {  	_ =	shalt  }
0x67: {  	_ =	shalt  }
0x68: {  	_ =	shalt  }
0x69: {  	_ =	shalt  }
0x6a: {  	_ =	shalt  }
0x6b: {  	_ =	shalt  }
0x6c: {  	_ =	shalt  }
0x6d: {  	_ =	shalt  }
0x6e: {  	_ =	shalt  }
0x6f: {  	_ =	shalt  }
0x70: {  	_ =	shalt  }
0x71: {  	_ =	shalt  }
0x72: {  	_ =	shalt  }
0x73: {  	_ =	shalt  }
0x74: {  	_ =	shalt  }
0x75: {  	_ =	shalt  }
0x76: {  	_ =	shalt  }
0x77: {  	_ =	shalt  }
0x78: {  	_ =	shalt  }
0x79: {  	_ =	shalt  }
0x7a: {  	_ =	shalt  }
0x7b: {  	_ =	shalt  }
0x7c: {  	_ =	shalt  }
0x7d: {  	_ =	shalt  }
0x7e: {  	_ =	shalt  }
0x7f: {  	_ =	shalt  }
0x80: {  	_ =	shalt  }
0x81: {  	_ =	shalt  }
0x82: {  	_ =	shalt  }
0x83: {  	_ =	shalt  }
0x84: {  	_ =	shalt  }
0x85: {  	_ =	shalt  }
0x86: {  	_ =	shalt  }
0x87: {  	_ =	shalt  }
.Lfunc_end0:
.L_simem_size_0:
called_computation_lowered:
.L_overlay_start_0:
0x88: {  	s2 =	sld [smem:$0x3FD9]  }
0x89: {  	s3 =	sld [smem:$0x3FFE];
	_ =	sdelay $0x1  }
0x8a: {  	s1 =	srdreg.scid  }
0x8b: {  	s0 =	sand.u32 $0x1, s1  }
0x8c: {  	s14 =	sshll.u32 s0, $0xA;
	s2 =	sadd.s32 s3, s2  }
0x8d: {  	s2 =	sadd.s32 s2, s14  }
0x8e: {  	[smem:$0x3FC1] =	sst s2  }
0x8f: {  	_ = 	snop  }
0x90: {  	s2 =	sld [smem:$0x3FD0];
	_ =	sdelay $0x2  }
0x91: {  	s15 =	simm.s32 $0xA;
	s4 =	simm.s32 $0x10  }
0x92: {  	[smem:s4], [sflag:s15] =	dma.local [hbm:s2], $0x1  }
0x93: {  	_ =	swait.eq [sflag:s15], $0x1  }
0x94: {  	[sflag:s15] =	ssyncset.done $0x0  }
0x95: {  	[sflag:s15] =	ssyncadd.s32 $0xFFFFFFFF  }
0x96: {  	s16 =	sld [smem:$0x11];
	(tm) =	ssettm $0x1  }
0x97: {  	s17 =	sld [smem:$0x3FFB];
	_ =	sdelay $0x3  }
0x98: {  	_ =	strace s17  }
0x99: {  	s3 =	sld [smem:$0x3FFC];
	_ =	sdelay $0x3  }
0x9a: {  	_ =	strace s3  }
0x9b: {  	s3 =	sld [smem:$0x3FFD];
	_ =	sdelay $0x3  }
0x9c: {  	_ =	strace s3  }
0x9d: {  	_ =	strace $0x8FFFFFFF  }
0x9e: {  	s18 =	sld [smem:$0x3FDB];
	_ =	sdelay $0x1  }
0x9f: {  	s19 =	simm.s32 $_scs_section_size  }
0xa0: {  	s5 =	simm.s32 $_size__tile_overlayer_lowered;
	s6 =	simm.s32 $_tile_overlayer_lowered  }
0xa1: {  	s22 =	simm.s32 $0x1BFF;
	s21 =	sshll.u32 s6, $0x1;
	s3 =	sadd.s32 s19, s18  }
0xa2: {  	s7 =	simm.s32 $0x0;
	s20 =	sshll.u32 s5, $0x1;
	s5 =	sadd.s32 s21, s3  }
0xa3: {  	[timem:s7], [sflag:s22] =	dma.local [hbm:s5], s20  }
0xa4: {  	_ =	swait.ge [sflag:s22], s20  }
0xa5: {  	s4 =	ssub.s32 $0x0, s20;
	[sflag:s22] =	ssyncset.done $0x0  }
0xa6: {  	[sflag:s22] =	ssyncadd.s32 s4;
	_ =	sdelay $0x1  }
0xa7: {  	s23 =	simm.s32 $0x1B8B  }
0xa8: {  	_ =	swait.ge [sflag:s23], $0x1  }
0xa9: {  	[sflag:s23] =	ssyncset.done $0x0  }
0xaa: {  	s25 =	simm.s32 $0x1B8E;
	s24 =	sld [smem:$0x3FFE];
	[sflag:s23] =	ssyncadd.s32 $0xFFFFFFFF  }
0xab: {  	s26 =	simm.s32 $execute0_lowered;
	[smem:$0x3FD2] =	sst s25  }
0xac: {  	s5 =	sshll.u32 s26, $0x1;
	_ =	strace $0x80000046;
	[dreg:$0x1] =	wrdreg $0xFFFFFFFF  }
0xad: {  	s28 =	simm.s32 $_size_execute0_lowered;
	s3 =	sadd.s32 s3, s5;
	[dreg:$0x0] =	wrdreg $0x0  }
0xae: {  	s5 =	sshll.u32 s28, $0x1;
	[dreg:$0x2] =	wrdreg s3  }
0xaf: {  	[dreg:$0x3] =	wrdreg s5  }
0xb0: {  	[dreg:$0x4] =	wrdreg $0xC0  }
0xb1: {  	_ =	task [dreg:s7], $0x5FFFF  }
0xb2: {  	[dreg:$0x1] =	wrdreg $0xFFFFFFFF  }
0xb3: {  	[dreg:$0x0] =	wrdreg $0x60  }
0xb4: {  	[dreg:$0x2] =	wrdreg s24  }
0xb5: {  	[dreg:$0x3] =	wrdreg s16  }
0xb6: {  	[dreg:$0x4] =	wrdreg $0x9  }
0xb7: {  	_ =	task.clear_ibuf [dreg:s7], $0x5FFFF;
	_ =	strace $0x90000046  }
0xb8: {  	s29 =	simm.s32 $0x9;
	_ =	strace $0x80000048  }
0xb9: {  	_ =	swait.ge [sflag:s29], $0x1  }
0xba: {  	[sflag:s29] =	ssyncadd.s32 $0xFFFFFFFF  }
0xbb: {  	_ =	strace $0x90000048  }
0xbc: {  	_ =	sfence  }
0xbd: {  	s30 =	sld [smem:$0x0];
	_ =	sdelay $0x2  }
0xbe: {  	s31 =	sshll.u32 s1, $0xD;
	s1 =	sshrl.u32 s1, $0x2  }
0xbf: {  	s3 =	sand.u32 $0x4000, s31;
	s1 =	sadd.s32 s1, s30  }
0xc0: {  	s0 =	sor.u32 s3, s0;
	s1 =	sshll.u32 s1, $0x11  }
0xc1: {  	s0 =	sor.u32 s1, s0  }
0xc2: {  	s0 =	sadd.s32 $0x8F2B, s0  }
0xc3: {  	[sflag:s0] =	ssyncadd.remote.s32 $0x1  }
0xc4: {  	_ =	sfence.sel $0xFFFF  }
0xc5: {  	[dreg:$0x0] =	wrdreg $0xFFFFFFFF;
	(pc) =	sbr.abs _section_cstart, $3  }
0xc6: {  	[dreg:$0x1] =	wrdreg $0xFFFFFFFF  }
0xc7: {  	_ =	task.clear_ibuf [dreg:s7], $0x2FFFF;
	_ =	strace $0x9FFFFFFF  }
0xc8: {  	(tm) =	ssettm $0x7FFFFFFF  }
0xc9: {  	_ =	shalt  }
tec
execute0_lowered:
.L_overlay_start_1:
0x0: {  	(tag) =	ssettag $0x1  }
0x1: {  	s0 =	rddreg [dreg:$0x0];
	s1 =	srdreg.scid  }
0x2: {  	s2 =	stileid.u32;
	s4 =	rddreg [dreg:$0x1]  }
0x3: {  	s7 =	simm.s32 $0x0;
	s1 =	sand.u32 $0x1, s1;
	s2 =	sshll.u32 s2, $0x1  }
0x4: {  	[smem:$0x7FF] =	sst s7;
	s5 =	sadd.s32 $0x15000, s0;
	s3 =	sadd.s32 $0x4F7000, s0  }
0x5: {  	s24 =	sadd.s32 $0x51E200, s0;
	s2 =	sor.u32 s1, s2;
	_ =	strace $0x80000047  }
0x6: {  	[dreg:$0x5] =	wrdreg s3;
	s1 =	ssub.s32 $0x2, s1;
	s30 =	smul.u32 $0x2710, s2  }
0x7: {  	[dreg:$0x6] =	wrdreg s24;
	s26 =	sshrl.u32 s1, $0x1;
	s2 =	smul.u32 $0x27100, s2  }
0x8: {  	[dreg:$0x4] =	wrdreg s5;
	s1 =	ssub.s32 s1, s26  }
0x9: {  	s25 =	sshrl.u32 s30, $0x3;
	s29 =	sadd.s32 s5, s2;
	[dreg:$0x3] =	wrdreg s30  }
0xa: {  	s31 =	smax.u32 s1, $0x1;
	s0 =	sadd.s32 s25, s0;
	[dreg:$0x9] =	wrdreg s29  }
0xb: {  	[dreg:$0xa] =	wrdreg s31;
	s28 =	sadd.s32 $0xB200, s0  }
0xc: {  	s21 =	simm.s32 $0x1;
	s0 =	sadd.s32 $0x1400, s0;
	[dreg:$0x7] =	wrdreg s28  }
0xd: {  	s23 =	simm.s32 $0x2;
	s2 =	simm.s32 $0x0;
	[dreg:$0x8] =	wrdreg s0  }
.LBB2_1:
0xe: {  	[dreg:$0xb] =	wrdreg s2  }
0xf: {  	s0 =	rddreg [dreg:$0x7];
	s1 =	simm.s32 $0x5  }
0x10: {  	[tilespmem:s7], [sflag:$0x5] =	stream.linear.gather [hbm4b:s0+s7], $0x2710, $0x38;
	[tilespmem:$0x11700] =	vst v63  }
0x11: {  	_ =	swait.ge [sflag:s1], $0x2710  }
0x12: {  	[sflag:s1] =	ssyncset.done $0x0  }
0x13: {  	s20 =	simm.s32 $0x2780;
	s19 =	rddreg [dreg:$0x8];
	[sflag:s1] =	ssyncadd.s32 $0xFFFFD8F0  }
0x14: {  	[tilespmem:s20], [sflag:$0x5] =	stream.linear.gather [hbm4b:s19+s7], $0x2710, $0x38;
	[tilespmem:$0x11700] =	vst v63  }
0x15: {  	_ =	swait.ge [sflag:s1], $0x2710  }
0x16: {  	[sflag:s1] =	ssyncset.done $0x0  }
0x17: {  	s24 =	simm.s32 $0x4F00;
	s22 =	rddreg [dreg:$0x9];
	[sflag:s1] =	ssyncadd.s32 $0xFFFFD8F0  }
0x18: {  	[tilespmem:s24], [sflag:$0x1] =	stream.linear.gather [hbm4b:s22+s7], $0x1400, $0x38;
	[tilespmem:$0x11700] =	vst v63  }
0x19: {  	s26 =	simm.s32 $0x28;
	s3 =	simm.s32 $0x7700;
	s25 =	rddreg [dreg:$0x5]  }
0x1a: {  	[tilespmem:s3], [sflag:$0x1] =	stream.indirect.gather [hbm4b:s25+s26], $0x80, s7, s26, $0xb8;
	[tilespmem:$0x11700] =	vst v63  }
0x1b: {  	s31 =	simm.s32 $0x9F00;
	s29 =	simm.s32 $0x0;
	s28 =	rddreg [dreg:$0x6]  }
0x1c: {  	[tilespmem:s31], [sflag:$0x1] =	stream.indirect.gather [hbm4b:s28+s26], $0x80, s20, s26, $0xb8;
	[tilespmem:$0x11700] =	vst v63  }
.LBB2_2:
0x1d: {  	s31 =	smul.u32 $0x50, s29;
	p0 =	seq.s32 s29, $0x0  }
0x1e: {  	s0 =	simm.s32 @!p0 $0x4  }
0x1f: {  	s1 =	sadd.s32 $0x28, s31;
	_ =	swait.ge @!p0 [sflag:s0], $0x2800  }
0x20: {  	s9 =	simm.s32 $0x0;
	s2 =	sadd.s32 s30, s1;
	s8 =	rddreg [dreg:$0x4]  }
0x21: {  	[sflag:s0] =	ssyncset.done @!p0 $0x0;
	[dreg:$0xc] =	wrdreg s2;
	s2 =	sshll.u32 s2, $0x4  }
0x22: {  	s3 =	simm.s32 $0x6300;
	[sflag:s0] =	ssyncadd.s32 @!p0 $0xFFFFD800;
	s0 =	sadd.s32 s8, s2  }
0x23: {  	[tilespmem:s3], [sflag:$0x2] =	stream.linear.gather [hbm4b:s0+s9], $0x1400, $0x38;
	[tilespmem:$0x11700] =	vst v63  }
0x24: {  	s11 =	simm.s32 $0x28;
	s5 =	simm.s32 $0x8B00;
	s10 =	rddreg [dreg:$0x5]  }
0x25: {  	[tilespmem:s5], [sflag:$0x2] =	stream.indirect.gather [hbm4b:s10+s11], $0x80, s1, s11, $0xb8;
	[tilespmem:$0x11700] =	vst v63  }
0x26: {  	s14 =	simm.s32 $0xB300;
	s12 =	sadd.s32 $0x27A8, s31;
	s13 =	rddreg [dreg:$0x6]  }
0x27: {  	[tilespmem:s14], [sflag:$0x2] =	stream.indirect.gather [hbm4b:s13+s11], $0x80, s12, s11, $0xb8;
	[tilespmem:$0x11700] =	vst v63  }
0x28: {  	_ =	swait.ge [sflag:s21], $0x1400  }
0x29: {  	[sflag:s21] =	ssyncset.done $0x0  }
0x2a: {  	[sflag:s21] =	ssyncadd.s32 $0xFFFFEC00  }
0x2b: {  	_ =	swait.ge [sflag:s21], $0x1400  }
0x2c: {  	[sflag:s21] =	ssyncset.done $0x0  }
0x2d: {  	[sflag:s21] =	ssyncadd.s32 $0xFFFFEC00  }
0x2e: {  	_ =	swait.ge [sflag:s21], $0x1400  }
0x2f: {  	[sflag:s21] =	ssyncset.done $0x0  }
0x30: {  	s16 =	simm.s32 $0x7780;
	[sflag:s21] =	ssyncadd.s32 $0xFFFFEC00  }
0x31: {  	s14 =	simm.s32 $0x9F80;
	v0 =	vld [tilespmem:s16+$0x0]  }
0x32: {  	v1 =	vld [tilespmem:s14+$0x0]  }
0x33: {  	s0 =	simm.s32 $0x4F80  }
0x34: {  	v2 =	vld [tilespmem:s0+$0x0];
	_ =	sdelay $0x2  }
0x35: {  	v3 =	vld [tilespmem:s14+$0xFFFFFF80];
	v4 =	vshll.u32 v0, $0x10;
	v5 =	vshll.u32 v1, $0x10  }
0x36: {  	v6 =	vld [tilespmem:s16+$0xFFFFFF80];
	v0 =	vand.u32 $0xFFFF0000, v0;
	v1 =	vand.u32 $0xFFFF0000, v1;
	v4 =	vadd.f32 v5, v4  }
0x37: {  	s17 =	simm.s32 $0x80;
	s15 =	sand.u32 $0x3800, s9;
	v5 =	vshll.u32 v2, $0x10;
	v0 =	vadd.f32 v1, v0  }
0x38: {  	s3 =	sand.u32 $0x380, s17;
	s1 =	sor.u32 $0xC700, s15;
	v1 =	vld [tilespmem:s0+$0xFFFFFF80];
	v2 =	vand.u32 $0xFFFF0000, v2;
	v4 =	vadd.f32 v5, v4  }
0x39: {  	s19 =	sadd.s32 s3, s1;
	v0 =	vadd.f32 v2, v0  }
0x3a: {  	[tilespmem:s19+$0x0] =	vst v4  }
0x3b: {  	v2 =	vshll.u32 v3, $0x10;
	v4 =	vshll.u32 v6, $0x10;
	[tilespmem:s19+$0x10] =	vst v0  }
0x3c: {  	v0 =	vand.u32 $0xFFFF0000, v3;
	v3 =	vand.u32 $0xFFFF0000, v6;
	v5 =	vld [tilespmem:s16+$0x10];
	v2 =	vadd.f32 v2, v4  }
0x3d: {  	v4 =	vshll.u32 v1, $0x10;
	v6 =	vld [tilespmem:s14+$0x10];
	v0 =	vadd.f32 v0, v3  }
0x3e: {  	s2 =	sand.u32 $0x300, s9;
	v1 =	vand.u32 $0xFFFF0000, v1;
	v2 =	vadd.f32 v4, v2  }
0x3f: {  	s1 =	sadd.s32 s2, s1;
	v3 =	vld [tilespmem:s0+$0x10];
	v0 =	vadd.f32 v1, v0  }
0x40: {  	[tilespmem:s1+$0x0] =	vst v2  }
0x41: {  	[tilespmem:s1+$0x10] =	vst v0  }
0x42: {  	v0 =	vshll.u32 v5, $0x10;
	v1 =	vshll.u32 v6, $0x10;
	v2 =	vld [tilespmem:s16+$0xFFFFFF90]  }
0x43: {  	v4 =	vand.u32 $0xFFFF0000, v5;
	v5 =	vand.u32 $0xFFFF0000, v6;
	v0 =	vadd.f32 v1, v0;
	v1 =	vld [tilespmem:s14+$0xFFFFFF90]  }
0x44: {  	v6 =	vshll.u32 v3, $0x10;
	v4 =	vadd.f32 v5, v4  }
0x45: {  	v3 =	vand.u32 $0xFFFF0000, v3;
	v5 =	vld [tilespmem:s0+$0xFFFFFF90];
	v0 =	vadd.f32 v6, v0  }
0x46: {  	v3 =	vadd.f32 v3, v4  }
0x47: {  	[tilespmem:s19+$0x20] =	vst v0  }
0x48: {  	v0 =	vshll.u32 v2, $0x10;
	[tilespmem:s19+$0x30] =	vst v3;
	v3 =	vshll.u32 v1, $0x10  }
0x49: {  	v2 =	vand.u32 $0xFFFF0000, v2;
	v4 =	vld [tilespmem:s16+$0x20];
	v1 =	vand.u32 $0xFFFF0000, v1;
	v0 =	vadd.f32 v3, v0  }
0x4a: {  	v6 =	vld [tilespmem:s14+$0x20];
	v3 =	vshll.u32 v5, $0x10;
	v1 =	vadd.f32 v1, v2  }
0x4b: {  	v2 =	vand.u32 $0xFFFF0000, v5;
	v0 =	vadd.f32 v3, v0  }
0x4c: {  	v3 =	vld [tilespmem:s0+$0x20];
	v1 =	vadd.f32 v2, v1  }
0x4d: {  	[tilespmem:s1+$0x20] =	vst v0  }
0x4e: {  	[tilespmem:s1+$0x30] =	vst v1  }
0x4f: {  	v0 =	vshll.u32 v4, $0x10;
	v1 =	vshll.u32 v6, $0x10;
	v2 =	vld [tilespmem:s16+$0xFFFFFFA0]  }
0x50: {  	v4 =	vand.u32 $0xFFFF0000, v4;
	v5 =	vand.u32 $0xFFFF0000, v6;
	v0 =	vadd.f32 v1, v0;
	v1 =	vld [tilespmem:s14+$0xFFFFFFA0]  }
0x51: {  	v4 =	vadd.f32 v5, v4;
	v6 =	vshll.u32 v3, $0x10  }
0x52: {  	v5 =	vld [tilespmem:s0+$0xFFFFFFA0];
	v3 =	vand.u32 $0xFFFF0000, v3;
	v0 =	vadd.f32 v6, v0  }
0x53: {  	v3 =	vadd.f32 v3, v4  }
0x54: {  	[tilespmem:s19+$0x40] =	vst v0  }
0x55: {  	v0 =	vshll.u32 v2, $0x10;
	v4 =	vshll.u32 v1, $0x10;
	[tilespmem:s19+$0x50] =	vst v3  }
0x56: {  	v2 =	vand.u32 $0xFFFF0000, v2;
	v1 =	vand.u32 $0xFFFF0000, v1;
	v0 =	vadd.f32 v4, v0;
	v3 =	vld [tilespmem:s16+$0x30]  }
0x57: {  	v4 =	vshll.u32 v5, $0x10;
	v1 =	vadd.f32 v1, v2;
	v2 =	vld [tilespmem:s14+$0x30]  }
0x58: {  	v5 =	vand.u32 $0xFFFF0000, v5;
	v0 =	vadd.f32 v4, v0  }
0x59: {  	v1 =	vadd.f32 v5, v1;
	v4 =	vld [tilespmem:s0+$0x30]  }
0x5a: {  	[tilespmem:s1+$0x40] =	vst v0  }
0x5b: {  	[tilespmem:s1+$0x50] =	vst v1  }
0x5c: {  	v0 =	vld [tilespmem:s16+$0xFFFFFFB0];
	v1 =	vshll.u32 v3, $0x10;
	v5 =	vshll.u32 v2, $0x10  }
0x5d: {  	v6 =	vld [tilespmem:s14+$0xFFFFFFB0];
	v3 =	vand.u32 $0xFFFF0000, v3;
	v2 =	vand.u32 $0xFFFF0000, v2;
	v1 =	vadd.f32 v5, v1  }
0x5e: {  	s8 =	simm.s32 $0x7880;
	v5 =	vld [tilespmem:s0+$0xFFFFFFB0];
	v2 =	vadd.f32 v2, v3;
	v7 =	vshll.u32 v4, $0x10  }
0x5f: {  	s13 =	simm.s32 $0xA080;
	v3 =	vld [tilespmem:s8+$0x0];
	v4 =	vand.u32 $0xFFFF0000, v4;
	v1 =	vadd.f32 v7, v1  }
0x60: {  	s17 =	simm.s32 $0x5080;
	v7 =	vld [tilespmem:s13+$0x0];
	v2 =	vadd.f32 v4, v2  }
0x61: {  	v9 =	vld [tilespmem:s17+$0x0];
	[tilespmem:s19+$0x60] =	vst v1  }
0x62: {  	v4 =	vld [tilespmem:s13+$0xFFFFFF80];
	v1 =	vshll.u32 v0, $0x10;
	v8 =	vshll.u32 v6, $0x10;
	[tilespmem:s19+$0x70] =	vst v2  }
0x63: {  	v0 =	vand.u32 $0xFFFF0000, v0;
	v2 =	vand.u32 $0xFFFF0000, v6;
	v1 =	vadd.f32 v8, v1;
	v6 =	vld [tilespmem:s16+$0x40]  }
0x64: {  	v8 =	vshll.u32 v5, $0x10;
	v0 =	vadd.f32 v2, v0;
	v2 =	vand.u32 $0xFFFF0000, v5;
	v5 =	vld [tilespmem:s14+$0x40]  }
0x65: {  	v1 =	vadd.f32 v8, v1;
	v8 =	vshll.u32 v3, $0x10;
	v10 =	vshll.u32 v7, $0x10  }
0x66: {  	s18 =	simm.s32 $0x200;
	v3 =	vand.u32 $0xFFFF0000, v3;
	v7 =	vand.u32 $0xFFFF0000, v7;
	v8 =	vadd.f32 v10, v8;
	v10 =	vld [tilespmem:s0+$0x40]  }
0x67: {  	s20 =	simm.s32 $0x180;
	s2 =	sand.u32 $0x3800, s18;
	v11 =	vshll.u32 v9, $0x10;
	v0 =	vadd.f32 v2, v0;
	v2 =	vld [tilespmem:s8+$0xFFFFFF80];
	v3 =	vadd.f32 v7, v3  }
0x68: {  	s3 =	sand.u32 $0x380, s20;
	s2 =	sor.u32 $0xC700, s2;
	v9 =	vand.u32 $0xFFFF0000, v9;
	v7 =	vshll.u32 v4, $0x10;
	v8 =	vadd.f32 v11, v8  }
0x69: {  	s9 =	sadd.s32 s3, s2;
	v11 =	vld [tilespmem:s17+$0xFFFFFF80];
	v3 =	vadd.f32 v9, v3;
	v9 =	vshll.u32 v6, $0x10;
	v12 =	vshll.u32 v5, $0x10  }
0x6a: {  	v6 =	vand.u32 $0xFFFF0000, v6;
	v5 =	vand.u32 $0xFFFF0000, v5;
	[tilespmem:s9+$0x0] =	vst v8;
	v8 =	vadd.f32 v12, v9  }
0x6b: {  	v4 =	vand.u32 $0xFFFF0000, v4;
	v5 =	vadd.f32 v5, v6;
	[tilespmem:s9+$0x10] =	vst v3;
	v3 =	vshll.u32 v10, $0x10  }
0x6c: {  	[tilespmem:s1+$0x60] =	vst v1;
	v1 =	vshll.u32 v2, $0x10;
	v6 =	vld [tilespmem:s8+$0x10];
	v9 =	vand.u32 $0xFFFF0000, v10;
	v3 =	vadd.f32 v3, v8  }
0x6d: {  	[tilespmem:s1+$0x70] =	vst v0;
	v0 =	vand.u32 $0xFFFF0000, v2;
	v1 =	vadd.f32 v7, v1;
	v2 =	vld [tilespmem:s13+$0x10];
	v5 =	vadd.f32 v9, v5  }
0x6e: {  	s22 =	simm.s32 $0x100;
	v7 =	vld [tilespmem:s16+$0xFFFFFFC0];
	v0 =	vadd.f32 v4, v0;
	v8 =	vshll.u32 v11, $0x10;
	[tilespmem:s19+$0x400] =	vst v3  }
0x6f: {  	s3 =	sand.u32 $0x300, s22;
	v4 =	vld [tilespmem:s17+$0x10];
	v3 =	vand.u32 $0xFFFF0000, v11;
	v1 =	vadd.f32 v8, v1;
	[tilespmem:s19+$0x410] =	vst v5  }
0x70: {  	s10 =	sadd.s32 s3, s2;
	v0 =	vadd.f32 v3, v0;
	v3 =	vld [tilespmem:s16+$0x50]  }
0x71: {  	[tilespmem:s10+$0x0] =	vst v1;
	v1 =	vld [tilespmem:s14+$0x50];
	v5 =	vshll.u32 v6, $0x10  }
0x72: {  	v8 =	vld [tilespmem:s0+$0x50];
	v6 =	vand.u32 $0xFFFF0000, v6;
	[tilespmem:s10+$0x10] =	vst v0;
	v0 =	vshll.u32 v2, $0x10;
	v2 =	vand.u32 $0xFFFF0000, v2  }
0x73: {  	v0 =	vadd.f32 v0, v5;
	v5 =	vld [tilespmem:s8+$0xFFFFFF90];
	v2 =	vadd.f32 v2, v6  }
0x74: {  	v6 =	vshll.u32 v4, $0x10;
	v9 =	vld [tilespmem:s13+$0xFFFFFF90];
	v4 =	vand.u32 $0xFFFF0000, v4  }
0x75: {  	v10 =	vshll.u32 v7, $0x10;
	v0 =	vadd.f32 v6, v0;
	v2 =	vadd.f32 v4, v2  }
0x76: {  	v4 =	vld [tilespmem:s17+$0xFFFFFF90];
	v6 =	vshll.u32 v3, $0x10;
	v3 =	vand.u32 $0xFFFF0000, v3;
	v11 =	vshll.u32 v1, $0x10  }
0x77: {  	v12 =	vld [tilespmem:s14+$0xFFFFFFC0];
	v1 =	vand.u32 $0xFFFF0000, v1;
	v6 =	vadd.f32 v11, v6;
	[tilespmem:s9+$0x20] =	vst v0;
	v0 =	vshll.u32 v8, $0x10  }
0x78: {  	v1 =	vadd.f32 v1, v3;
	[tilespmem:s9+$0x30] =	vst v2;
	v2 =	vand.u32 $0xFFFF0000, v8;
	v3 =	vshll.u32 v5, $0x10  }
0x79: {  	v11 =	vld [tilespmem:s0+$0xFFFFFFC0];
	v5 =	vand.u32 $0xFFFF0000, v5;
	v0 =	vadd.f32 v0, v6;
	v6 =	vshll.u32 v9, $0x10  }
0x7a: {  	v8 =	vld [tilespmem:s8+$0x20];
	v1 =	vadd.f32 v2, v1;
	v2 =	vand.u32 $0xFFFF0000, v9;
	v3 =	vadd.f32 v6, v3  }
0x7b: {  	v7 =	vand.u32 $0xFFFF0000, v7;
	v6 =	vld [tilespmem:s13+$0x20];
	v9 =	vshll.u32 v4, $0x10;
	[tilespmem:s19+$0x420] =	vst v0;
	v0 =	vadd.f32 v2, v5  }
0x7c: {  	v4 =	vand.u32 $0xFFFF0000, v4;
	v2 =	vshll.u32 v12, $0x10;
	v5 =	vld [tilespmem:s17+$0x20];
	[tilespmem:s19+$0x430] =	vst v1;
	v1 =	vadd.f32 v9, v3  }
0x7d: {  	v3 =	vand.u32 $0xFFFF0000, v12;
	v2 =	vadd.f32 v2, v10;
	v9 =	vld [tilespmem:s16+$0x60];
	v0 =	vadd.f32 v4, v0  }
0x7e: {  	v4 =	vshll.u32 v11, $0x10;
	v3 =	vadd.f32 v3, v7;
	v7 =	vld [tilespmem:s14+$0x60];
	[tilespmem:s10+$0x20] =	vst v1  }
0x7f: {  	v10 =	vand.u32 $0xFFFF0000, v11;
	v1 =	vadd.f32 v4, v2;
	v4 =	vld [tilespmem:s0+$0x60];
	[tilespmem:s10+$0x30] =	vst v0;
	v0 =	vshll.u32 v8, $0x10  }
0x80: {  	v2 =	vshll.u32 v6, $0x10;
	v3 =	vadd.f32 v10, v3;
	v6 =	vand.u32 $0xFFFF0000, v6;
	v10 =	vld [tilespmem:s8+$0xFFFFFFA0]  }
0x81: {  	v0 =	vadd.f32 v2, v0;
	v2 =	vand.u32 $0xFFFF0000, v8;
	v8 =	vld [tilespmem:s13+$0xFFFFFFA0];
	v11 =	vshll.u32 v5, $0x10  }
0x82: {  	[tilespmem:s1+$0x400] =	vst v1;
	v1 =	vand.u32 $0xFFFF0000, v5;
	v2 =	vadd.f32 v6, v2;
	v5 =	vshll.u32 v9, $0x10  }
0x83: {  	[tilespmem:s1+$0x410] =	vst v3;
	v3 =	vld [tilespmem:s17+$0xFFFFFFA0];
	v9 =	vand.u32 $0xFFFF0000, v9;
	v0 =	vadd.f32 v11, v0;
	v6 =	vshll.u32 v7, $0x10  }
0x84: {  	v11 =	vld [tilespmem:s16+$0xFFFFFFD0];
	v7 =	vand.u32 $0xFFFF0000, v7;
	v5 =	vadd.f32 v6, v5;
	v1 =	vadd.f32 v1, v2  }
0x85: {  	v2 =	vld [tilespmem:s14+$0xFFFFFFD0];
	v6 =	vshll.u32 v4, $0x10;
	v7 =	vadd.f32 v7, v9;
	v4 =	vand.u32 $0xFFFF0000, v4;
	[tilespmem:s9+$0x40] =	vst v0  }
0x86: {  	v0 =	vld [tilespmem:s0+$0xFFFFFFD0];
	v9 =	vshll.u32 v10, $0x10;
	v5 =	vadd.f32 v6, v5;
	v6 =	vshll.u32 v8, $0x10;
	[tilespmem:s9+$0x50] =	vst v1  }
0x87: {  	v1 =	vand.u32 $0xFFFF0000, v10;
	v8 =	vand.u32 $0xFFFF0000, v8;
	v6 =	vadd.f32 v6, v9;
	v9 =	vld [tilespmem:s8+$0x30]  }
0x88: {  	s28 =	simm.s32 $0x5180;
	v4 =	vadd.f32 v4, v7;
	v7 =	vshll.u32 v3, $0x10;
	v1 =	vadd.f32 v8, v1;
	v8 =	vld [tilespmem:s13+$0x30]  }
0x89: {  	v14 =	vld [tilespmem:s28+$0x0];
	v3 =	vand.u32 $0xFFFF0000, v3;
	[tilespmem:s19+$0x440] =	vst v5;
	v5 =	vadd.f32 v7, v6  }
0x8a: {  	[tilespmem:s19+$0x450] =	vst v4;
	v4 =	vshll.u32 v11, $0x10;
	v1 =	vadd.f32 v3, v1;
	v3 =	vld [tilespmem:s17+$0x30]  }
0x8b: {  	v6 =	vand.u32 $0xFFFF0000, v11;
	v7 =	vshll.u32 v2, $0x10;
	v10 =	vld [tilespmem:s16+$0x70];
	v2 =	vand.u32 $0xFFFF0000, v2;
	[tilespmem:s10+$0x40] =	vst v5  }
0x8c: {  	v4 =	vadd.f32 v7, v4;
	v7 =	vld [tilespmem:s14+$0x70];
	v2 =	vadd.f32 v2, v6;
	[tilespmem:s10+$0x50] =	vst v1  }
0x8d: {  	v5 =	vshll.u32 v0, $0x10;
	v11 =	vld [tilespmem:s8+$0xFFFFFFB0];
	v1 =	vshll.u32 v9, $0x10;
	v12 =	vshll.u32 v8, $0x10  }
0x8e: {  	v13 =	vld [tilespmem:s13+$0xFFFFFFB0];
	v9 =	vand.u32 $0xFFFF0000, v9;
	v8 =	vand.u32 $0xFFFF0000, v8;
	v1 =	vadd.f32 v12, v1  }
0x8f: {  	s11 =	simm.s32 $0x7980;
	v0 =	vand.u32 $0xFFFF0000, v0;
	v6 =	vld [tilespmem:s17+$0xFFFFFFB0];
	v8 =	vadd.f32 v8, v9;
	v12 =	vshll.u32 v3, $0x10  }
0x90: {  	s12 =	simm.s32 $0xA180;
	v4 =	vadd.f32 v5, v4;
	v5 =	vld [tilespmem:s11+$0x0];
	v3 =	vand.u32 $0xFFFF0000, v3;
	v1 =	vadd.f32 v12, v1  }
0x91: {  	v17 =	vshll.u32 v14, $0x10;
	v0 =	vadd.f32 v0, v2;
	v9 =	vld [tilespmem:s12+$0x0];
	v3 =	vadd.f32 v3, v8  }
0x92: {  	v2 =	vshll.u32 v10, $0x10;
	v8 =	vand.u32 $0xFFFF0000, v10;
	v10 =	vshll.u32 v7, $0x10;
	[tilespmem:s9+$0x60] =	vst v1  }
0x93: {  	v12 =	vld [tilespmem:s12+$0xFFFFFF80];
	v1 =	vadd.f32 v10, v2;
	v2 =	vshll.u32 v11, $0x10;
	v10 =	vshll.u32 v13, $0x10;
	[tilespmem:s9+$0x70] =	vst v3  }
0x94: {  	v3 =	vand.u32 $0xFFFF0000, v11;
	v11 =	vand.u32 $0xFFFF0000, v13;
	v2 =	vadd.f32 v10, v2;
	v10 =	vld [tilespmem:s8+$0x40]  }
0x95: {  	v13 =	vshll.u32 v6, $0x10;
	v6 =	vand.u32 $0xFFFF0000, v6;
	v3 =	vadd.f32 v11, v3;
	v11 =	vld [tilespmem:s13+$0x40]  }
0x96: {  	v15 =	vshll.u32 v9, $0x10;
	v13 =	vadd.f32 v13, v2;
	v2 =	vshll.u32 v5, $0x10  }
0x97: {  	s18 =	simm.s32 $0x400;
	v9 =	vand.u32 $0xFFFF0000, v9;
	v16 =	vld [tilespmem:s17+$0x40];
	v5 =	vand.u32 $0xFFFF0000, v5;
	v15 =	vadd.f32 v15, v2  }
0x98: {  	s25 =	simm.s32 $0x280;
	s24 =	sand.u32 $0x3800, s18;
	[tilespmem:s1+$0x420] =	vst v4;
	v7 =	vand.u32 $0xFFFF0000, v7;
	v3 =	vadd.f32 v6, v3;
	v6 =	vld [tilespmem:s11+$0xFFFFFF80];
	v5 =	vadd.f32 v9, v5  }
0x99: {  	s2 =	sor.u32 $0xC700, s24;
	s3 =	sand.u32 $0x380, s25;
	[tilespmem:s1+$0x430] =	vst v0;
	v0 =	vld [tilespmem:s28+$0xFFFFFF80];
	v4 =	vshll.u32 v12, $0x10;
	v9 =	vand.u32 $0xFFFF0000, v14;
	v14 =	vadd.f32 v17, v15  }
0x9a: {  	s25 =	sadd.s32 s3, s2;
	v55 =	vld [tilespmem:s16+$0xFFFFFFE0];
	v5 =	vadd.f32 v9, v5;
	v9 =	vshll.u32 v10, $0x10;
	v15 =	vshll.u32 v11, $0x10  }
0x9b: {  	v2 =	vld [tilespmem:s0+$0x70];
	v10 =	vand.u32 $0xFFFF0000, v10;
	v11 =	vand.u32 $0xFFFF0000, v11;
	v9 =	vadd.f32 v15, v9;
	[tilespmem:s25+$0x0] =	vst v14  }
0x9c: {  	v12 =	vand.u32 $0xFFFF0000, v12;
	v10 =	vadd.f32 v11, v10;
	v14 =	vld [tilespmem:s14+$0xFFFFFFE0];
	[tilespmem:s25+$0x10] =	vst v5;
	v5 =	vshll.u32 v16, $0x10  }
0x9d: {  	[tilespmem:s10+$0x60] =	vst v13;
	v15 =	vand.u32 $0xFFFF0000, v16;
	v11 =	vshll.u32 v6, $0x10;
	v13 =	vld [tilespmem:s11+$0x10];
	v5 =	vadd.f32 v5, v9  }
0x9e: {  	[tilespmem:s10+$0x70] =	vst v3;
	v3 =	vand.u32 $0xFFFF0000, v6;
	v4 =	vadd.f32 v4, v11;
	v6 =	vld [tilespmem:s12+$0x10];
	v9 =	vadd.f32 v15, v10  }
0x9f: {  	s20 =	simm.s32 $0x200;
	v7 =	vadd.f32 v7, v8;
	v8 =	vld [tilespmem:s8+$0xFFFFFFC0];
	v10 =	vshll.u32 v0, $0x10;
	v11 =	vadd.f32 v12, v3;
	[tilespmem:s9+$0x400] =	vst v5  }
0xa0: {  	s26 =	sand.u32 $0x300, s20;
	v3 =	vand.u32 $0xFFFF0000, v2;
	v0 =	vand.u32 $0xFFFF0000, v0;
	v4 =	vadd.f32 v10, v4;
	v5 =	vld [tilespmem:s28+$0x10];
	[tilespmem:s9+$0x410] =	vst v9  }
0xa1: {  	s26 =	sadd.s32 s26, s2;
	v3 =	vadd.f32 v3, v7;
	v0 =	vadd.f32 v0, v11;
	v7 =	vld [tilespmem:s8+$0x50]  }
0xa2: {  	v9 =	vshll.u32 v55, $0x10;
	v10 =	vand.u32 $0xFFFF0000, v55;
	v11 =	vshll.u32 v14, $0x10;
	[tilespmem:s26+$0x0] =	vst v4;
	v4 =	vld [tilespmem:s13+$0x50]  }
0xa3: {  	v15 =	vld [tilespmem:s17+$0x50];
	v12 =	vand.u32 $0xFFFF0000, v14;
	[tilespmem:s26+$0x10] =	vst v0;
	v0 =	vshll.u32 v13, $0x10;
	v14 =	vshll.u32 v6, $0x10  }
0xa4: {  	v13 =	vand.u32 $0xFFFF0000, v13;
	v6 =	vand.u32 $0xFFFF0000, v6;
	v18 =	vld [tilespmem:s28+$0xFFFFFF90];
	v0 =	vadd.f32 v14, v0  }
0xa5: {  	v9 =	vadd.f32 v11, v9;
	v14 =	vld [tilespmem:s11+$0xFFFFFF90];
	v6 =	vadd.f32 v6, v13;
	v11 =	vshll.u32 v5, $0x10  }
0xa6: {  	v56 =	vshll.u32 v8, $0x10;
	v13 =	vld [tilespmem:s12+$0xFFFFFF90];
	v5 =	vand.u32 $0xFFFF0000, v5;
	v0 =	vadd.f32 v11, v0  }
0xa7: {  	v5 =	vadd.f32 v5, v6;
	v6 =	vshll.u32 v7, $0x10;
	v57 =	vshll.u32 v4, $0x10  }
0xa8: {  	v11 =	vld [tilespmem:s13+$0xFFFFFFC0];
	v7 =	vand.u32 $0xFFFF0000, v7;
	v4 =	vand.u32 $0xFFFF0000, v4;
	v6 =	vadd.f32 v57, v6  }
0xa9: {  	v8 =	vand.u32 $0xFFFF0000, v8;
	[tilespmem:s25+$0x20] =	vst v0;
	v0 =	vshll.u32 v15, $0x10;
	v4 =	vadd.f32 v4, v7  }
0xaa: {  	[tilespmem:s25+$0x30] =	vst v5;
	v5 =	vld [tilespmem:s17+$0xFFFFFFC0];
	v15 =	vand.u32 $0xFFFF0000, v15;
	v59 =	vand.u32 $0xFFFF0000, v18;
	v0 =	vadd.f32 v0, v6  }
0xab: {  	v7 =	vshll.u32 v14, $0x10;
	v6 =	vshll.u32 v13, $0x10;
	v4 =	vadd.f32 v15, v4;
	v15 =	vld [tilespmem:s11+$0x20]  }
0xac: {  	v14 =	vand.u32 $0xFFFF0000, v14;
	v13 =	vand.u32 $0xFFFF0000, v13;
	v6 =	vadd.f32 v6, v7;
	[tilespmem:s9+$0x420] =	vst v0;
	v0 =	vld [tilespmem:s12+$0x20]  }
0xad: {  	v7 =	vshll.u32 v11, $0x10;
	v13 =	vadd.f32 v13, v14;
	v14 =	vshll.u32 v18, $0x10;
	[tilespmem:s9+$0x430] =	vst v4;
	v4 =	vld [tilespmem:s28+$0x20]  }
0xae: {  	v11 =	vand.u32 $0xFFFF0000, v11;
	v7 =	vadd.f32 v7, v56;
	v6 =	vadd.f32 v14, v6;
	v14 =	vld [tilespmem:s8+$0x60]  }
0xaf: {  	v8 =	vadd.f32 v11, v8;
	v60 =	vshll.u32 v5, $0x10;
	v11 =	vadd.f32 v59, v13;
	v13 =	vld [tilespmem:s13+$0x60]  }
0xb0: {  	v58 =	vld [tilespmem:s0+$0xFFFFFFE0];
	v10 =	vadd.f32 v12, v10;
	v5 =	vand.u32 $0xFFFF0000, v5;
	v7 =	vadd.f32 v60, v7;
	[tilespmem:s26+$0x20] =	vst v6  }
0xb1: {  	v5 =	vadd.f32 v5, v8;
	[tilespmem:s26+$0x30] =	vst v11;
	v6 =	vshll.u32 v15, $0x10;
	v11 =	vld [tilespmem:s17+$0x60];
	v8 =	vshll.u32 v0, $0x10  }
0xb2: {  	v15 =	vand.u32 $0xFFFF0000, v15;
	[tilespmem:s10+$0x400] =	vst v7;
	v7 =	vld [tilespmem:s11+$0xFFFFFFA0];
	v0 =	vand.u32 $0xFFFF0000, v0;
	v6 =	vadd.f32 v8, v6  }
0xb3: {  	[tilespmem:s10+$0x410] =	vst v5;
	v5 =	vld [tilespmem:s12+$0xFFFFFFA0];
	v8 =	vshll.u32 v4, $0x10;
	v4 =	vand.u32 $0xFFFF0000, v4;
	v0 =	vadd.f32 v0, v15  }
0xb4: {  	v62 =	vshll.u32 v13, $0x10;
	v6 =	vadd.f32 v8, v6;
	v8 =	vshll.u32 v14, $0x10  }
0xb5: {  	v63 =	vld [tilespmem:s28+$0xFFFFFFA0];
	v13 =	vand.u32 $0xFFFF0000, v13;
	v14 =	vand.u32 $0xFFFF0000, v14;
	v8 =	vadd.f32 v62, v8  }
0xb6: {  	v12 =	vld [tilespmem:s13+$0xFFFFFFD0];
	v0 =	vadd.f32 v4, v0;
	v4 =	vshll.u32 v11, $0x10;
	v13 =	vadd.f32 v13, v14  }
0xb7: {  	v61 =	vshll.u32 v58, $0x10;
	v15 =	vld [tilespmem:s8+$0xFFFFFFD0];
	[tilespmem:s25+$0x40] =	vst v6;
	v6 =	vand.u32 $0xFFFF0000, v11;
	v4 =	vadd.f32 v4, v8  }
0xb8: {  	v11 =	vshll.u32 v5, $0x10;
	[tilespmem:s25+$0x50] =	vst v0;
	v8 =	vshll.u32 v7, $0x10;
	v0 =	vadd.f32 v6, v13  }
0xb9: {  	v5 =	vand.u32 $0xFFFF0000, v5;
	v6 =	vld [tilespmem:s17+$0xFFFFFFD0];
	v7 =	vand.u32 $0xFFFF0000, v7;
	v8 =	vadd.f32 v11, v8;
	[tilespmem:s9+$0x440] =	vst v4  }
0xba: {  	v2 =	vshll.u32 v2, $0x10;
	v13 =	vld [tilespmem:s11+$0x30];
	v11 =	vshll.u32 v63, $0x10;
	v5 =	vadd.f32 v5, v7;
	[tilespmem:s9+$0x450] =	vst v0  }
0xbb: {  	v2 =	vadd.f32 v2, v1;
	v7 =	vand.u32 $0xFFFF0000, v63;
	v8 =	vadd.f32 v11, v8;
	v11 =	vld [tilespmem:s8+$0x70]  }
0xbc: {  	v14 =	vshll.u32 v12, $0x10;
	v4 =	vshll.u32 v15, $0x10;
	v5 =	vadd.f32 v7, v5;
	v7 =	vld [tilespmem:s13+$0x70]  }
0xbd: {  	v12 =	vand.u32 $0xFFFF0000, v12;
	v0 =	vand.u32 $0xFFFF0000, v15;
	v4 =	vadd.f32 v14, v4;
	v14 =	vld [tilespmem:s12+$0x30]  }
0xbe: {  	v16 =	vadd.f32 v61, v9;
	v12 =	vadd.f32 v12, v0;
	v0 =	vld [tilespmem:s17+$0x70];
	[tilespmem:s26+$0x40] =	vst v8;
	v8 =	vshll.u32 v6, $0x10  }
0xbf: {  	v9 =	vld [tilespmem:s28+$0x30];
	v15 =	vand.u32 $0xFFFF0000, v58;
	v6 =	vand.u32 $0xFFFF0000, v6;
	[tilespmem:s26+$0x50] =	vst v5;
	v4 =	vadd.f32 v8, v4  }
0xc0: {  	[tilespmem:s19+$0x470] =	vst v3;
	v3 =	vadd.f32 v15, v10;
	v5 =	vadd.f32 v6, v12;
	v6 =	vld [tilespmem:s11+$0xFFFFFFB0];
	v1 =	vshll.u32 v11, $0x10  }
0xc1: {  	v8 =	vld [tilespmem:s12+$0xFFFFFFB0];
	[tilespmem:s10+$0x420] =	vst v4;
	v4 =	vand.u32 $0xFFFF0000, v11;
	v10 =	vshll.u32 v7, $0x10;
	v11 =	vand.u32 $0xFFFF0000, v7  }
0xc2: {  	v15 =	vand.u32 $0xFFFF0000, v13;
	[tilespmem:s10+$0x430] =	vst v5;
	v7 =	vld [tilespmem:s28+$0xFFFFFFB0];
	v1 =	vadd.f32 v10, v1;
	v10 =	vadd.f32 v11, v4  }
0xc3: {  	[tilespmem:s19+$0x460] =	vst v2;
	v12 =	vshll.u32 v13, $0x10;
	v13 =	vand.u32 $0xFFFF0000, v0;
	v4 =	vshll.u32 v14, $0x10;
	v5 =	vld [tilespmem:s8+$0xFFFFFFE0]  }
0xc4: {  	s15 =	simm.s32 $0x4;
	[tilespmem:s1+$0x450] =	vst v3;
	v14 =	vand.u32 $0xFFFF0000, v14;
	v2 =	vld [tilespmem:s17+$0xFFFFFFE0];
	v11 =	vadd.f32 v4, v12;
	v3 =	vadd.f32 v13, v10  }
0xc5: {  	s3 =	simm.s32 $0x7A80;
	s2 =	simm.s32 $0xA180;
	s19 =	simm.s32 $0x5180;
	[tilespmem:s1+$0x440] =	vst v16;
	v4 =	vld [tilespmem:s13+$0xFFFFFFE0];
	v12 =	vadd.f32 v14, v15;
	v10 =	vshll.u32 v6, $0x10;
	v13 =	vshll.u32 v9, $0x10  }
.LBB2_3:
0xc6: {  	v14 =	vld [tilespmem:s3+$0x0];
	v6 =	vand.u32 $0xFFFF0000, v6;
	v9 =	vand.u32 $0xFFFF0000, v9;
	v11 =	vadd.f32 v13, v11;
	s12 =	sadd.s32 $0x100, s12;
	[tilespmem:s9+$0x470] =	vst v3  }
0xc7: {  	v3 =	vshll.u32 v8, $0x10;
	v8 =	vand.u32 $0xFFFF0000, v8;
	v13 =	vld [tilespmem:s12+$0x0];
	v9 =	vadd.f32 v9, v12  }
0xc8: {  	s28 =	sadd.s32 $0x100, s28;
	v15 =	vshll.u32 v7, $0x10;
	v3 =	vadd.f32 v3, v10;
	v6 =	vadd.f32 v8, v6;
	v12 =	vld [tilespmem:s12+$0xFFFFFF80];
	[tilespmem:s25+$0x60] =	vst v11  }
0xc9: {  	v7 =	vand.u32 $0xFFFF0000, v7;
	v8 =	vshll.u32 v5, $0x10;
	v5 =	vand.u32 $0xFFFF0000, v5;
	v10 =	vld [tilespmem:s28+$0x0];
	[tilespmem:s25+$0x70] =	vst v9  }
0xca: {  	v3 =	vadd.f32 v15, v3;
	v6 =	vadd.f32 v7, v6;
	v11 =	vshll.u32 v4, $0x10;
	v9 =	vld [tilespmem:s11+$0x40]  }
0xcb: {  	v4 =	vand.u32 $0xFFFF0000, v4;
	v7 =	vshll.u32 v2, $0x10;
	v8 =	vadd.f32 v11, v8;
	v15 =	vld [tilespmem:s2+$0x40]  }
0xcc: {  	v16 =	vshll.u32 v14, $0x10;
	v11 =	vld [tilespmem:s3+$0xFFFFFF80];
	v17 =	vshll.u32 v13, $0x10;
	[tilespmem:s26+$0x60] =	vst v3;
	v3 =	vadd.f32 v4, v5  }
0xcd: {  	s18 =	sadd.s32 $0x200, s18;
	s20 =	sadd.s32 $0x100, s20;
	v4 =	vand.u32 $0xFFFF0000, v14;
	v5 =	vand.u32 $0xFFFF0000, v13;
	v13 =	vadd.f32 v17, v16;
	[tilespmem:s26+$0x70] =	vst v6;
	v6 =	vld [tilespmem:s19+$0x40]  }
0xce: {  	s5 =	sand.u32 $0x3800, s18;
	s6 =	sand.u32 $0x300, s20;
	s22 =	sadd.s32 $0x80, s20;
	v16 =	vshll.u32 v12, $0x10;
	v4 =	vadd.f32 v5, v4;
	v14 =	vld [tilespmem:s28+$0xFFFFFF80];
	v17 =	vshll.u32 v10, $0x10  }
0xcf: {  	s5 =	sor.u32 $0xC700, s5;
	s22 =	sand.u32 $0x380, s22;
	v5 =	vand.u32 $0xFFFF0000, v12;
	v10 =	vand.u32 $0xFFFF0000, v10;
	v12 =	vadd.f32 v17, v13;
	v13 =	vld [tilespmem:s11+$0xFFFFFFC0]  }
0xd0: {  	s24 =	sadd.s32 s6, s5;
	s22 =	sadd.s32 s22, s5;
	v4 =	vadd.f32 v10, v4;
	v17 =	vshll.u32 v9, $0x10;
	v10 =	vld [tilespmem:s2+$0xFFFFFFC0];
	v18 =	vshll.u32 v15, $0x10  }
0xd1: {  	v9 =	vand.u32 $0xFFFF0000, v9;
	v15 =	vand.u32 $0xFFFF0000, v15;
	[tilespmem:s22+$0x0] =	vst v12;
	v12 =	vld [tilespmem:s19+$0xFFFFFFC0];
	v17 =	vadd.f32 v18, v17  }
0xd2: {  	v18 =	vshll.u32 v11, $0x10;
	v9 =	vadd.f32 v15, v9;
	[tilespmem:s22+$0x10] =	vst v4;
	v19 =	vshll.u32 v6, $0x10;
	v4 =	vld [tilespmem:s16+$0xFFFFFFF0];
	s16 =	smov.u32 s8;
	s8 =	smov.u32 s11;
	s11 =	smov.u32 s3  }
0xd3: {  	v11 =	vand.u32 $0xFFFF0000, v11;
	v6 =	vand.u32 $0xFFFF0000, v6;
	v15 =	vld [tilespmem:s3+$0x10];
	v17 =	vadd.f32 v19, v17  }
0xd4: {  	v16 =	vadd.f32 v16, v18;
	v19 =	vshll.u32 v14, $0x10;
	v6 =	vadd.f32 v6, v9;
	v18 =	vld [tilespmem:s12+$0x10]  }
0xd5: {  	v11 =	vadd.f32 v5, v11;
	v9 =	vand.u32 $0xFFFF0000, v14;
	v14 =	vshll.u32 v13, $0x10;
	[tilespmem:s25+$0x400] =	vst v17;
	v5 =	vld [tilespmem:s14+$0xFFFFFFF0];
	s14 =	smov.u32 s13;
	s13 =	smov.u32 s2;
	s2 =	smov.u32 s12  }
0xd6: {  	v16 =	vadd.f32 v19, v16;
	v13 =	vand.u32 $0xFFFF0000, v13;
	v19 =	vshll.u32 v10, $0x10;
	v17 =	vld [tilespmem:s28+$0x10];
	[tilespmem:s25+$0x410] =	vst v6  }
0xd7: {  	v6 =	vadd.f32 v9, v11;
	v9 =	vand.u32 $0xFFFF0000, v10;
	v10 =	vadd.f32 v19, v14;
	v11 =	vld [tilespmem:s8+$0x50]  }
0xd8: {  	v14 =	vshll.u32 v12, $0x10;
	v12 =	vand.u32 $0xFFFF0000, v12;
	v9 =	vadd.f32 v9, v13;
	[tilespmem:s24+$0x0] =	vst v16;
	v13 =	vld [tilespmem:s13+$0x50]  }
0xd9: {  	v16 =	vshll.u32 v15, $0x10;
	v10 =	vadd.f32 v14, v10;
	[tilespmem:s24+$0x10] =	vst v6;
	v19 =	vshll.u32 v18, $0x10;
	v6 =	vld [tilespmem:s0+$0xFFFFFFF0];
	s0 =	smov.u32 s17;
	s17 =	smov.u32 s19;
	s19 =	smov.u32 s28  }
0xda: {  	v14 =	vand.u32 $0xFFFF0000, v15;
	v15 =	vand.u32 $0xFFFF0000, v18;
	v16 =	vadd.f32 v19, v16;
	v18 =	vld [tilespmem:s17+$0x50]  }
0xdb: {  	s15 =	sadd.s32 $0x2, s15;
	v9 =	vadd.f32 v12, v9;
	v14 =	vadd.f32 v15, v14;
	v19 =	vld [tilespmem:s3+$0xFFFFFF90];
	v20 =	vshll.u32 v17, $0x10;
	[tilespmem:s26+$0x400] =	vst v10  }
0xdc: {  	p0 =	slt.u32 s15, $0x26;
	v2 =	vand.u32 $0xFFFF0000, v2;
	v12 =	vand.u32 $0xFFFF0000, v17;
	v10 =	vld [tilespmem:s12+$0xFFFFFF90];
	v15 =	vadd.f32 v20, v16  }
0xdd: {  	v12 =	vadd.f32 v12, v14;
	v16 =	vld [tilespmem:s28+$0xFFFFFF90];
	[tilespmem:s26+$0x410] =	vst v9;
	v9 =	vshll.u32 v11, $0x10;
	v14 =	vshll.u32 v13, $0x10  }
0xde: {  	v11 =	vand.u32 $0xFFFF0000, v11;
	v13 =	vand.u32 $0xFFFF0000, v13;
	v17 =	vld [tilespmem:s8+$0xFFFFFFD0];
	v9 =	vadd.f32 v14, v9  }
0xdf: {  	v7 =	vadd.f32 v7, v8;
	v11 =	vadd.f32 v13, v11;
	[tilespmem:s22+$0x20] =	vst v15;
	v14 =	vld [tilespmem:s13+$0xFFFFFFD0];
	v15 =	vshll.u32 v18, $0x10  }
0xe0: {  	v13 =	vand.u32 $0xFFFF0000, v18;
	v8 =	vshll.u32 v19, $0x10;
	[tilespmem:s22+$0x30] =	vst v12;
	v12 =	vld [tilespmem:s17+$0xFFFFFFD0];
	v9 =	vadd.f32 v15, v9  }
0xe1: {  	v15 =	vand.u32 $0xFFFF0000, v19;
	v11 =	vadd.f32 v13, v11;
	v18 =	vshll.u32 v10, $0x10;
	v19 =	vld [tilespmem:s3+$0x20];
	[tilespmem:s10+$0x440] =	vst v7  }
0xe2: {  	v7 =	vand.u32 $0xFFFF0000, v10;
	v10 =	vshll.u32 v16, $0x10;
	v8 =	vadd.f32 v18, v8;
	v13 =	vld [tilespmem:s12+$0x20];
	[tilespmem:s25+$0x420] =	vst v9  }
0xe3: {  	v9 =	vand.u32 $0xFFFF0000, v16;
	v7 =	vadd.f32 v7, v15;
	v15 =	vld [tilespmem:s28+$0x20];
	v16 =	vshll.u32 v17, $0x10;
	[tilespmem:s25+$0x430] =	vst v11  }
0xe4: {  	v8 =	vadd.f32 v10, v8;
	v10 =	vand.u32 $0xFFFF0000, v17;
	v11 =	vshll.u32 v14, $0x10;
	v17 =	vld [tilespmem:s8+$0x60]  }
0xe5: {  	v7 =	vadd.f32 v9, v7;
	v9 =	vand.u32 $0xFFFF0000, v14;
	v11 =	vadd.f32 v11, v16;
	v14 =	vld [tilespmem:s13+$0x60]  }
0xe6: {  	v9 =	vadd.f32 v9, v10;
	[tilespmem:s24+$0x20] =	vst v8;
	v8 =	vshll.u32 v12, $0x10;
	v12 =	vand.u32 $0xFFFF0000, v12  }
0xe7: {  	[tilespmem:s24+$0x30] =	vst v7;
	v7 =	vshll.u32 v19, $0x10;
	v10 =	vshll.u32 v13, $0x10;
	v8 =	vadd.f32 v8, v11;
	v11 =	vld [tilespmem:s17+$0x60]  }
0xe8: {  	v18 =	vand.u32 $0xFFFF0000, v19;
	v13 =	vand.u32 $0xFFFF0000, v13;
	v16 =	vld [tilespmem:s3+$0xFFFFFFA0];
	v7 =	vadd.f32 v10, v7  }
0xe9: {  	v19 =	vshll.u32 v15, $0x10;
	v15 =	vand.u32 $0xFFFF0000, v15;
	v13 =	vadd.f32 v13, v18;
	v10 =	vld [tilespmem:s12+$0xFFFFFFA0];
	[tilespmem:s26+$0x420] =	vst v8  }
0xea: {  	v18 =	vshll.u32 v17, $0x10;
	v8 =	vld [tilespmem:s28+$0xFFFFFFA0];
	v7 =	vadd.f32 v19, v7;
	v19 =	vshll.u32 v14, $0x10  }
0xeb: {  	v17 =	vand.u32 $0xFFFF0000, v17;
	v14 =	vand.u32 $0xFFFF0000, v14;
	v18 =	vadd.f32 v19, v18  }
0xec: {  	v13 =	vadd.f32 v15, v13;
	v14 =	vadd.f32 v14, v17;
	v15 =	vshll.u32 v11, $0x10  }
0xed: {  	v17 =	vshll.u32 v16, $0x10;
	[tilespmem:s22+$0x40] =	vst v7;
	v7 =	vand.u32 $0xFFFF0000, v11;
	v11 =	vadd.f32 v15, v18  }
0xee: {  	v15 =	vand.u32 $0xFFFF0000, v16;
	v16 =	vshll.u32 v10, $0x10;
	[tilespmem:s22+$0x50] =	vst v13;
	v7 =	vadd.f32 v7, v14  }
0xef: {  	v10 =	vand.u32 $0xFFFF0000, v10;
	v13 =	vshll.u32 v8, $0x10;
	v14 =	vadd.f32 v16, v17;
	[tilespmem:s25+$0x440] =	vst v11  }
0xf0: {  	v9 =	vadd.f32 v12, v9;
	v8 =	vand.u32 $0xFFFF0000, v8;
	v10 =	vadd.f32 v10, v15;
	v11 =	vld [tilespmem:s3+$0x30];
	[tilespmem:s25+$0x450] =	vst v7  }
0xf1: {  	v2 =	vadd.f32 v2, v3;
	v3 =	vshll.u32 v4, $0x10;
	v7 =	vadd.f32 v13, v14;
	v12 =	vld [tilespmem:s8+$0x70]  }
0xf2: {  	v4 =	vand.u32 $0xFFFF0000, v4;
	v8 =	vadd.f32 v8, v10;
	[tilespmem:s26+$0x430] =	vst v9;
	v10 =	vld [tilespmem:s13+$0x70];
	v9 =	vshll.u32 v5, $0x10  }
0xf3: {  	v5 =	vand.u32 $0xFFFF0000, v5;
	[tilespmem:s24+$0x40] =	vst v7;
	v13 =	vld [tilespmem:s12+$0x30];
	v7 =	vshll.u32 v6, $0x10;
	v3 =	vadd.f32 v9, v3  }
0xf4: {  	v14 =	vand.u32 $0xFFFF0000, v6;
	v4 =	vadd.f32 v5, v4;
	[tilespmem:s24+$0x50] =	vst v8;
	v8 =	vshll.u32 v0, $0x10;
	v0 =	vld [tilespmem:s17+$0x70]  }
0xf5: {  	v6 =	vld [tilespmem:s3+$0xFFFFFFB0];
	[tilespmem:s10+$0x450] =	vst v2;
	v2 =	vadd.f32 v8, v1;
	v1 =	vadd.f32 v7, v3  }
0xf6: {  	v4 =	vadd.f32 v14, v4;
	v9 =	vld [tilespmem:s28+$0x30];
	v3 =	vshll.u32 v12, $0x10  }
.Ltmp0:
0xf7: {  	v5 =	vand.u32 $0xFFFF0000, v12;
	v8 =	vld [tilespmem:s12+$0xFFFFFFB0];
	v12 =	vshll.u32 v10, $0x10;
	v10 =	vand.u32 $0xFFFF0000, v10;
	[tilespmem:s1+$0x460] =	vst v1;
	(pc) =	sbr.rel @p0 .LBB2_3-.Ltmp0, $4  }
0xf8: {  	v14 =	vshll.u32 v11, $0x10;
	v7 =	vld [tilespmem:s28+$0xFFFFFFB0];
	v1 =	vadd.f32 v12, v3;
	v3 =	vadd.f32 v10, v5;
	[tilespmem:s1+$0x470] =	vst v4;
	s1 =	smov.u32 s10;
	s10 =	smov.u32 s26;
	s26 =	smov.u32 s24  }
0xf9: {  	v12 =	vand.u32 $0xFFFF0000, v11;
	v4 =	vshll.u32 v13, $0x10;
	v5 =	vld [tilespmem:s8+$0xFFFFFFE0];
	v10 =	vand.u32 $0xFFFF0000, v0;
	[tilespmem:s9+$0x460] =	vst v2;
	s9 =	smov.u32 s25;
	s25 =	smov.u32 s22  }
0xfa: {  	v2 =	vand.u32 $0xFFFF0000, v13;
	v11 =	vadd.f32 v4, v14;
	v4 =	vld [tilespmem:s13+$0xFFFFFFE0];
	v3 =	vadd.f32 v10, v3  }
0xfb: {  	s3 =	sadd.s32 $0x100, s3;
	v10 =	vshll.u32 v6, $0x10;
	v12 =	vadd.f32 v2, v12;
	v13 =	vshll.u32 v9, $0x10;
	v2 =	vld [tilespmem:s17+$0xFFFFFFE0]  }
0xfc: {  	v9 =	vand.u32 $0xFFFF0000, v9;
	v11 =	vadd.f32 v13, v11  }
0xfd: {  	v9 =	vadd.f32 v9, v12  }
0xfe: {  	[tilespmem:s25+$0x60] =	vst v11  }
0xff: {  	[tilespmem:s25+$0x70] =	vst v9;
	v9 =	vshll.u32 v8, $0x10  }
0x100: {  	v6 =	vand.u32 $0xFFFF0000, v6;
	v8 =	vand.u32 $0xFFFF0000, v8;
	v11 =	vld [tilespmem:s11+$0x40];
	v9 =	vadd.f32 v9, v10  }
0x101: {  	v12 =	vshll.u32 v7, $0x10;
	v10 =	vld [tilespmem:s2+$0x40];
	v6 =	vadd.f32 v8, v6  }
0x102: {  	v7 =	vand.u32 $0xFFFF0000, v7;
	v8 =	vadd.f32 v12, v9  }
0x103: {  	v9 =	vld [tilespmem:s19+$0x40];
	v6 =	vadd.f32 v7, v6  }
0x104: {  	[tilespmem:s26+$0x60] =	vst v8  }
0x105: {  	[tilespmem:s26+$0x70] =	vst v6  }
0x106: {  	v6 =	vshll.u32 v11, $0x10;
	v7 =	vshll.u32 v10, $0x10;
	v8 =	vld [tilespmem:s11+$0xFFFFFFC0]  }
0x107: {  	v11 =	vand.u32 $0xFFFF0000, v11;
	v10 =	vand.u32 $0xFFFF0000, v10;
	v6 =	vadd.f32 v7, v6;
	v7 =	vld [tilespmem:s2+$0xFFFFFFC0]  }
0x108: {  	v10 =	vadd.f32 v10, v11;
	v12 =	vshll.u32 v9, $0x10  }
0x109: {  	v11 =	vld [tilespmem:s19+$0xFFFFFFC0];
	v9 =	vand.u32 $0xFFFF0000, v9;
	v6 =	vadd.f32 v12, v6  }
0x10a: {  	v9 =	vadd.f32 v9, v10  }
0x10b: {  	[tilespmem:s25+$0x400] =	vst v6  }
0x10c: {  	[tilespmem:s25+$0x410] =	vst v9;
	v6 =	vshll.u32 v8, $0x10;
	v9 =	vshll.u32 v7, $0x10  }
0x10d: {  	v8 =	vand.u32 $0xFFFF0000, v8;
	v10 =	vld [tilespmem:s11+$0x50];
	v7 =	vand.u32 $0xFFFF0000, v7;
	v6 =	vadd.f32 v9, v6  }
0x10e: {  	v12 =	vshll.u32 v11, $0x10;
	v9 =	vld [tilespmem:s2+$0x50];
	v7 =	vadd.f32 v7, v8  }
0x10f: {  	v8 =	vand.u32 $0xFFFF0000, v11;
	v6 =	vadd.f32 v12, v6  }
0x110: {  	v11 =	vld [tilespmem:s19+$0x50];
	v7 =	vadd.f32 v8, v7  }
0x111: {  	[tilespmem:s26+$0x400] =	vst v6  }
0x112: {  	[tilespmem:s26+$0x410] =	vst v7  }
0x113: {  	v6 =	vshll.u32 v10, $0x10;
	v7 =	vshll.u32 v9, $0x10;
	v8 =	vld [tilespmem:s11+$0xFFFFFFD0]  }
0x114: {  	v10 =	vand.u32 $0xFFFF0000, v10;
	v9 =	vand.u32 $0xFFFF0000, v9;
	v6 =	vadd.f32 v7, v6;
	v7 =	vld [tilespmem:s2+$0xFFFFFFD0]  }
0x115: {  	v12 =	vshll.u32 v11, $0x10;
	v9 =	vadd.f32 v9, v10  }
0x116: {  	v10 =	vand.u32 $0xFFFF0000, v11;
	v11 =	vld [tilespmem:s19+$0xFFFFFFD0];
	v6 =	vadd.f32 v12, v6  }
0x117: {  	v9 =	vadd.f32 v10, v9  }
0x118: {  	[tilespmem:s25+$0x420] =	vst v6  }
0x119: {  	[tilespmem:s25+$0x430] =	vst v9;
	v6 =	vshll.u32 v8, $0x10;
	v9 =	vshll.u32 v7, $0x10  }
0x11a: {  	v8 =	vand.u32 $0xFFFF0000, v8;
	v10 =	vld [tilespmem:s11+$0x60];
	v7 =	vand.u32 $0xFFFF0000, v7;
	v6 =	vadd.f32 v9, v6  }
0x11b: {  	v12 =	vshll.u32 v11, $0x10;
	v9 =	vld [tilespmem:s2+$0x60];
	v7 =	vadd.f32 v7, v8  }
0x11c: {  	v8 =	vand.u32 $0xFFFF0000, v11;
	v11 =	vld [tilespmem:s19+$0x60];
	v6 =	vadd.f32 v12, v6  }
0x11d: {  	v7 =	vadd.f32 v8, v7  }
0x11e: {  	v8 =	vshll.u32 v5, $0x10;
	v5 =	vand.u32 $0xFFFF0000, v5;
	[tilespmem:s26+$0x420] =	vst v6  }
0x11f: {  	v6 =	vshll.u32 v4, $0x10;
	v14 =	vshll.u32 v10, $0x10;
	[tilespmem:s26+$0x430] =	vst v7;
	v7 =	vand.u32 $0xFFFF0000, v10  }
0x120: {  	v13 =	vld [tilespmem:s14+$0xFFFFFFF0];
	v4 =	vand.u32 $0xFFFF0000, v4;
	v15 =	vshll.u32 v9, $0x10;
	v9 =	vand.u32 $0xFFFF0000, v9  }
0x121: {  	v12 =	vld [tilespmem:s16+$0xFFFFFFF0];
	v6 =	vadd.f32 v6, v8;
	v8 =	vand.u32 $0xFFFF0000, v11;
	v4 =	vadd.f32 v4, v5  }
0x122: {  	v10 =	vadd.f32 v15, v14;
	v14 =	vld [tilespmem:s11+$0xFFFFFFE0];
	v15 =	vshll.u32 v11, $0x10;
	v11 =	vshll.u32 v2, $0x10  }
0x123: {  	v7 =	vadd.f32 v9, v7;
	v9 =	vld [tilespmem:s2+$0xFFFFFFE0];
	v2 =	vand.u32 $0xFFFF0000, v2;
	v6 =	vadd.f32 v11, v6  }
0x124: {  	v2 =	vadd.f32 v2, v4  }
0x125: {  	v10 =	vadd.f32 v15, v10;
	v5 =	vadd.f32 v8, v7;
	v7 =	vld [tilespmem:s19+$0xFFFFFFE0];
	[tilespmem:s10+$0x440] =	vst v6  }
0x126: {  	v4 =	vshll.u32 v12, $0x10;
	v11 =	vshll.u32 v13, $0x10;
	[tilespmem:s10+$0x450] =	vst v2  }
0x127: {  	v8 =	vld [tilespmem:s0+$0xFFFFFFF0];
	v4 =	vadd.f32 v11, v4;
	[tilespmem:s25+$0x440] =	vst v10  }
0x128: {  	[tilespmem:s25+$0x450] =	vst v5;
	v5 =	vand.u32 $0xFFFF0000, v12;
	v11 =	vld [tilespmem:s8+$0xFFFFFFF0];
	v12 =	vshll.u32 v14, $0x10;
	v15 =	vshll.u32 v9, $0x10  }
0x129: {  	v10 =	vld [tilespmem:s11+$0x70];
	v14 =	vand.u32 $0xFFFF0000, v14;
	v9 =	vand.u32 $0xFFFF0000, v9;
	v12 =	vadd.f32 v15, v12  }
0x12a: {  	v6 =	vld [tilespmem:s2+$0x70];
	v9 =	vadd.f32 v9, v14;
	v2 =	vshll.u32 v7, $0x10  }
0x12b: {  	v13 =	vand.u32 $0xFFFF0000, v13;
	v7 =	vand.u32 $0xFFFF0000, v7;
	v2 =	vadd.f32 v2, v12  }
0x12c: {  	v0 =	vshll.u32 v0, $0x10;
	[tilespmem:s9+$0x470] =	vst v3;
	v5 =	vadd.f32 v13, v5;
	v15 =	vld [tilespmem:s19+$0x70];
	v7 =	vadd.f32 v7, v9  }
0x12d: {  	v0 =	vadd.f32 v0, v1;
	v12 =	vld [tilespmem:s13+$0xFFFFFFF0];
	v9 =	vshll.u32 v8, $0x10;
	v8 =	vand.u32 $0xFFFF0000, v8;
	[tilespmem:s26+$0x440] =	vst v2  }
0x12e: {  	v1 =	vadd.f32 v9, v4;
	v4 =	vadd.f32 v8, v5;
	v5 =	vld [tilespmem:s17+$0xFFFFFFF0];
	v3 =	vand.u32 $0xFFFF0000, v11;
	[tilespmem:s26+$0x450] =	vst v7  }
0x12f: {  	v7 =	vand.u32 $0xFFFF0000, v10;
	v8 =	vshll.u32 v6, $0x10;
	v6 =	vand.u32 $0xFFFF0000, v6;
	v9 =	vld [tilespmem:s11+$0xFFFFFFF0]  }
0x130: {  	v2 =	vshll.u32 v10, $0x10;
	v10 =	vshll.u32 v11, $0x10;
	v6 =	vadd.f32 v6, v7;
	v7 =	vld [tilespmem:s2+$0xFFFFFFF0]  }
0x131: {  	v2 =	vadd.f32 v8, v2;
	v8 =	vand.u32 $0xFFFF0000, v15;
	[tilespmem:s1+$0x470] =	vst v4;
	v4 =	vshll.u32 v15, $0x10  }
0x132: {  	[tilespmem:s1+$0x460] =	vst v1;
	v13 =	vshll.u32 v12, $0x10;
	v11 =	vand.u32 $0xFFFF0000, v12;
	v12 =	vld [tilespmem:s19+$0xFFFFFFF0];
	v1 =	vadd.f32 v8, v6  }
0x133: {  	v2 =	vadd.f32 v4, v2;
	v3 =	vadd.f32 v11, v3  }
0x134: {  	v10 =	vadd.f32 v13, v10;
	v6 =	vshll.u32 v5, $0x10;
	v5 =	vand.u32 $0xFFFF0000, v5  }
0x135: {  	[tilespmem:s9+$0x460] =	vst v0;
	v0 =	vadd.f32 v5, v3;
	v3 =	vshll.u32 v9, $0x10;
	v5 =	vshll.u32 v7, $0x10  }
0x136: {  	[tilespmem:s25+$0x470] =	vst v1;
	v1 =	vand.u32 $0xFFFF0000, v9;
	v7 =	vand.u32 $0xFFFF0000, v7;
	v3 =	vadd.f32 v5, v3  }
0x137: {  	[tilespmem:s25+$0x460] =	vst v2;
	v6 =	vadd.f32 v6, v10;
	v1 =	vadd.f32 v7, v1;
	v4 =	vshll.u32 v12, $0x10  }
0x138: {  	[tilespmem:s10+$0x470] =	vst v0;
	v0 =	vand.u32 $0xFFFF0000, v12;
	v3 =	vadd.f32 v4, v3  }
0x139: {  	s12 =	sadd.s32 s30, s31;
	[tilespmem:s10+$0x460] =	vst v6;
	v0 =	vadd.f32 v0, v1  }
0x13a: {  	s0 =	sshll.u32 s12, $0x5;
	[tilespmem:s26+$0x460] =	vst v3  }
0x13b: {  	p0 =	seq.s32 s29, $0x7C;
	s0 =	sadd.s32 s4, s0;
	s13 =	simm.s32 $0xC700;
	[tilespmem:s26+$0x470] =	vst v0  }
0x13c: {  	[hbm4b:s0+s7] =	stream.linear.scatter [tilespmem:s13], [sflag:$0x3], $0x2800, $0x38;
	[tilespmem:$0x11700] =	vst v63  }
0x13d: {  	s0 =	simm.s32 @!p0 $0x3  }
0x13e: {  	s1 =	sadd.s32 @!p0 $0x50, s31;
	_ =	swait.ge @!p0 [sflag:s0], $0x2800  }
0x13f: {  	s2 =	sadd.s32 @!p0 s30, s1;
	[sflag:s0] =	ssyncset.done @!p0 $0x0  }
0x140: {  	[sflag:s0] =	ssyncadd.s32 @!p0 $0xFFFFD800;
	s0 =	sshll.u32 @!p0 s2, $0x4;
	s2 =	rddreg [dreg:$0x4]  }
0x141: {  	s3 =	simm.s32 @!p0 $0x4F00;
	s0 =	sadd.s32 @!p0 s2, s0;
	s2 =	simm.s32 @!p0 $0x0  }
0x142: {  	[tilespmem:s3], [sflag:$0x1] =	stream.linear.gather @!p0 [hbm4b:s0+s2], $0x1400, $0x38;
	[tilespmem:$0x11700] =	vst v63  }
0x143: {  	s0 =	simm.s32 @!p0 $0x28;
	s2 =	simm.s32 @!p0 $0x7700;
	s3 =	rddreg [dreg:$0x5]  }
0x144: {  	[tilespmem:s2], [sflag:$0x1] =	stream.indirect.gather @!p0 [hbm4b:s3+s0], $0x80, s1, s0, $0xb8;
	[tilespmem:$0x11700] =	vst v63  }
0x145: {  	s1 =	sadd.s32 @!p0 $0x27D0, s31;
	s2 =	simm.s32 @!p0 $0x9F00;
	s3 =	rddreg [dreg:$0x6]  }
0x146: {  	[tilespmem:s2], [sflag:$0x1] =	stream.indirect.gather @!p0 [hbm4b:s3+s0], $0x80, s1, s0, $0xb8;
	[tilespmem:$0x11700] =	vst v63  }
0x147: {  	_ =	swait.ge [sflag:s23], $0x1400  }
0x148: {  	[sflag:s23] =	ssyncset.done $0x0  }
0x149: {  	[sflag:s23] =	ssyncadd.s32 $0xFFFFEC00  }
0x14a: {  	_ =	swait.ge [sflag:s23], $0x1400  }
0x14b: {  	[sflag:s23] =	ssyncset.done $0x0  }
0x14c: {  	[sflag:s23] =	ssyncadd.s32 $0xFFFFEC00  }
0x14d: {  	_ =	swait.ge [sflag:s23], $0x1400  }
0x14e: {  	[sflag:s23] =	ssyncset.done $0x0  }
0x14f: {  	s31 =	simm.s32 $0x8BF0;
	[sflag:s23] =	ssyncadd.s32 $0xFFFFEC00  }
0x150: {  	s0 =	simm.s32 $0xB3F0;
	v0 =	vld [tilespmem:s31+$0xFFFFFF90]  }
0x151: {  	v1 =	vld [tilespmem:s0+$0xFFFFFF90]  }
0x152: {  	s1 =	simm.s32 $0x63F0  }
0x153: {  	v2 =	vld [tilespmem:s1+$0xFFFFFF90];
	_ =	sdelay $0x2  }
0x154: {  	v3 =	vld [tilespmem:s0+$0xFFFFFF10];
	v4 =	vshll.u32 v0, $0x10;
	v5 =	vshll.u32 v1, $0x10  }
0x155: {  	s14 =	simm.s32 $0x0;
	v6 =	vld [tilespmem:s31+$0xFFFFFF10];
	v0 =	vand.u32 $0xFFFF0000, v0;
	v1 =	vand.u32 $0xFFFF0000, v1;
	v4 =	vadd.f32 v5, v4  }
0x156: {  	s15 =	sand.u32 $0x3800, s14;
	s18 =	sand.u32 $0x300, s14;
	v5 =	vshll.u32 v2, $0x10;
	v0 =	vadd.f32 v1, v0  }
0x157: {  	s6 =	sadd.s32 $0xEF00, s15;
	s5 =	sor.u32 $0x80, s18;
	v1 =	vld [tilespmem:s1+$0xFFFFFF10];
	v2 =	vand.u32 $0xFFFF0000, v2;
	v4 =	vadd.f32 v5, v4  }
0x158: {  	s24 =	sadd.s32 s5, s6;
	v0 =	vadd.f32 v2, v0  }
0x159: {  	[tilespmem:s24+$0x0] =	vst v4  }
0x15a: {  	v2 =	vshll.u32 v3, $0x10;
	v4 =	vshll.u32 v6, $0x10;
	[tilespmem:s24+$0x10] =	vst v0  }
0x15b: {  	v0 =	vand.u32 $0xFFFF0000, v3;
	v3 =	vand.u32 $0xFFFF0000, v6;
	v5 =	vld [tilespmem:s31+$0xFFFFFFA0];
	v2 =	vadd.f32 v2, v4  }
0x15c: {  	v4 =	vshll.u32 v1, $0x10;
	v6 =	vld [tilespmem:s0+$0xFFFFFFA0];
	v0 =	vadd.f32 v0, v3  }
0x15d: {  	v1 =	vand.u32 $0xFFFF0000, v1;
	v2 =	vadd.f32 v4, v2  }
0x15e: {  	s25 =	sadd.s32 s18, s6;
	v3 =	vld [tilespmem:s1+$0xFFFFFFA0];
	v0 =	vadd.f32 v1, v0  }
0x15f: {  	[tilespmem:s25+$0x0] =	vst v2  }
0x160: {  	[tilespmem:s25+$0x10] =	vst v0  }
0x161: {  	v0 =	vshll.u32 v5, $0x10;
	v1 =	vshll.u32 v6, $0x10;
	v2 =	vld [tilespmem:s31+$0xFFFFFF20]  }
0x162: {  	v4 =	vand.u32 $0xFFFF0000, v5;
	v5 =	vand.u32 $0xFFFF0000, v6;
	v0 =	vadd.f32 v1, v0;
	v1 =	vld [tilespmem:s0+$0xFFFFFF20]  }
0x163: {  	v6 =	vshll.u32 v3, $0x10;
	v4 =	vadd.f32 v5, v4  }
0x164: {  	v3 =	vand.u32 $0xFFFF0000, v3;
	v5 =	vld [tilespmem:s1+$0xFFFFFF20];
	v0 =	vadd.f32 v6, v0  }
0x165: {  	v3 =	vadd.f32 v3, v4  }
0x166: {  	[tilespmem:s24+$0x20] =	vst v0  }
0x167: {  	v0 =	vshll.u32 v2, $0x10;
	[tilespmem:s24+$0x30] =	vst v3;
	v3 =	vshll.u32 v1, $0x10  }
0x168: {  	v2 =	vand.u32 $0xFFFF0000, v2;
	v4 =	vld [tilespmem:s31+$0xFFFFFFB0];
	v1 =	vand.u32 $0xFFFF0000, v1;
	v0 =	vadd.f32 v3, v0  }
0x169: {  	v6 =	vld [tilespmem:s0+$0xFFFFFFB0];
	v3 =	vshll.u32 v5, $0x10;
	v1 =	vadd.f32 v1, v2  }
0x16a: {  	v2 =	vand.u32 $0xFFFF0000, v5;
	v0 =	vadd.f32 v3, v0  }
0x16b: {  	v3 =	vld [tilespmem:s1+$0xFFFFFFB0];
	v1 =	vadd.f32 v2, v1  }
0x16c: {  	[tilespmem:s25+$0x20] =	vst v0  }
0x16d: {  	[tilespmem:s25+$0x30] =	vst v1  }
0x16e: {  	v0 =	vshll.u32 v4, $0x10;
	v1 =	vshll.u32 v6, $0x10;
	v2 =	vld [tilespmem:s31+$0xFFFFFF30]  }
0x16f: {  	v4 =	vand.u32 $0xFFFF0000, v4;
	v5 =	vand.u32 $0xFFFF0000, v6;
	v0 =	vadd.f32 v1, v0;
	v1 =	vld [tilespmem:s0+$0xFFFFFF30]  }
0x170: {  	v4 =	vadd.f32 v5, v4;
	v6 =	vshll.u32 v3, $0x10  }
0x171: {  	v5 =	vld [tilespmem:s1+$0xFFFFFF30];
	v3 =	vand.u32 $0xFFFF0000, v3;
	v0 =	vadd.f32 v6, v0  }
0x172: {  	v3 =	vadd.f32 v3, v4  }
0x173: {  	[tilespmem:s24+$0x40] =	vst v0  }
0x174: {  	v0 =	vshll.u32 v2, $0x10;
	v4 =	vshll.u32 v1, $0x10;
	[tilespmem:s24+$0x50] =	vst v3  }
0x175: {  	v2 =	vand.u32 $0xFFFF0000, v2;
	v1 =	vand.u32 $0xFFFF0000, v1;
	v0 =	vadd.f32 v4, v0;
	v3 =	vld [tilespmem:s31+$0xFFFFFFC0]  }
0x176: {  	v4 =	vshll.u32 v5, $0x10;
	v1 =	vadd.f32 v1, v2;
	v2 =	vld [tilespmem:s0+$0xFFFFFFC0]  }
0x177: {  	v5 =	vand.u32 $0xFFFF0000, v5;
	v0 =	vadd.f32 v4, v0  }
0x178: {  	v1 =	vadd.f32 v5, v1;
	v4 =	vld [tilespmem:s1+$0xFFFFFFC0]  }
0x179: {  	[tilespmem:s25+$0x40] =	vst v0  }
0x17a: {  	[tilespmem:s25+$0x50] =	vst v1  }
0x17b: {  	v0 =	vld [tilespmem:s31+$0xFFFFFF40];
	v1 =	vshll.u32 v3, $0x10;
	v5 =	vshll.u32 v2, $0x10  }
0x17c: {  	v6 =	vld [tilespmem:s0+$0xFFFFFF40];
	v3 =	vand.u32 $0xFFFF0000, v3;
	v2 =	vand.u32 $0xFFFF0000, v2;
	v1 =	vadd.f32 v5, v1  }
0x17d: {  	s17 =	simm.s32 $0x8CF0;
	v5 =	vld [tilespmem:s1+$0xFFFFFF40];
	v2 =	vadd.f32 v2, v3;
	v7 =	vshll.u32 v4, $0x10  }
0x17e: {  	s16 =	simm.s32 $0xB4F0;
	v3 =	vld [tilespmem:s17+$0xFFFFFF90];
	v4 =	vand.u32 $0xFFFF0000, v4;
	v1 =	vadd.f32 v7, v1  }
0x17f: {  	s14 =	simm.s32 $0x64F0;
	v7 =	vld [tilespmem:s16+$0xFFFFFF90];
	v2 =	vadd.f32 v4, v2  }
0x180: {  	v9 =	vld [tilespmem:s14+$0xFFFFFF90];
	[tilespmem:s24+$0x60] =	vst v1  }
0x181: {  	v4 =	vld [tilespmem:s16+$0xFFFFFF10];
	v1 =	vshll.u32 v0, $0x10;
	v8 =	vshll.u32 v6, $0x10;
	[tilespmem:s24+$0x70] =	vst v2  }
0x182: {  	v0 =	vand.u32 $0xFFFF0000, v0;
	v2 =	vand.u32 $0xFFFF0000, v6;
	v1 =	vadd.f32 v8, v1;
	v6 =	vld [tilespmem:s31+$0xFFFFFFD0]  }
0x183: {  	v8 =	vshll.u32 v5, $0x10;
	v0 =	vadd.f32 v2, v0;
	v2 =	vand.u32 $0xFFFF0000, v5;
	v5 =	vld [tilespmem:s0+$0xFFFFFFD0]  }
0x184: {  	v1 =	vadd.f32 v8, v1;
	v8 =	vshll.u32 v3, $0x10;
	v10 =	vshll.u32 v7, $0x10  }
0x185: {  	s30 =	simm.s32 $0x100;
	s26 =	simm.s32 $0x200;
	v3 =	vand.u32 $0xFFFF0000, v3;
	v7 =	vand.u32 $0xFFFF0000, v7;
	v8 =	vadd.f32 v10, v8;
	v10 =	vld [tilespmem:s1+$0xFFFFFFD0]  }
0x186: {  	s4 =	sand.u32 $0x3800, s26;
	s7 =	sand.u32 $0x300, s30;
	v11 =	vshll.u32 v9, $0x10;
	v0 =	vadd.f32 v2, v0;
	v2 =	vld [tilespmem:s17+$0xFFFFFF10];
	v3 =	vadd.f32 v7, v3  }
0x187: {  	s19 =	sadd.s32 $0xEF00, s4;
	s20 =	sor.u32 $0x80, s7;
	v9 =	vand.u32 $0xFFFF0000, v9;
	v7 =	vshll.u32 v4, $0x10;
	v8 =	vadd.f32 v11, v8  }
0x188: {  	s22 =	sadd.s32 s20, s19;
	v11 =	vld [tilespmem:s14+$0xFFFFFF10];
	v3 =	vadd.f32 v9, v3;
	v9 =	vshll.u32 v6, $0x10;
	v12 =	vshll.u32 v5, $0x10  }
0x189: {  	v6 =	vand.u32 $0xFFFF0000, v6;
	v5 =	vand.u32 $0xFFFF0000, v5;
	[tilespmem:s22+$0x0] =	vst v8;
	v8 =	vadd.f32 v12, v9  }
0x18a: {  	v4 =	vand.u32 $0xFFFF0000, v4;
	v5 =	vadd.f32 v5, v6;
	[tilespmem:s22+$0x10] =	vst v3;
	v3 =	vshll.u32 v10, $0x10  }
0x18b: {  	s12 =	sadd.s32 $0xF300, s15;
	[tilespmem:s25+$0x60] =	vst v1;
	v1 =	vshll.u32 v2, $0x10;
	v6 =	vld [tilespmem:s17+$0xFFFFFFA0];
	v9 =	vand.u32 $0xFFFF0000, v10;
	v3 =	vadd.f32 v3, v8  }
0x18c: {  	s2 =	sadd.s32 s5, s12;
	[tilespmem:s25+$0x70] =	vst v0;
	v0 =	vand.u32 $0xFFFF0000, v2;
	v1 =	vadd.f32 v7, v1;
	v2 =	vld [tilespmem:s16+$0xFFFFFFA0];
	v5 =	vadd.f32 v9, v5  }
0x18d: {  	v7 =	vld [tilespmem:s31+$0xFFFFFF50];
	v0 =	vadd.f32 v4, v0;
	v8 =	vshll.u32 v11, $0x10;
	[tilespmem:s2+$0x0] =	vst v3  }
0x18e: {  	v4 =	vld [tilespmem:s14+$0xFFFFFFA0];
	v3 =	vand.u32 $0xFFFF0000, v11;
	v1 =	vadd.f32 v8, v1;
	[tilespmem:s2+$0x10] =	vst v5  }
0x18f: {  	s24 =	sadd.s32 s7, s19;
	v0 =	vadd.f32 v3, v0;
	v3 =	vld [tilespmem:s31+$0xFFFFFFE0]  }
0x190: {  	[tilespmem:s24+$0x0] =	vst v1;
	v1 =	vld [tilespmem:s0+$0xFFFFFFE0];
	v5 =	vshll.u32 v6, $0x10  }
0x191: {  	v8 =	vld [tilespmem:s1+$0xFFFFFFE0];
	v6 =	vand.u32 $0xFFFF0000, v6;
	[tilespmem:s24+$0x10] =	vst v0;
	v0 =	vshll.u32 v2, $0x10;
	v2 =	vand.u32 $0xFFFF0000, v2  }
0x192: {  	v0 =	vadd.f32 v0, v5;
	v5 =	vld [tilespmem:s17+$0xFFFFFF20];
	v2 =	vadd.f32 v2, v6  }
0x193: {  	v6 =	vshll.u32 v4, $0x10;
	v9 =	vld [tilespmem:s16+$0xFFFFFF20];
	v4 =	vand.u32 $0xFFFF0000, v4  }
0x194: {  	v10 =	vshll.u32 v7, $0x10;
	v0 =	vadd.f32 v6, v0;
	v2 =	vadd.f32 v4, v2  }
0x195: {  	v4 =	vld [tilespmem:s14+$0xFFFFFF20];
	v6 =	vshll.u32 v3, $0x10;
	v3 =	vand.u32 $0xFFFF0000, v3;
	v11 =	vshll.u32 v1, $0x10  }
0x196: {  	v12 =	vld [tilespmem:s0+$0xFFFFFF50];
	v1 =	vand.u32 $0xFFFF0000, v1;
	v6 =	vadd.f32 v11, v6;
	[tilespmem:s22+$0x20] =	vst v0;
	v0 =	vshll.u32 v8, $0x10  }
0x197: {  	v1 =	vadd.f32 v1, v3;
	[tilespmem:s22+$0x30] =	vst v2;
	v2 =	vand.u32 $0xFFFF0000, v8;
	v3 =	vshll.u32 v5, $0x10  }
0x198: {  	v11 =	vld [tilespmem:s1+$0xFFFFFF50];
	v5 =	vand.u32 $0xFFFF0000, v5;
	v0 =	vadd.f32 v0, v6;
	v6 =	vshll.u32 v9, $0x10  }
0x199: {  	v8 =	vld [tilespmem:s17+$0xFFFFFFB0];
	v1 =	vadd.f32 v2, v1;
	v2 =	vand.u32 $0xFFFF0000, v9;
	v3 =	vadd.f32 v6, v3  }
0x19a: {  	v7 =	vand.u32 $0xFFFF0000, v7;
	v6 =	vld [tilespmem:s16+$0xFFFFFFB0];
	v9 =	vshll.u32 v4, $0x10;
	[tilespmem:s2+$0x20] =	vst v0;
	v0 =	vadd.f32 v2, v5  }
0x19b: {  	v4 =	vand.u32 $0xFFFF0000, v4;
	v2 =	vshll.u32 v12, $0x10;
	v5 =	vld [tilespmem:s14+$0xFFFFFFB0];
	[tilespmem:s2+$0x30] =	vst v1;
	v1 =	vadd.f32 v9, v3  }
0x19c: {  	v3 =	vand.u32 $0xFFFF0000, v12;
	v2 =	vadd.f32 v2, v10;
	v9 =	vld [tilespmem:s31+$0xFFFFFFF0];
	v0 =	vadd.f32 v4, v0  }
0x19d: {  	v4 =	vshll.u32 v11, $0x10;
	v3 =	vadd.f32 v3, v7;
	v7 =	vld [tilespmem:s0+$0xFFFFFFF0];
	[tilespmem:s24+$0x20] =	vst v1  }
0x19e: {  	v10 =	vand.u32 $0xFFFF0000, v11;
	v1 =	vadd.f32 v4, v2;
	v4 =	vld [tilespmem:s1+$0xFFFFFFF0];
	[tilespmem:s24+$0x30] =	vst v0;
	v0 =	vshll.u32 v8, $0x10  }
0x19f: {  	v2 =	vshll.u32 v6, $0x10;
	v3 =	vadd.f32 v10, v3;
	v6 =	vand.u32 $0xFFFF0000, v6;
	v10 =	vld [tilespmem:s17+$0xFFFFFF30]  }
0x1a0: {  	s8 =	sadd.s32 s18, s12;
	v0 =	vadd.f32 v2, v0;
	v2 =	vand.u32 $0xFFFF0000, v8;
	v8 =	vld [tilespmem:s16+$0xFFFFFF30];
	v11 =	vshll.u32 v5, $0x10  }
0x1a1: {  	[tilespmem:s8+$0x0] =	vst v1;
	v1 =	vand.u32 $0xFFFF0000, v5;
	v2 =	vadd.f32 v6, v2;
	v5 =	vshll.u32 v9, $0x10  }
0x1a2: {  	[tilespmem:s8+$0x10] =	vst v3;
	v3 =	vld [tilespmem:s14+$0xFFFFFF30];
	v9 =	vand.u32 $0xFFFF0000, v9;
	v0 =	vadd.f32 v11, v0;
	v6 =	vshll.u32 v7, $0x10  }
0x1a3: {  	v11 =	vld [tilespmem:s31+$0xFFFFFF60];
	v7 =	vand.u32 $0xFFFF0000, v7;
	v5 =	vadd.f32 v6, v5;
	v1 =	vadd.f32 v1, v2  }
0x1a4: {  	v2 =	vld [tilespmem:s0+$0xFFFFFF60];
	v6 =	vshll.u32 v4, $0x10;
	v7 =	vadd.f32 v7, v9;
	v4 =	vand.u32 $0xFFFF0000, v4;
	[tilespmem:s22+$0x40] =	vst v0  }
0x1a5: {  	v0 =	vld [tilespmem:s1+$0xFFFFFF60];
	v9 =	vshll.u32 v10, $0x10;
	v5 =	vadd.f32 v6, v5;
	v6 =	vshll.u32 v8, $0x10;
	[tilespmem:s22+$0x50] =	vst v1  }
0x1a6: {  	v1 =	vand.u32 $0xFFFF0000, v10;
	v8 =	vand.u32 $0xFFFF0000, v8;
	v6 =	vadd.f32 v6, v9;
	v9 =	vld [tilespmem:s17+$0xFFFFFFC0]  }
0x1a7: {  	s26 =	simm.s32 $0x65F0;
	v4 =	vadd.f32 v4, v7;
	v7 =	vshll.u32 v3, $0x10;
	v1 =	vadd.f32 v8, v1;
	v8 =	vld [tilespmem:s16+$0xFFFFFFC0]  }
0x1a8: {  	v14 =	vld [tilespmem:s26+$0xFFFFFF90];
	v3 =	vand.u32 $0xFFFF0000, v3;
	[tilespmem:s2+$0x40] =	vst v5;
	v5 =	vadd.f32 v7, v6  }
0x1a9: {  	[tilespmem:s2+$0x50] =	vst v4;
	v4 =	vshll.u32 v11, $0x10;
	v1 =	vadd.f32 v3, v1;
	v3 =	vld [tilespmem:s14+$0xFFFFFFC0]  }
0x1aa: {  	v6 =	vand.u32 $0xFFFF0000, v11;
	v7 =	vshll.u32 v2, $0x10;
	v10 =	vld [tilespmem:s31+$0x0];
	v2 =	vand.u32 $0xFFFF0000, v2;
	[tilespmem:s24+$0x40] =	vst v5  }
0x1ab: {  	v4 =	vadd.f32 v7, v4;
	v7 =	vld [tilespmem:s0+$0x0];
	v2 =	vadd.f32 v2, v6;
	[tilespmem:s24+$0x50] =	vst v1  }
0x1ac: {  	v5 =	vshll.u32 v0, $0x10;
	v11 =	vld [tilespmem:s17+$0xFFFFFF40];
	v1 =	vshll.u32 v9, $0x10;
	v12 =	vshll.u32 v8, $0x10  }
0x1ad: {  	v13 =	vld [tilespmem:s16+$0xFFFFFF40];
	v9 =	vand.u32 $0xFFFF0000, v9;
	v8 =	vand.u32 $0xFFFF0000, v8;
	v1 =	vadd.f32 v12, v1  }
0x1ae: {  	s9 =	simm.s32 $0x8DF0;
	v0 =	vand.u32 $0xFFFF0000, v0;
	v6 =	vld [tilespmem:s14+$0xFFFFFF40];
	v8 =	vadd.f32 v8, v9;
	v12 =	vshll.u32 v3, $0x10  }
0x1af: {  	s25 =	simm.s32 $0xB5F0;
	v4 =	vadd.f32 v5, v4;
	v5 =	vld [tilespmem:s9+$0xFFFFFF90];
	v3 =	vand.u32 $0xFFFF0000, v3;
	v1 =	vadd.f32 v12, v1  }
0x1b0: {  	v17 =	vshll.u32 v14, $0x10;
	v0 =	vadd.f32 v0, v2;
	v9 =	vld [tilespmem:s25+$0xFFFFFF90];
	v3 =	vadd.f32 v3, v8  }
0x1b1: {  	v2 =	vshll.u32 v10, $0x10;
	v8 =	vand.u32 $0xFFFF0000, v10;
	v10 =	vshll.u32 v7, $0x10;
	[tilespmem:s22+$0x60] =	vst v1  }
0x1b2: {  	v12 =	vld [tilespmem:s25+$0xFFFFFF10];
	v1 =	vadd.f32 v10, v2;
	v2 =	vshll.u32 v11, $0x10;
	v10 =	vshll.u32 v13, $0x10;
	[tilespmem:s22+$0x70] =	vst v3  }
0x1b3: {  	v3 =	vand.u32 $0xFFFF0000, v11;
	v11 =	vand.u32 $0xFFFF0000, v13;
	v2 =	vadd.f32 v10, v2;
	v10 =	vld [tilespmem:s17+$0xFFFFFFD0]  }
0x1b4: {  	v13 =	vshll.u32 v6, $0x10;
	v6 =	vand.u32 $0xFFFF0000, v6;
	v3 =	vadd.f32 v11, v3;
	v11 =	vld [tilespmem:s16+$0xFFFFFFD0]  }
0x1b5: {  	v15 =	vshll.u32 v9, $0x10;
	v13 =	vadd.f32 v13, v2;
	v2 =	vshll.u32 v5, $0x10  }
0x1b6: {  	s18 =	simm.s32 $0x400;
	s19 =	simm.s32 $0x200;
	v9 =	vand.u32 $0xFFFF0000, v9;
	v16 =	vld [tilespmem:s14+$0xFFFFFFD0];
	v5 =	vand.u32 $0xFFFF0000, v5;
	v15 =	vadd.f32 v15, v2  }
0x1b7: {  	s12 =	sand.u32 $0x3800, s18;
	s13 =	sand.u32 $0x300, s19;
	[tilespmem:s8+$0x20] =	vst v4;
	v7 =	vand.u32 $0xFFFF0000, v7;
	v3 =	vadd.f32 v6, v3;
	v6 =	vld [tilespmem:s9+$0xFFFFFF10];
	v5 =	vadd.f32 v9, v5  }
0x1b8: {  	s15 =	sadd.s32 $0xEF00, s12;
	s28 =	sor.u32 $0x80, s13;
	[tilespmem:s8+$0x30] =	vst v0;
	v0 =	vld [tilespmem:s26+$0xFFFFFF10];
	v4 =	vshll.u32 v12, $0x10;
	v9 =	vand.u32 $0xFFFF0000, v14;
	v14 =	vadd.f32 v17, v15  }
0x1b9: {  	v55 =	vld [tilespmem:s31+$0xFFFFFF70];
	s22 =	sadd.s32 s28, s15;
	v5 =	vadd.f32 v9, v5;
	v9 =	vshll.u32 v10, $0x10;
	v15 =	vshll.u32 v11, $0x10  }
0x1ba: {  	v2 =	vld [tilespmem:s1+$0x0];
	v10 =	vand.u32 $0xFFFF0000, v10;
	v11 =	vand.u32 $0xFFFF0000, v11;
	v9 =	vadd.f32 v15, v9;
	[tilespmem:s22+$0x0] =	vst v14  }
0x1bb: {  	v12 =	vand.u32 $0xFFFF0000, v12;
	v10 =	vadd.f32 v11, v10;
	v14 =	vld [tilespmem:s0+$0xFFFFFF70];
	[tilespmem:s22+$0x10] =	vst v5;
	v5 =	vshll.u32 v16, $0x10  }
0x1bc: {  	s30 =	sadd.s32 $0xF300, s4;
	[tilespmem:s24+$0x60] =	vst v13;
	v15 =	vand.u32 $0xFFFF0000, v16;
	v11 =	vshll.u32 v6, $0x10;
	v13 =	vld [tilespmem:s9+$0xFFFFFFA0];
	v5 =	vadd.f32 v5, v9  }
0x1bd: {  	s10 =	sadd.s32 s20, s30;
	[tilespmem:s24+$0x70] =	vst v3;
	v3 =	vand.u32 $0xFFFF0000, v6;
	v4 =	vadd.f32 v4, v11;
	v6 =	vld [tilespmem:s25+$0xFFFFFFA0];
	v9 =	vadd.f32 v15, v10  }
0x1be: {  	v7 =	vadd.f32 v7, v8;
	v8 =	vld [tilespmem:s17+$0xFFFFFF50];
	v10 =	vshll.u32 v0, $0x10;
	v11 =	vadd.f32 v12, v3;
	[tilespmem:s10+$0x0] =	vst v5  }
0x1bf: {  	v3 =	vand.u32 $0xFFFF0000, v2;
	v0 =	vand.u32 $0xFFFF0000, v0;
	v4 =	vadd.f32 v10, v4;
	v5 =	vld [tilespmem:s26+$0xFFFFFFA0];
	[tilespmem:s10+$0x10] =	vst v9  }
0x1c0: {  	s20 =	sadd.s32 s13, s15;
	v3 =	vadd.f32 v3, v7;
	v0 =	vadd.f32 v0, v11;
	v7 =	vld [tilespmem:s17+$0xFFFFFFE0]  }
0x1c1: {  	v9 =	vshll.u32 v55, $0x10;
	v10 =	vand.u32 $0xFFFF0000, v55;
	v11 =	vshll.u32 v14, $0x10;
	[tilespmem:s20+$0x0] =	vst v4;
	v4 =	vld [tilespmem:s16+$0xFFFFFFE0]  }
0x1c2: {  	v15 =	vld [tilespmem:s14+$0xFFFFFFE0];
	v12 =	vand.u32 $0xFFFF0000, v14;
	[tilespmem:s20+$0x10] =	vst v0;
	v0 =	vshll.u32 v13, $0x10;
	v14 =	vshll.u32 v6, $0x10  }
0x1c3: {  	v13 =	vand.u32 $0xFFFF0000, v13;
	v6 =	vand.u32 $0xFFFF0000, v6;
	v18 =	vld [tilespmem:s26+$0xFFFFFF20];
	v0 =	vadd.f32 v14, v0  }
0x1c4: {  	v9 =	vadd.f32 v11, v9;
	v14 =	vld [tilespmem:s9+$0xFFFFFF20];
	v6 =	vadd.f32 v6, v13;
	v11 =	vshll.u32 v5, $0x10  }
0x1c5: {  	v56 =	vshll.u32 v8, $0x10;
	v13 =	vld [tilespmem:s25+$0xFFFFFF20];
	v5 =	vand.u32 $0xFFFF0000, v5;
	v0 =	vadd.f32 v11, v0  }
0x1c6: {  	v5 =	vadd.f32 v5, v6;
	v6 =	vshll.u32 v7, $0x10;
	v57 =	vshll.u32 v4, $0x10  }
0x1c7: {  	v11 =	vld [tilespmem:s16+$0xFFFFFF50];
	v7 =	vand.u32 $0xFFFF0000, v7;
	v4 =	vand.u32 $0xFFFF0000, v4;
	v6 =	vadd.f32 v57, v6  }
0x1c8: {  	v8 =	vand.u32 $0xFFFF0000, v8;
	[tilespmem:s22+$0x20] =	vst v0;
	v0 =	vshll.u32 v15, $0x10;
	v4 =	vadd.f32 v4, v7  }
0x1c9: {  	[tilespmem:s22+$0x30] =	vst v5;
	v5 =	vld [tilespmem:s14+$0xFFFFFF50];
	v15 =	vand.u32 $0xFFFF0000, v15;
	v59 =	vand.u32 $0xFFFF0000, v18;
	v0 =	vadd.f32 v0, v6  }
0x1ca: {  	v7 =	vshll.u32 v14, $0x10;
	v6 =	vshll.u32 v13, $0x10;
	v4 =	vadd.f32 v15, v4;
	v15 =	vld [tilespmem:s9+$0xFFFFFFB0]  }
0x1cb: {  	v14 =	vand.u32 $0xFFFF0000, v14;
	v13 =	vand.u32 $0xFFFF0000, v13;
	v6 =	vadd.f32 v6, v7;
	[tilespmem:s10+$0x20] =	vst v0;
	v0 =	vld [tilespmem:s25+$0xFFFFFFB0]  }
0x1cc: {  	v7 =	vshll.u32 v11, $0x10;
	v13 =	vadd.f32 v13, v14;
	v14 =	vshll.u32 v18, $0x10;
	[tilespmem:s10+$0x30] =	vst v4;
	v4 =	vld [tilespmem:s26+$0xFFFFFFB0]  }
0x1cd: {  	v11 =	vand.u32 $0xFFFF0000, v11;
	v7 =	vadd.f32 v7, v56;
	v6 =	vadd.f32 v14, v6;
	v14 =	vld [tilespmem:s17+$0xFFFFFFF0]  }
0x1ce: {  	v8 =	vadd.f32 v11, v8;
	v60 =	vshll.u32 v5, $0x10;
	v11 =	vadd.f32 v59, v13;
	v13 =	vld [tilespmem:s16+$0xFFFFFFF0]  }
0x1cf: {  	v58 =	vld [tilespmem:s1+$0xFFFFFF70];
	v10 =	vadd.f32 v12, v10;
	v5 =	vand.u32 $0xFFFF0000, v5;
	v7 =	vadd.f32 v60, v7;
	[tilespmem:s20+$0x20] =	vst v6  }
0x1d0: {  	s11 =	sadd.s32 s7, s30;
	v5 =	vadd.f32 v5, v8;
	[tilespmem:s20+$0x30] =	vst v11;
	v6 =	vshll.u32 v15, $0x10;
	v11 =	vld [tilespmem:s14+$0xFFFFFFF0];
	v8 =	vshll.u32 v0, $0x10  }
0x1d1: {  	v15 =	vand.u32 $0xFFFF0000, v15;
	[tilespmem:s11+$0x0] =	vst v7;
	v7 =	vld [tilespmem:s9+$0xFFFFFF30];
	v0 =	vand.u32 $0xFFFF0000, v0;
	v6 =	vadd.f32 v8, v6  }
0x1d2: {  	[tilespmem:s11+$0x10] =	vst v5;
	v5 =	vld [tilespmem:s25+$0xFFFFFF30];
	v8 =	vshll.u32 v4, $0x10;
	v4 =	vand.u32 $0xFFFF0000, v4;
	v0 =	vadd.f32 v0, v15  }
0x1d3: {  	v62 =	vshll.u32 v13, $0x10;
	v6 =	vadd.f32 v8, v6;
	v8 =	vshll.u32 v14, $0x10  }
0x1d4: {  	v63 =	vld [tilespmem:s26+$0xFFFFFF30];
	v13 =	vand.u32 $0xFFFF0000, v13;
	v14 =	vand.u32 $0xFFFF0000, v14;
	v8 =	vadd.f32 v62, v8  }
0x1d5: {  	v12 =	vld [tilespmem:s16+$0xFFFFFF60];
	v0 =	vadd.f32 v4, v0;
	v4 =	vshll.u32 v11, $0x10;
	v13 =	vadd.f32 v13, v14  }
0x1d6: {  	v61 =	vshll.u32 v58, $0x10;
	v15 =	vld [tilespmem:s17+$0xFFFFFF60];
	[tilespmem:s22+$0x40] =	vst v6;
	v6 =	vand.u32 $0xFFFF0000, v11;
	v4 =	vadd.f32 v4, v8  }
0x1d7: {  	v11 =	vshll.u32 v5, $0x10;
	[tilespmem:s22+$0x50] =	vst v0;
	v8 =	vshll.u32 v7, $0x10;
	v0 =	vadd.f32 v6, v13  }
0x1d8: {  	v5 =	vand.u32 $0xFFFF0000, v5;
	v6 =	vld [tilespmem:s14+$0xFFFFFF60];
	v7 =	vand.u32 $0xFFFF0000, v7;
	v8 =	vadd.f32 v11, v8;
	[tilespmem:s10+$0x40] =	vst v4  }
0x1d9: {  	v2 =	vshll.u32 v2, $0x10;
	v13 =	vld [tilespmem:s9+$0xFFFFFFC0];
	v11 =	vshll.u32 v63, $0x10;
	v5 =	vadd.f32 v5, v7;
	[tilespmem:s10+$0x50] =	vst v0  }
0x1da: {  	v2 =	vadd.f32 v2, v1;
	v7 =	vand.u32 $0xFFFF0000, v63;
	v8 =	vadd.f32 v11, v8;
	v11 =	vld [tilespmem:s17+$0x0]  }
0x1db: {  	v14 =	vshll.u32 v12, $0x10;
	v4 =	vshll.u32 v15, $0x10;
	v5 =	vadd.f32 v7, v5;
	v7 =	vld [tilespmem:s16+$0x0]  }
0x1dc: {  	v12 =	vand.u32 $0xFFFF0000, v12;
	v0 =	vand.u32 $0xFFFF0000, v15;
	v4 =	vadd.f32 v14, v4;
	v14 =	vld [tilespmem:s25+$0xFFFFFFC0]  }
0x1dd: {  	v16 =	vadd.f32 v61, v9;
	v12 =	vadd.f32 v12, v0;
	v0 =	vld [tilespmem:s14+$0x0];
	[tilespmem:s20+$0x40] =	vst v8;
	v8 =	vshll.u32 v6, $0x10  }
0x1de: {  	v9 =	vld [tilespmem:s26+$0xFFFFFFC0];
	v15 =	vand.u32 $0xFFFF0000, v58;
	v6 =	vand.u32 $0xFFFF0000, v6;
	[tilespmem:s20+$0x50] =	vst v5;
	v4 =	vadd.f32 v8, v4  }
0x1df: {  	[tilespmem:s2+$0x70] =	vst v3;
	v3 =	vadd.f32 v15, v10;
	v5 =	vadd.f32 v6, v12;
	v6 =	vld [tilespmem:s9+$0xFFFFFF40];
	v1 =	vshll.u32 v11, $0x10  }
0x1e0: {  	v8 =	vld [tilespmem:s25+$0xFFFFFF40];
	[tilespmem:s11+$0x20] =	vst v4;
	v4 =	vand.u32 $0xFFFF0000, v11;
	v10 =	vshll.u32 v7, $0x10;
	v11 =	vand.u32 $0xFFFF0000, v7  }
0x1e1: {  	v15 =	vand.u32 $0xFFFF0000, v13;
	[tilespmem:s11+$0x30] =	vst v5;
	v7 =	vld [tilespmem:s26+$0xFFFFFF40];
	v1 =	vadd.f32 v10, v1;
	v10 =	vadd.f32 v11, v4  }
0x1e2: {  	[tilespmem:s2+$0x60] =	vst v2;
	v12 =	vshll.u32 v13, $0x10;
	v13 =	vand.u32 $0xFFFF0000, v0;
	v4 =	vshll.u32 v14, $0x10;
	v5 =	vld [tilespmem:s17+$0xFFFFFF70]  }
0x1e3: {  	s3 =	simm.s32 $0x8EF0;
	[tilespmem:s8+$0x50] =	vst v3;
	v14 =	vand.u32 $0xFFFF0000, v14;
	v2 =	vld [tilespmem:s14+$0xFFFFFF70];
	v11 =	vadd.f32 v4, v12;
	v3 =	vadd.f32 v13, v10  }
0x1e4: {  	s15 =	simm.s32 $0x4;
	s24 =	simm.s32 $0x65F0;
	s2 =	simm.s32 $0xB5F0;
	[tilespmem:s8+$0x40] =	vst v16;
	v4 =	vld [tilespmem:s16+$0xFFFFFF70];
	v12 =	vadd.f32 v14, v15;
	v10 =	vshll.u32 v6, $0x10;
	v13 =	vshll.u32 v9, $0x10  }
.LBB2_5:
0x1e5: {  	v14 =	vld [tilespmem:s3+$0xFFFFFF90];
	v6 =	vand.u32 $0xFFFF0000, v6;
	v9 =	vand.u32 $0xFFFF0000, v9;
	v11 =	vadd.f32 v13, v11;
	s25 =	sadd.s32 $0x100, s25;
	[tilespmem:s10+$0x70] =	vst v3  }
0x1e6: {  	v3 =	vshll.u32 v8, $0x10;
	v8 =	vand.u32 $0xFFFF0000, v8;
	v13 =	vld [tilespmem:s25+$0xFFFFFF90];
	v9 =	vadd.f32 v9, v12  }
0x1e7: {  	s26 =	sadd.s32 $0x100, s26;
	v15 =	vshll.u32 v7, $0x10;
	v3 =	vadd.f32 v3, v10;
	v6 =	vadd.f32 v8, v6;
	v12 =	vld [tilespmem:s25+$0xFFFFFF10];
	[tilespmem:s22+$0x60] =	vst v11  }
0x1e8: {  	v7 =	vand.u32 $0xFFFF0000, v7;
	v8 =	vshll.u32 v5, $0x10;
	v5 =	vand.u32 $0xFFFF0000, v5;
	v10 =	vld [tilespmem:s26+$0xFFFFFF90];
	[tilespmem:s22+$0x70] =	vst v9  }
0x1e9: {  	v3 =	vadd.f32 v15, v3;
	v6 =	vadd.f32 v7, v6;
	v11 =	vshll.u32 v4, $0x10;
	v9 =	vld [tilespmem:s9+$0xFFFFFFD0]  }
0x1ea: {  	v4 =	vand.u32 $0xFFFF0000, v4;
	v7 =	vshll.u32 v2, $0x10;
	v8 =	vadd.f32 v11, v8;
	v15 =	vld [tilespmem:s2+$0xFFFFFFD0]  }
0x1eb: {  	v16 =	vshll.u32 v14, $0x10;
	v11 =	vld [tilespmem:s3+$0xFFFFFF10];
	v17 =	vshll.u32 v13, $0x10;
	[tilespmem:s20+$0x60] =	vst v3;
	v3 =	vadd.f32 v4, v5  }
0x1ec: {  	s18 =	sadd.s32 $0x200, s18;
	s19 =	sadd.s32 $0x100, s19;
	v4 =	vand.u32 $0xFFFF0000, v14;
	v5 =	vand.u32 $0xFFFF0000, v13;
	v13 =	vadd.f32 v17, v16;
	[tilespmem:s20+$0x70] =	vst v6;
	v6 =	vld [tilespmem:s24+$0xFFFFFFD0]  }
0x1ed: {  	s5 =	sand.u32 $0x3800, s18;
	s7 =	sand.u32 $0x300, s19;
	v16 =	vshll.u32 v12, $0x10;
	v4 =	vadd.f32 v5, v4;
	v14 =	vld [tilespmem:s26+$0xFFFFFF10];
	v17 =	vshll.u32 v10, $0x10  }
0x1ee: {  	s6 =	sadd.s32 $0xEF00, s5;
	s4 =	sor.u32 $0x80, s7;
	v5 =	vand.u32 $0xFFFF0000, v12;
	v10 =	vand.u32 $0xFFFF0000, v10;
	v12 =	vadd.f32 v17, v13;
	v13 =	vld [tilespmem:s9+$0xFFFFFF50]  }
0x1ef: {  	s22 =	sadd.s32 s4, s6;
	s20 =	sadd.s32 s7, s6;
	v4 =	vadd.f32 v10, v4;
	v17 =	vshll.u32 v9, $0x10;
	v10 =	vld [tilespmem:s2+$0xFFFFFF50];
	v18 =	vshll.u32 v15, $0x10  }
0x1f0: {  	v9 =	vand.u32 $0xFFFF0000, v9;
	v15 =	vand.u32 $0xFFFF0000, v15;
	[tilespmem:s22+$0x0] =	vst v12;
	v12 =	vld [tilespmem:s24+$0xFFFFFF50];
	v17 =	vadd.f32 v18, v17  }
0x1f1: {  	v18 =	vshll.u32 v11, $0x10;
	v9 =	vadd.f32 v15, v9;
	[tilespmem:s22+$0x10] =	vst v4;
	v19 =	vshll.u32 v6, $0x10;
	v4 =	vld [tilespmem:s31+$0xFFFFFF80];
	s31 =	smov.u32 s17;
	s17 =	smov.u32 s9;
	s9 =	smov.u32 s3  }
0x1f2: {  	s30 =	sadd.s32 $0xF300, s12;
	s12 =	smov.u32 s5;
	v11 =	vand.u32 $0xFFFF0000, v11;
	v6 =	vand.u32 $0xFFFF0000, v6;
	v15 =	vld [tilespmem:s3+$0xFFFFFFA0];
	v17 =	vadd.f32 v19, v17  }
0x1f3: {  	s5 =	sadd.s32 s28, s30;
	s6 =	sadd.s32 s13, s30;
	s13 =	smov.u32 s7;
	v16 =	vadd.f32 v16, v18;
	v19 =	vshll.u32 v14, $0x10;
	v6 =	vadd.f32 v6, v9;
	v18 =	vld [tilespmem:s25+$0xFFFFFFA0]  }
0x1f4: {  	v11 =	vadd.f32 v5, v11;
	v9 =	vand.u32 $0xFFFF0000, v14;
	v14 =	vshll.u32 v13, $0x10;
	[tilespmem:s5+$0x0] =	vst v17;
	v5 =	vld [tilespmem:s0+$0xFFFFFF80];
	s0 =	smov.u32 s16;
	s16 =	smov.u32 s2;
	s2 =	smov.u32 s25  }
0x1f5: {  	s28 =	smov.u32 s4;
	v16 =	vadd.f32 v19, v16;
	v13 =	vand.u32 $0xFFFF0000, v13;
	v19 =	vshll.u32 v10, $0x10;
	v17 =	vld [tilespmem:s26+$0xFFFFFFA0];
	[tilespmem:s5+$0x10] =	vst v6  }
0x1f6: {  	v6 =	vadd.f32 v9, v11;
	v9 =	vand.u32 $0xFFFF0000, v10;
	v10 =	vadd.f32 v19, v14;
	v11 =	vld [tilespmem:s17+$0xFFFFFFE0]  }
0x1f7: {  	v14 =	vshll.u32 v12, $0x10;
	v12 =	vand.u32 $0xFFFF0000, v12;
	v9 =	vadd.f32 v9, v13;
	[tilespmem:s20+$0x0] =	vst v16;
	v13 =	vld [tilespmem:s16+$0xFFFFFFE0]  }
0x1f8: {  	v16 =	vshll.u32 v15, $0x10;
	v10 =	vadd.f32 v14, v10;
	[tilespmem:s20+$0x10] =	vst v6;
	v19 =	vshll.u32 v18, $0x10;
	v6 =	vld [tilespmem:s1+$0xFFFFFF80];
	s1 =	smov.u32 s14;
	s14 =	smov.u32 s24;
	s24 =	smov.u32 s26  }
0x1f9: {  	v14 =	vand.u32 $0xFFFF0000, v15;
	v15 =	vand.u32 $0xFFFF0000, v18;
	v16 =	vadd.f32 v19, v16;
	v18 =	vld [tilespmem:s14+$0xFFFFFFE0]  }
0x1fa: {  	s15 =	sadd.s32 $0x2, s15;
	v9 =	vadd.f32 v12, v9;
	v14 =	vadd.f32 v15, v14;
	v19 =	vld [tilespmem:s3+$0xFFFFFF20];
	v20 =	vshll.u32 v17, $0x10;
	[tilespmem:s6+$0x0] =	vst v10  }
0x1fb: {  	p0 =	slt.u32 s15, $0x26;
	v2 =	vand.u32 $0xFFFF0000, v2;
	v12 =	vand.u32 $0xFFFF0000, v17;
	v10 =	vld [tilespmem:s25+$0xFFFFFF20];
	v15 =	vadd.f32 v20, v16  }
0x1fc: {  	v12 =	vadd.f32 v12, v14;
	v16 =	vld [tilespmem:s26+$0xFFFFFF20];
	[tilespmem:s6+$0x10] =	vst v9;
	v9 =	vshll.u32 v11, $0x10;
	v14 =	vshll.u32 v13, $0x10  }
0x1fd: {  	v11 =	vand.u32 $0xFFFF0000, v11;
	v13 =	vand.u32 $0xFFFF0000, v13;
	v17 =	vld [tilespmem:s17+$0xFFFFFF60];
	v9 =	vadd.f32 v14, v9  }
0x1fe: {  	v7 =	vadd.f32 v7, v8;
	v11 =	vadd.f32 v13, v11;
	[tilespmem:s22+$0x20] =	vst v15;
	v14 =	vld [tilespmem:s16+$0xFFFFFF60];
	v15 =	vshll.u32 v18, $0x10  }
0x1ff: {  	v13 =	vand.u32 $0xFFFF0000, v18;
	v8 =	vshll.u32 v19, $0x10;
	[tilespmem:s22+$0x30] =	vst v12;
	v12 =	vld [tilespmem:s14+$0xFFFFFF60];
	v9 =	vadd.f32 v15, v9  }
0x200: {  	v15 =	vand.u32 $0xFFFF0000, v19;
	v11 =	vadd.f32 v13, v11;
	v18 =	vshll.u32 v10, $0x10;
	v19 =	vld [tilespmem:s3+$0xFFFFFFB0];
	[tilespmem:s11+$0x40] =	vst v7  }
0x201: {  	v7 =	vand.u32 $0xFFFF0000, v10;
	v10 =	vshll.u32 v16, $0x10;
	v8 =	vadd.f32 v18, v8;
	v13 =	vld [tilespmem:s25+$0xFFFFFFB0];
	[tilespmem:s5+$0x20] =	vst v9  }
0x202: {  	v9 =	vand.u32 $0xFFFF0000, v16;
	v7 =	vadd.f32 v7, v15;
	v15 =	vld [tilespmem:s26+$0xFFFFFFB0];
	v16 =	vshll.u32 v17, $0x10;
	[tilespmem:s5+$0x30] =	vst v11  }
0x203: {  	v8 =	vadd.f32 v10, v8;
	v10 =	vand.u32 $0xFFFF0000, v17;
	v11 =	vshll.u32 v14, $0x10;
	v17 =	vld [tilespmem:s17+$0xFFFFFFF0]  }
0x204: {  	v7 =	vadd.f32 v9, v7;
	v9 =	vand.u32 $0xFFFF0000, v14;
	v11 =	vadd.f32 v11, v16;
	v14 =	vld [tilespmem:s16+$0xFFFFFFF0]  }
0x205: {  	v9 =	vadd.f32 v9, v10;
	[tilespmem:s20+$0x20] =	vst v8;
	v8 =	vshll.u32 v12, $0x10;
	v12 =	vand.u32 $0xFFFF0000, v12  }
0x206: {  	[tilespmem:s20+$0x30] =	vst v7;
	v7 =	vshll.u32 v19, $0x10;
	v10 =	vshll.u32 v13, $0x10;
	v8 =	vadd.f32 v8, v11;
	v11 =	vld [tilespmem:s14+$0xFFFFFFF0]  }
0x207: {  	v18 =	vand.u32 $0xFFFF0000, v19;
	v13 =	vand.u32 $0xFFFF0000, v13;
	v16 =	vld [tilespmem:s3+$0xFFFFFF30];
	v7 =	vadd.f32 v10, v7  }
0x208: {  	v19 =	vshll.u32 v15, $0x10;
	v15 =	vand.u32 $0xFFFF0000, v15;
	v13 =	vadd.f32 v13, v18;
	v10 =	vld [tilespmem:s25+$0xFFFFFF30];
	[tilespmem:s6+$0x20] =	vst v8  }
0x209: {  	v18 =	vshll.u32 v17, $0x10;
	v8 =	vld [tilespmem:s26+$0xFFFFFF30];
	v7 =	vadd.f32 v19, v7;
	v19 =	vshll.u32 v14, $0x10  }
0x20a: {  	v17 =	vand.u32 $0xFFFF0000, v17;
	v14 =	vand.u32 $0xFFFF0000, v14;
	v18 =	vadd.f32 v19, v18  }
0x20b: {  	v13 =	vadd.f32 v15, v13;
	v14 =	vadd.f32 v14, v17;
	v15 =	vshll.u32 v11, $0x10  }
0x20c: {  	v17 =	vshll.u32 v16, $0x10;
	[tilespmem:s22+$0x40] =	vst v7;
	v7 =	vand.u32 $0xFFFF0000, v11;
	v11 =	vadd.f32 v15, v18  }
0x20d: {  	v15 =	vand.u32 $0xFFFF0000, v16;
	v16 =	vshll.u32 v10, $0x10;
	[tilespmem:s22+$0x50] =	vst v13;
	v7 =	vadd.f32 v7, v14  }
0x20e: {  	v10 =	vand.u32 $0xFFFF0000, v10;
	v13 =	vshll.u32 v8, $0x10;
	v14 =	vadd.f32 v16, v17;
	[tilespmem:s5+$0x40] =	vst v11  }
0x20f: {  	v9 =	vadd.f32 v12, v9;
	v8 =	vand.u32 $0xFFFF0000, v8;
	v10 =	vadd.f32 v10, v15;
	v11 =	vld [tilespmem:s3+$0xFFFFFFC0];
	[tilespmem:s5+$0x50] =	vst v7  }
0x210: {  	v2 =	vadd.f32 v2, v3;
	v3 =	vshll.u32 v4, $0x10;
	v7 =	vadd.f32 v13, v14;
	v12 =	vld [tilespmem:s17+$0x0]  }
0x211: {  	v4 =	vand.u32 $0xFFFF0000, v4;
	v8 =	vadd.f32 v8, v10;
	[tilespmem:s6+$0x30] =	vst v9;
	v10 =	vld [tilespmem:s16+$0x0];
	v9 =	vshll.u32 v5, $0x10  }
0x212: {  	v5 =	vand.u32 $0xFFFF0000, v5;
	[tilespmem:s20+$0x40] =	vst v7;
	v13 =	vld [tilespmem:s25+$0xFFFFFFC0];
	v7 =	vshll.u32 v6, $0x10;
	v3 =	vadd.f32 v9, v3  }
0x213: {  	v14 =	vand.u32 $0xFFFF0000, v6;
	v4 =	vadd.f32 v5, v4;
	[tilespmem:s20+$0x50] =	vst v8;
	v8 =	vshll.u32 v0, $0x10;
	v0 =	vld [tilespmem:s14+$0x0]  }
0x214: {  	v6 =	vld [tilespmem:s3+$0xFFFFFF40];
	[tilespmem:s11+$0x50] =	vst v2;
	v2 =	vadd.f32 v8, v1;
	v1 =	vadd.f32 v7, v3  }
0x215: {  	v4 =	vadd.f32 v14, v4;
	v9 =	vld [tilespmem:s26+$0xFFFFFFC0];
	v3 =	vshll.u32 v12, $0x10  }
.Ltmp1:
0x216: {  	v5 =	vand.u32 $0xFFFF0000, v12;
	v8 =	vld [tilespmem:s25+$0xFFFFFF40];
	v12 =	vshll.u32 v10, $0x10;
	v10 =	vand.u32 $0xFFFF0000, v10;
	[tilespmem:s8+$0x60] =	vst v1;
	(pc) =	sbr.rel @p0 .LBB2_5-.Ltmp1, $4  }
0x217: {  	v14 =	vshll.u32 v11, $0x10;
	v7 =	vld [tilespmem:s26+$0xFFFFFF40];
	v1 =	vadd.f32 v12, v3;
	v3 =	vadd.f32 v10, v5;
	[tilespmem:s8+$0x70] =	vst v4;
	s8 =	smov.u32 s11;
	s11 =	smov.u32 s6  }
0x218: {  	v12 =	vand.u32 $0xFFFF0000, v11;
	v4 =	vshll.u32 v13, $0x10;
	v5 =	vld [tilespmem:s17+$0xFFFFFF70];
	v10 =	vand.u32 $0xFFFF0000, v0;
	[tilespmem:s10+$0x60] =	vst v2;
	s10 =	smov.u32 s5  }
0x219: {  	v2 =	vand.u32 $0xFFFF0000, v13;
	v11 =	vadd.f32 v4, v14;
	v4 =	vld [tilespmem:s16+$0xFFFFFF70];
	v3 =	vadd.f32 v10, v3  }
0x21a: {  	s3 =	sadd.s32 $0x100, s3;
	v10 =	vshll.u32 v6, $0x10;
	v12 =	vadd.f32 v2, v12;
	v13 =	vshll.u32 v9, $0x10;
	v2 =	vld [tilespmem:s14+$0xFFFFFF70]  }
0x21b: {  	v9 =	vand.u32 $0xFFFF0000, v9;
	v11 =	vadd.f32 v13, v11  }
0x21c: {  	v6 =	vand.u32 $0xFFFF0000, v6;
	v27 =	vand.u32 $0xFFFF0000, v8;
	v9 =	vadd.f32 v9, v12  }
0x21d: {  	v26 =	vshll.u32 v8, $0x10;
	v6 =	vadd.f32 v27, v6;
	[tilespmem:s22+$0x60] =	vst v11  }
0x21e: {  	v30 =	vand.u32 $0xFFFF0000, v7;
	[tilespmem:s22+$0x70] =	vst v9;
	v9 =	vadd.f32 v26, v10  }
0x21f: {  	v29 =	vshll.u32 v7, $0x10;
	v6 =	vadd.f32 v30, v6;
	v11 =	vld [tilespmem:s9+$0xFFFFFFD0]  }
0x220: {  	v28 =	vld [tilespmem:s2+$0xFFFFFFD0];
	v31 =	vadd.f32 v29, v9  }
0x221: {  	[tilespmem:s20+$0x70] =	vst v6  }
0x222: {  	v32 =	vld [tilespmem:s24+$0xFFFFFFD0];
	[tilespmem:s20+$0x60] =	vst v31  }
0x223: {  	v8 =	vld [tilespmem:s9+$0xFFFFFF50]  }
0x224: {  	v35 =	vld [tilespmem:s2+$0xFFFFFF50]  }
0x225: {  	v33 =	vshll.u32 v11, $0x10;
	v34 =	vshll.u32 v28, $0x10  }
0x226: {  	v37 =	vld [tilespmem:s24+$0xFFFFFF50];
	v11 =	vand.u32 $0xFFFF0000, v11;
	v10 =	vand.u32 $0xFFFF0000, v28;
	v6 =	vadd.f32 v34, v33  }
0x227: {  	v36 =	vshll.u32 v32, $0x10;
	v10 =	vadd.f32 v10, v11  }
0x228: {  	s4 =	sadd.s32 $0xF300, s12;
	v9 =	vand.u32 $0xFFFF0000, v32;
	v6 =	vadd.f32 v36, v6  }
0x229: {  	s3 =	sadd.s32 s28, s4;
	v9 =	vadd.f32 v9, v10;
	v38 =	vshll.u32 v8, $0x10;
	v39 =	vshll.u32 v35, $0x10  }
0x22a: {  	v8 =	vand.u32 $0xFFFF0000, v8;
	v7 =	vand.u32 $0xFFFF0000, v35;
	[tilespmem:s3+$0x0] =	vst v6;
	v6 =	vadd.f32 v39, v38  }
0x22b: {  	v42 =	vshll.u32 v37, $0x10;
	[tilespmem:s3+$0x10] =	vst v9;
	v7 =	vadd.f32 v7, v8  }
0x22c: {  	v43 =	vand.u32 $0xFFFF0000, v37;
	v40 =	vld [tilespmem:s9+$0xFFFFFFE0];
	v6 =	vadd.f32 v42, v6  }
0x22d: {  	s5 =	sadd.s32 s13, s4;
	v41 =	vld [tilespmem:s2+$0xFFFFFFE0];
	v7 =	vadd.f32 v43, v7  }
0x22e: {  	[tilespmem:s5+$0x0] =	vst v6  }
0x22f: {  	v44 =	vld [tilespmem:s24+$0xFFFFFFE0];
	[tilespmem:s5+$0x10] =	vst v7  }
0x230: {  	v47 =	vld [tilespmem:s9+$0xFFFFFF60]  }
0x231: {  	v48 =	vld [tilespmem:s2+$0xFFFFFF60]  }
0x232: {  	v45 =	vshll.u32 v40, $0x10;
	v46 =	vshll.u32 v41, $0x10  }
0x233: {  	v51 =	vld [tilespmem:s24+$0xFFFFFF60];
	v10 =	vand.u32 $0xFFFF0000, v40;
	v9 =	vand.u32 $0xFFFF0000, v41;
	v6 =	vadd.f32 v46, v45  }
0x234: {  	v49 =	vshll.u32 v44, $0x10;
	v9 =	vadd.f32 v9, v10  }
0x235: {  	v50 =	vand.u32 $0xFFFF0000, v44;
	v6 =	vadd.f32 v49, v6  }
0x236: {  	v9 =	vadd.f32 v50, v9;
	v52 =	vshll.u32 v47, $0x10;
	v53 =	vshll.u32 v48, $0x10  }
0x237: {  	v8 =	vand.u32 $0xFFFF0000, v47;
	v7 =	vand.u32 $0xFFFF0000, v48;
	[tilespmem:s3+$0x20] =	vst v6;
	v6 =	vadd.f32 v53, v52  }
0x238: {  	v61 =	vld [tilespmem:s31+$0xFFFFFF80];
	v56 =	vshll.u32 v51, $0x10;
	[tilespmem:s3+$0x30] =	vst v9;
	v7 =	vadd.f32 v7, v8  }
0x239: {  	v57 =	vand.u32 $0xFFFF0000, v51;
	v54 =	vld [tilespmem:s9+$0xFFFFFFF0];
	v6 =	vadd.f32 v56, v6  }
0x23a: {  	v55 =	vld [tilespmem:s2+$0xFFFFFFF0];
	v7 =	vadd.f32 v57, v7  }
0x23b: {  	v63 =	vld [tilespmem:s0+$0xFFFFFF80];
	v60 =	vand.u32 $0xFFFF0000, v5;
	v21 =	vand.u32 $0xFFFF0000, v4;
	[tilespmem:s5+$0x20] =	vst v6  }
0x23c: {  	v62 =	vshll.u32 v4, $0x10;
	v4 =	vadd.f32 v21, v60;
	v58 =	vld [tilespmem:s24+$0xFFFFFFF0];
	[tilespmem:s5+$0x30] =	vst v7  }
0x23d: {  	v59 =	vshll.u32 v5, $0x10;
	v25 =	vshll.u32 v2, $0x10;
	v28 =	vand.u32 $0xFFFF0000, v2;
	v20 =	vld [tilespmem:s9+$0xFFFFFF70]  }
0x23e: {  	v30 =	vshll.u32 v61, $0x10;
	v2 =	vadd.f32 v28, v4;
	v6 =	vadd.f32 v62, v59;
	v23 =	vld [tilespmem:s2+$0xFFFFFF70]  }
0x23f: {  	v14 =	vshll.u32 v54, $0x10;
	v15 =	vshll.u32 v55, $0x10;
	v18 =	vand.u32 $0xFFFF0000, v54  }
0x240: {  	v27 =	vld [tilespmem:s24+$0xFFFFFF70];
	v9 =	vand.u32 $0xFFFF0000, v55;
	v6 =	vadd.f32 v25, v6;
	v19 =	vadd.f32 v15, v14  }
0x241: {  	v13 =	vand.u32 $0xFFFF0000, v63;
	[tilespmem:s11+$0x50] =	vst v2;
	v22 =	vshll.u32 v58, $0x10;
	v7 =	vadd.f32 v9, v18  }
0x242: {  	v29 =	vld [tilespmem:s1+$0xFFFFFF80];
	v31 =	vand.u32 $0xFFFF0000, v61;
	v24 =	vand.u32 $0xFFFF0000, v58;
	[tilespmem:s11+$0x40] =	vst v6;
	v10 =	vadd.f32 v22, v19  }
0x243: {  	v26 =	vadd.f32 v24, v7;
	v38 =	vld [tilespmem:s17+$0xFFFFFF80];
	v33 =	vshll.u32 v20, $0x10;
	v34 =	vshll.u32 v23, $0x10  }
0x244: {  	v39 =	vld [tilespmem:s16+$0xFFFFFF80];
	v14 =	vand.u32 $0xFFFF0000, v20;
	v9 =	vand.u32 $0xFFFF0000, v23;
	[tilespmem:s3+$0x40] =	vst v10;
	v12 =	vadd.f32 v34, v33  }
0x245: {  	v5 =	vadd.f32 v13, v31;
	v44 =	vld [tilespmem:s14+$0xFFFFFF80];
	v37 =	vshll.u32 v27, $0x10;
	[tilespmem:s3+$0x50] =	vst v26;
	v9 =	vadd.f32 v9, v14  }
0x246: {  	v32 =	vshll.u32 v63, $0x10;
	v7 =	vand.u32 $0xFFFF0000, v27;
	v10 =	vld [tilespmem:s9+$0x0];
	v2 =	vadd.f32 v37, v12  }
0x247: {  	v0 =	vshll.u32 v0, $0x10;
	v4 =	vadd.f32 v32, v30;
	v35 =	vld [tilespmem:s2+$0x0];
	v7 =	vadd.f32 v7, v9  }
0x248: {  	v0 =	vadd.f32 v0, v1;
	v40 =	vshll.u32 v29, $0x10;
	v8 =	vand.u32 $0xFFFF0000, v29;
	[tilespmem:s5+$0x40] =	vst v2  }
0x249: {  	v41 =	vadd.f32 v40, v4;
	v43 =	vadd.f32 v8, v5;
	v36 =	vld [tilespmem:s24+$0x0];
	[tilespmem:s5+$0x50] =	vst v7  }
0x24a: {  	v50 =	vshll.u32 v38, $0x10;
	v51 =	vshll.u32 v39, $0x10;
	v52 =	vand.u32 $0xFFFF0000, v38;
	v47 =	vld [tilespmem:s9+$0xFFFFFF80]  }
0x24b: {  	v53 =	vand.u32 $0xFFFF0000, v39;
	v56 =	vshll.u32 v44, $0x10;
	v5 =	vand.u32 $0xFFFF0000, v44;
	v48 =	vld [tilespmem:s2+$0xFFFFFF80]  }
0x24c: {  	[tilespmem:s10+$0x70] =	vst v3;
	v3 =	vadd.f32 v53, v52;
	v45 =	vand.u32 $0xFFFF0000, v10;
	v6 =	vand.u32 $0xFFFF0000, v35  }
0x24d: {  	v54 =	vld [tilespmem:s24+$0xFFFFFF80];
	v42 =	vshll.u32 v10, $0x10;
	v46 =	vshll.u32 v35, $0x10;
	v6 =	vadd.f32 v6, v45  }
0x24e: {  	[tilespmem:s10+$0x60] =	vst v0;
	v49 =	vand.u32 $0xFFFF0000, v36;
	v10 =	vadd.f32 v51, v50;
	v58 =	vadd.f32 v5, v3  }
0x24f: {  	[tilespmem:s8+$0x60] =	vst v41;
	v57 =	vshll.u32 v36, $0x10;
	v2 =	vadd.f32 v46, v42;
	v55 =	vadd.f32 v49, v6  }
0x250: {  	[tilespmem:s8+$0x70] =	vst v43;
	v6 =	vadd.f32 v56, v10;
	v59 =	vshll.u32 v47, $0x10;
	v60 =	vshll.u32 v48, $0x10  }
0x251: {  	[tilespmem:s11+$0x70] =	vst v58;
	v2 =	vadd.f32 v57, v2;
	v3 =	vadd.f32 v60, v59  }
0x252: {  	v61 =	vand.u32 $0xFFFF0000, v47;
	v7 =	vand.u32 $0xFFFF0000, v48;
	v62 =	vshll.u32 v54, $0x10;
	[tilespmem:s3+$0x70] =	vst v55  }
0x253: {  	s29 =	sadd.s32 $0x1, s29;
	[tilespmem:s11+$0x60] =	vst v6;
	v1 =	vadd.f32 v7, v61;
	v3 =	vadd.f32 v62, v3  }
0x254: {  	p0 =	sne.s32 s29, $0x7D;
	v63 =	vand.u32 $0xFFFF0000, v54;
	[tilespmem:s3+$0x60] =	vst v2  }
.Ltmp2:
0x255: {  	v0 =	vadd.f32 v63, v1;
	[tilespmem:s5+$0x60] =	vst v3;
	(pc) =	sbr.rel @p0 .LBB2_2-.Ltmp2, $4  }
0x256: {  	s28 =	rddreg [dreg:$0xc]  }
0x257: {  	s7 =	simm.s32 $0x0;
	s4 =	rddreg [dreg:$0x1];
	[tilespmem:s5+$0x70] =	vst v0;
	s0 =	sshll.u32 s28, $0x5  }
0x258: {  	s31 =	simm.s32 $0xEF00;
	s30 =	rddreg [dreg:$0x3];
	s0 =	sadd.s32 s4, s0  }
0x259: {  	[hbm4b:s0+s7] =	stream.linear.scatter [tilespmem:s31], [sflag:$0x4], $0x2800, $0x38;
	[tilespmem:$0x11700] =	vst v63  }
0x25a: {  	s0 =	simm.s32 $0x3  }
0x25b: {  	_ =	swait.ge [sflag:s0], $0x2800  }
0x25c: {  	[sflag:s0] =	ssyncset.done $0x0  }
0x25d: {  	s1 =	simm.s32 $0x4;
	[sflag:s0] =	ssyncadd.s32 $0xFFFFD800  }
0x25e: {  	_ =	swait.ge [sflag:s1], $0x2800  }
0x25f: {  	s2 =	rddreg [dreg:$0xb]  }
0x260: {  	s31 =	rddreg [dreg:$0xa];
	s2 =	sadd.s32 $0x1, s2  }
0x261: {  	p0 =	sne.s32 s2, s31  }
.Ltmp3:
0x262: {  	_ = 	snop;
	(pc) =	sbr.rel @p0 .LBB2_1-.Ltmp3, $3  }
0x263: {  	_ =	sdelay $0x1  }
0x264: {  	[sflag:s1] =	ssyncset.done $0x0  }
0x265: {  	[sflag:s1] =	ssyncadd.s32 $0xFFFFD800  }
0x266: {  	_ =	sfence.sel $0x180000  }
0x267: {  	[bflag:$0x0] =	sbarrier.arrive $0xFFFF  }
0x268: {  	_ =	strace $0x90000047  }
0x269: {  	s0 =	stileid.u32;
	[bflag:$0x2] =	sbarrier.arrive $0xFFFF  }
0x26a: {  	p0 =	sne.s32 s0, $0x0;
	s0 =	rddreg [dreg:$0x2]  }
0x26b: {  	s0 =	sadd.s32 @!p0 $0x100000, s0  }
0x26c: {  	[sflag:s0] =	ssyncadd.tile.s32 @!p0 $0x1;
	_ =	shalt  }
.Lfunc_end2:
_tile_overlayer_lowered:
.L_overlay_start_2:
0x26d: {  	(tag) =	ssettag $0x2  }
0x26e: {  	s0 =	rddreg [dreg:$0x0];
	s2 =	stileid.u32  }
0x26f: {  	s1 =	rddreg [dreg:$0x1];
	p0 =	sne.s32 s2, $0x0  }
0x270: {  	s3 =	rddreg [dreg:$0x2];
	[bflag:$0x3] =	sbarrier.arrive $0xFFFF;
	s2 =	simm.s32 @!p0 $0x1C05  }
0x271: {  	[timem:s3], [sflag:s2] =	dma.local @!p0 [hbm:s0], s1  }
0x272: {  	s0 =	simm.s32 @!p0 $0x5  }
0x273: {  	_ =	swait.ge @!p0 [sflag:s0], s1  }
0x274: {  	s1 =	ssub.s32 @!p0 $0x0, s1;
	[sflag:s0] =	ssyncset.done @!p0 $0x0  }
0x275: {  	[sflag:s0] =	ssyncadd.s32 @!p0 s1  }
0x276: {  	[bflag:$0x3] =	sbarrier.arrive $0xFFFF  }
0x277: {  	_ =	shalt  }

</sc_bundles>
